<compile_context>
chip_gen: v7x
topology: tpu7x:2x2x1
jax: 0.10.2.dev20260603
libtpu: 0.0.44.dev20260713+nightly
codegen_flags: <defaults>
</compile_context>

<pallas_src>
import functools
import jax
import jax.numpy as jnp
from jax import lax
from jax.experimental import pallas as pl
from jax.experimental.pallas import tpu as pltpu
from jax.experimental.pallas import tpu_sc as plsc

D_MODEL = 64
SCALE = 8.0

NC = 2
NS = 16
NW = NC * NS

N_T = 200
CHUNK = 128
N_B1 = 4096 // CHUNK

NI = 4
NO = 4


def _emb_body(idx_hbm, table_hbm, out_hbm, idx_v, in_v, out_v, gsem, osem):
    w = lax.axis_index("s") * NC + lax.axis_index("c")

    pltpu.sync_copy(idx_hbm.at[w], idx_v)

    def gather(t, bi):
        return pltpu.async_copy(
            table_hbm.at[idx_v.at[t]],
            in_v.at[pl.ds(bi * CHUNK, CHUNK)],
            gsem.at[bi],
        )

    def wait_gather(t, bi):
        pltpu.make_async_copy(
            table_hbm.at[idx_v.at[t]],
            in_v.at[pl.ds(bi * CHUNK, CHUNK)],
            gsem.at[bi],
        ).wait()

    def writeback(t, bo):
        for ft in range(8):
            pltpu.async_copy(
                out_v.at[pl.ds(bo * D_MODEL + 8 * ft, 8), pl.ds(0, CHUNK)],
                out_hbm.at[t, ft, w],
                osem.at[bo],
            )

    def wait_writeback(bo):
        for ft in range(8):
            pltpu.make_async_copy(
                out_v.at[pl.ds(0, 8), pl.ds(0, CHUNK)],
                out_hbm.at[0, 0, w],
                osem.at[bo],
            ).wait()

    for b in range(NI):
        gather(b, b)

    iota = lax.iota(jnp.int32, 16)

    def step(t, _):
        bi = lax.rem(t, NI)
        bo = lax.rem(t, NO)
        wait_gather(t, bi)

        @pl.when(t >= NO)
        def _():
            wait_writeback(bo)

        in_base = bi * CHUNK
        out_base = bo * D_MODEL

        @plsc.parallel_loop(0, CHUNK, step=4, unroll=2)
        def do_row(c0):
            rows = [
                [in_v[in_base + c0 + cr, pl.ds(16 * k, 16)] * SCALE
                 for k in range(D_MODEL // 16)]
                for cr in range(4)
            ]
            for cr in range(4):
                csplat = jnp.full((16,), c0 + cr, jnp.int32)
                for k in range(D_MODEL // 16):
                    plsc.store_scatter(
                        out_v, [out_base + 16 * k + iota, csplat], rows[cr][k]
                    )
        writeback(t, bo)

        @pl.when(t + NI < N_T)
        def _():
            gather(t + NI, bi)

        return ()

    lax.fori_loop(0, N_T, step, ())

    for t in range(N_T - NO, N_T):
        wait_writeback(t % NO)


@jax.jit
def _emb_call(idx, weight):
    mesh = plsc.VectorSubcoreMesh(
        core_axis_name="c", subcore_axis_name="s", num_cores=NC, num_subcores=NS
    )
    fn = pl.kernel(
        _emb_body,
        out_type=jax.ShapeDtypeStruct((N_T, 8, N_B1, 8, CHUNK), jnp.float32),
        mesh=mesh,
        scratch_types=[
            pltpu.VMEM((N_T, CHUNK), jnp.int32),
            pltpu.VMEM((NI * CHUNK, D_MODEL), jnp.float32),
            pltpu.VMEM((NO * D_MODEL, CHUNK + 1), jnp.float32),
            pltpu.SemaphoreType.DMA((NI,)),
            pltpu.SemaphoreType.DMA((NO,)),
        ],
        compiler_params=pltpu.CompilerParams(
            use_tc_tiling_on_sc=False,
            needs_layout_passes=False,
            disable_bounds_checks=True,
        ),
    )
    return fn(idx, weight)


def kernel(token_embedding, weight):
    idx = token_embedding.T.reshape(N_T, N_B1, CHUNK).transpose(1, 0, 2)
    out5 = _emb_call(idx, weight)
    return out5.transpose(2, 4, 0, 1, 3).reshape(4096, N_T, D_MODEL)

# --- scband reference (transcript-rebuilt; emitter-appended) ---
"""Pipeline reference for scband-embeddings-5179730559288 (READ-ONLY COPY).

The authoritative reference and input builder live on the scoring server;
editing this copy changes nothing except your own understanding.
"""

import jax, jax.numpy as jnp
import numpy as np
import math

D_MODEL = 64
CLASSES = 1000000

def setup_inputs(seed: int = 0) -> dict:
    key = jax.random.key(seed)
    k_idx, k_w = jax.random.split(key)
    token_embedding = jax.random.randint(k_idx, (4096, 200), 0, CLASSES, dtype=jnp.int64 if jax.config.jax_enable_x64 else jnp.int32).astype(jnp.int32)
    weight = jax.random.normal(k_w, (CLASSES, D_MODEL), dtype=jnp.float32)
    # padding_idx=0: row 0 is zeroed at init in nn.Embedding
    weight = weight.at[0].set(0.0)
    return {"token_embedding": token_embedding, "weight": weight}

def reference(token_embedding, weight):
    # nn.Embedding with padding_idx=0 (row already zeroed), eval-mode dropout is identity
    emb = jnp.take(weight, token_embedding, axis=0)
    return emb * math.sqrt(D_MODEL)

if __name__ == "__main__":
    import jax
    _d = setup_inputs()
    print(jax.jit(kernel)(*tuple(_d.values())))

</pallas_src>

<mosaic_0001>
#map = affine_map<(d0, d1) -> (0, 0, 0)>
#map1 = affine_map<(d0, d1) -> (0, 0)>
#map2 = affine_map<(d0, d1) -> (0, 0, 0, 0, 0)>
module attributes {stable_mosaic.version = 14 : i64} {
  func.func @_emb_body(%arg0: i32, %arg1: i32, %arg2: memref<32x200x128xi32, #tpu.memory_space<hbm>>, %arg3: memref<1000000x64xf32, #tpu.memory_space<hbm>>, %arg4: memref<200x8x32x8x128xf32, #tpu.memory_space<hbm>>, %arg5: memref<200x128xi32, #tpu.memory_space<vmem>>, %arg6: memref<512x64xf32, #tpu.memory_space<vmem>>, %arg7: memref<256x129xf32, #tpu.memory_space<vmem>>, %arg8: memref<4x!tpu.dma_semaphore, #tpu.memory_space<semaphore_mem>>, %arg9: memref<4x!tpu.dma_semaphore, #tpu.memory_space<semaphore_mem>>) attributes {dimension_semantics = [#tpu.dimension_semantics<core_parallel>, #tpu.dimension_semantics<subcore_parallel>], iteration_bounds = array<i64: 2, 16>, scalar_prefetch = 0 : i64, scratch_operands = 5 : i64, tpu.core_type = #tpu.core_type<sc_vector_subcore>, window_params = [{transform_indices = #map}, {transform_indices = #map1}, {transform_indices = #map2}]} {
    %mul3A = arith.constant 2 : i32
    %mul3A_0 = arith.muli %arg1, %mul3A : i32
    %add3A = arith.addi %mul3A_0, %arg0 : i32
    "tpu.region"() ({
      %run_scoped3A = tpu.sem_alloc : memref<!tpu.dma_semaphore, #tpu.memory_space<semaphore_mem>>
      %dma_start3A_663 = arith.constant 0 : i32
      %dma_start3A_664 = arith.constant 0 : i32
      %dma_start3A_665 = tpu.memref_slice %arg2[%add3A, %dma_start3A_663, %dma_start3A_664] : memref<32x200x128xi32, #tpu.memory_space<hbm>> -> memref<1x200x128xi32, #tpu.memory_space<hbm>>
      %dma_start3A_666 = tpu.memref_squeeze %dma_start3A_665 : memref<1x200x128xi32, #tpu.memory_space<hbm>> -> memref<200x128xi32, #tpu.memory_space<hbm>>
      %dma_start3A_667 = arith.constant 0 : i32
      %dma_start3A_668 = arith.constant 0 : i32
      %dma_start3A_669 = tpu.memref_slice %arg2[%add3A, %dma_start3A_667, %dma_start3A_668] : memref<32x200x128xi32, #tpu.memory_space<hbm>> -> memref<1x200x128xi32, #tpu.memory_space<hbm>>
      %dma_start3A_670 = tpu.memref_squeeze %dma_start3A_669 : memref<1x200x128xi32, #tpu.memory_space<hbm>> -> memref<200x128xi32, #tpu.memory_space<hbm>>
      tpu.enqueue_dma source(%dma_start3A_670 : memref<200x128xi32, #tpu.memory_space<hbm>>) target(%arg5 : memref<200x128xi32, #tpu.memory_space<vmem>>) target_semaphore(%run_scoped3A : memref<!tpu.dma_semaphore, #tpu.memory_space<semaphore_mem>>)
      %dma_wait3A_671 = arith.constant 0 : i32
      %dma_wait3A_672 = arith.constant 0 : i32
      %dma_wait3A_673 = tpu.memref_slice %arg2[%add3A, %dma_wait3A_671, %dma_wait3A_672] : memref<32x200x128xi32, #tpu.memory_space<hbm>> -> memref<1x200x128xi32, #tpu.memory_space<hbm>>
      %dma_wait3A_674 = tpu.memref_squeeze %dma_wait3A_673 : memref<1x200x128xi32, #tpu.memory_space<hbm>> -> memref<200x128xi32, #tpu.memory_space<hbm>>
      %dma_wait3A_675 = arith.constant 0 : i32
      %dma_wait3A_676 = arith.constant 0 : i32
      %dma_wait3A_677 = tpu.memref_slice %arg2[%add3A, %dma_wait3A_675, %dma_wait3A_676] : memref<32x200x128xi32, #tpu.memory_space<hbm>> -> memref<1x200x128xi32, #tpu.memory_space<hbm>>
      %dma_wait3A_678 = tpu.memref_squeeze %dma_wait3A_677 : memref<1x200x128xi32, #tpu.memory_space<hbm>> -> memref<200x128xi32, #tpu.memory_space<hbm>>
      tpu.wait_dma2 semaphore(%run_scoped3A : memref<!tpu.dma_semaphore, #tpu.memory_space<semaphore_mem>>) src(%dma_wait3A_678 : memref<200x128xi32, #tpu.memory_space<hbm>>) dst(%arg5 : memref<200x128xi32, #tpu.memory_space<vmem>>)
      tpu.yield
    }) : () -> ()
    %dma_start3A = arith.constant 0 : i32
    %dma_start3A_1 = arith.constant 0 : i32
    %dma_start3A_2 = arith.constant 0 : i32
    %dma_start3A_3 = arith.constant 0 : i32
    %dma_start3A_4 = tpu.memref_slice %arg6[%dma_start3A_2, %dma_start3A_3] : memref<512x64xf32, #tpu.memory_space<vmem>> -> memref<128x64xf32, #tpu.memory_space<vmem>>
    %dma_start3A_5 = arith.constant 0 : i32
    %dma_start3A_6 = tpu.memref_slice %arg5[%dma_start3A, %dma_start3A_5] : memref<200x128xi32, #tpu.memory_space<vmem>> -> memref<1x128xi32, #tpu.memory_space<vmem>>
    %dma_start3A_7 = tpu.memref_squeeze %dma_start3A_6 : memref<1x128xi32, #tpu.memory_space<vmem>> -> memref<128xi32, #tpu.memory_space<vmem>>
    %dma_start3A_8 = arith.constant 0 : i32
    %dma_start3A_9 = arith.constant 0 : i32
    %dma_start3A_10 = tpu.memref_slice %arg3[%dma_start3A_8, %dma_start3A_9] : memref<1000000x64xf32, #tpu.memory_space<hbm>> -> memref<1000000x64xf32, #tpu.memory_space<hbm>>
    %dma_start3A_11 = tpu.memref_slice %arg8[%dma_start3A_1] : memref<4x!tpu.dma_semaphore, #tpu.memory_space<semaphore_mem>> -> memref<1x!tpu.dma_semaphore, #tpu.memory_space<semaphore_mem>>
    %dma_start3A_12 = tpu.memref_squeeze %dma_start3A_11 : memref<1x!tpu.dma_semaphore, #tpu.memory_space<semaphore_mem>> -> memref<!tpu.dma_semaphore, #tpu.memory_space<semaphore_mem>>
    tpu.enqueue_indirect_dma source(%dma_start3A_10 : memref<1000000x64xf32, #tpu.memory_space<hbm>>) target(%dma_start3A_4 : memref<128x64xf32, #tpu.memory_space<vmem>>) offsets(%dma_start3A_7 : memref<128xi32, #tpu.memory_space<vmem>>) semaphore(%dma_start3A_12 : memref<!tpu.dma_semaphore, #tpu.memory_space<semaphore_mem>>)
    %dma_start3A_13 = arith.constant 1 : i32
    %dma_start3A_14 = arith.constant 1 : i32
    %dma_start3A_15 = arith.constant 128 : i32
    %dma_start3A_16 = arith.constant 0 : i32
    %dma_start3A_17 = tpu.memref_slice %arg6[%dma_start3A_15, %dma_start3A_16] : memref<512x64xf32, #tpu.memory_space<vmem>> -> memref<128x64xf32, #tpu.memory_space<vmem>>
    %dma_start3A_18 = arith.constant 0 : i32
    %dma_start3A_19 = tpu.memref_slice %arg5[%dma_start3A_13, %dma_start3A_18] : memref<200x128xi32, #tpu.memory_space<vmem>> -> memref<1x128xi32, #tpu.memory_space<vmem>>
    %dma_start3A_20 = tpu.memref_squeeze %dma_start3A_19 : memref<1x128xi32, #tpu.memory_space<vmem>> -> memref<128xi32, #tpu.memory_space<vmem>>
    %dma_start3A_21 = arith.constant 0 : i32
    %dma_start3A_22 = arith.constant 0 : i32
    %dma_start3A_23 = tpu.memref_slice %arg3[%dma_start3A_21, %dma_start3A_22] : memref<1000000x64xf32, #tpu.memory_space<hbm>> -> memref<1000000x64xf32, #tpu.memory_space<hbm>>
    %dma_start3A_24 = tpu.memref_slice %arg8[%dma_start3A_14] : memref<4x!tpu.dma_semaphore, #tpu.memory_space<semaphore_mem>> -> memref<1x!tpu.dma_semaphore, #tpu.memory_space<semaphore_mem>>
    %dma_start3A_25 = tpu.memref_squeeze %dma_start3A_24 : memref<1x!tpu.dma_semaphore, #tpu.memory_space<semaphore_mem>> -> memref<!tpu.dma_semaphore, #tpu.memory_space<semaphore_mem>>
    tpu.enqueue_indirect_dma source(%dma_start3A_23 : memref<1000000x64xf32, #tpu.memory_space<hbm>>) target(%dma_start3A_17 : memref<128x64xf32, #tpu.memory_space<vmem>>) offsets(%dma_start3A_20 : memref<128xi32, #tpu.memory_space<vmem>>) semaphore(%dma_start3A_25 : memref<!tpu.dma_semaphore, #tpu.memory_space<semaphore_mem>>)
    %dma_start3A_26 = arith.constant 2 : i32
    %dma_start3A_27 = arith.constant 2 : i32
    %dma_start3A_28 = arith.constant 256 : i32
    %dma_start3A_29 = arith.constant 0 : i32
    %dma_start3A_30 = tpu.memref_slice %arg6[%dma_start3A_28, %dma_start3A_29] : memref<512x64xf32, #tpu.memory_space<vmem>> -> memref<128x64xf32, #tpu.memory_space<vmem>>
    %dma_start3A_31 = arith.constant 0 : i32
    %dma_start3A_32 = tpu.memref_slice %arg5[%dma_start3A_26, %dma_start3A_31] : memref<200x128xi32, #tpu.memory_space<vmem>> -> memref<1x128xi32, #tpu.memory_space<vmem>>
    %dma_start3A_33 = tpu.memref_squeeze %dma_start3A_32 : memref<1x128xi32, #tpu.memory_space<vmem>> -> memref<128xi32, #tpu.memory_space<vmem>>
    %dma_start3A_34 = arith.constant 0 : i32
    %dma_start3A_35 = arith.constant 0 : i32
    %dma_start3A_36 = tpu.memref_slice %arg3[%dma_start3A_34, %dma_start3A_35] : memref<1000000x64xf32, #tpu.memory_space<hbm>> -> memref<1000000x64xf32, #tpu.memory_space<hbm>>
    %dma_start3A_37 = tpu.memref_slice %arg8[%dma_start3A_27] : memref<4x!tpu.dma_semaphore, #tpu.memory_space<semaphore_mem>> -> memref<1x!tpu.dma_semaphore, #tpu.memory_space<semaphore_mem>>
    %dma_start3A_38 = tpu.memref_squeeze %dma_start3A_37 : memref<1x!tpu.dma_semaphore, #tpu.memory_space<semaphore_mem>> -> memref<!tpu.dma_semaphore, #tpu.memory_space<semaphore_mem>>
    tpu.enqueue_indirect_dma source(%dma_start3A_36 : memref<1000000x64xf32, #tpu.memory_space<hbm>>) target(%dma_start3A_30 : memref<128x64xf32, #tpu.memory_space<vmem>>) offsets(%dma_start3A_33 : memref<128xi32, #tpu.memory_space<vmem>>) semaphore(%dma_start3A_38 : memref<!tpu.dma_semaphore, #tpu.memory_space<semaphore_mem>>)
    %dma_start3A_39 = arith.constant 3 : i32
    %dma_start3A_40 = arith.constant 3 : i32
    %dma_start3A_41 = arith.constant 384 : i32
    %dma_start3A_42 = arith.constant 0 : i32
    %dma_start3A_43 = tpu.memref_slice %arg6[%dma_start3A_41, %dma_start3A_42] : memref<512x64xf32, #tpu.memory_space<vmem>> -> memref<128x64xf32, #tpu.memory_space<vmem>>
    %dma_start3A_44 = arith.constant 0 : i32
    %dma_start3A_45 = tpu.memref_slice %arg5[%dma_start3A_39, %dma_start3A_44] : memref<200x128xi32, #tpu.memory_space<vmem>> -> memref<1x128xi32, #tpu.memory_space<vmem>>
    %dma_start3A_46 = tpu.memref_squeeze %dma_start3A_45 : memref<1x128xi32, #tpu.memory_space<vmem>> -> memref<128xi32, #tpu.memory_space<vmem>>
    %dma_start3A_47 = arith.constant 0 : i32
    %dma_start3A_48 = arith.constant 0 : i32
    %dma_start3A_49 = tpu.memref_slice %arg3[%dma_start3A_47, %dma_start3A_48] : memref<1000000x64xf32, #tpu.memory_space<hbm>> -> memref<1000000x64xf32, #tpu.memory_space<hbm>>
    %dma_start3A_50 = tpu.memref_slice %arg8[%dma_start3A_40] : memref<4x!tpu.dma_semaphore, #tpu.memory_space<semaphore_mem>> -> memref<1x!tpu.dma_semaphore, #tpu.memory_space<semaphore_mem>>
    %dma_start3A_51 = tpu.memref_squeeze %dma_start3A_50 : memref<1x!tpu.dma_semaphore, #tpu.memory_space<semaphore_mem>> -> memref<!tpu.dma_semaphore, #tpu.memory_space<semaphore_mem>>
    tpu.enqueue_indirect_dma source(%dma_start3A_49 : memref<1000000x64xf32, #tpu.memory_space<hbm>>) target(%dma_start3A_43 : memref<128x64xf32, #tpu.memory_space<vmem>>) offsets(%dma_start3A_46 : memref<128xi32, #tpu.memory_space<vmem>>) semaphore(%dma_start3A_51 : memref<!tpu.dma_semaphore, #tpu.memory_space<semaphore_mem>>)
    %iota3A = tpu.iota {dimensions = array<i32: 0>} : vector<16xi32>
    %scan3A = arith.constant 0 : i32
    %scan3A_52 = arith.constant 200 : i32
    %scan3A_53 = arith.addi %scan3A, %scan3A_52 : i32
    %scan3A_54 = arith.constant 1 : i32
    scf.for %scan3A_663 = %scan3A to %scan3A_53 step %scan3A_54  : i32 {
      %rem3A = arith.constant 4 : i32
      %rem3A_664 = arith.remsi %scan3A_663, %rem3A : i32
      %rem3A_665 = arith.constant 4 : i32
      %rem3A_666 = arith.remsi %scan3A_663, %rem3A_665 : i32
      %mul3A_667 = arith.constant 128 : i32
      %mul3A_668 = arith.muli %rem3A_664, %mul3A_667 : i32
      %dma_wait3A_669 = arith.constant 0 : i32
      %dma_wait3A_670 = tpu.memref_slice %arg6[%mul3A_668, %dma_wait3A_669] : memref<512x64xf32, #tpu.memory_space<vmem>> -> memref<128x64xf32, #tpu.memory_space<vmem>>
      %dma_wait3A_671 = arith.constant 0 : i32
      %dma_wait3A_672 = tpu.memref_slice %arg5[%scan3A_663, %dma_wait3A_671] : memref<200x128xi32, #tpu.memory_space<vmem>> -> memref<1x128xi32, #tpu.memory_space<vmem>>
      %dma_wait3A_673 = tpu.memref_squeeze %dma_wait3A_672 : memref<1x128xi32, #tpu.memory_space<vmem>> -> memref<128xi32, #tpu.memory_space<vmem>>
      %dma_wait3A_674 = arith.constant 0 : i32
      %dma_wait3A_675 = arith.constant 0 : i32
      %dma_wait3A_676 = tpu.memref_slice %arg3[%dma_wait3A_674, %dma_wait3A_675] : memref<1000000x64xf32, #tpu.memory_space<hbm>> -> memref<1000000x64xf32, #tpu.memory_space<hbm>>
      %dma_wait3A_677 = tpu.memref_slice %arg8[%rem3A_664] : memref<4x!tpu.dma_semaphore, #tpu.memory_space<semaphore_mem>> -> memref<1x!tpu.dma_semaphore, #tpu.memory_space<semaphore_mem>>
      %dma_wait3A_678 = tpu.memref_squeeze %dma_wait3A_677 : memref<1x!tpu.dma_semaphore, #tpu.memory_space<semaphore_mem>> -> memref<!tpu.dma_semaphore, #tpu.memory_space<semaphore_mem>>
      tpu.wait_indirect_dma semaphore(%dma_wait3A_678 : memref<!tpu.dma_semaphore, #tpu.memory_space<semaphore_mem>>) src(%dma_wait3A_676 : memref<1000000x64xf32, #tpu.memory_space<hbm>>) dst(%dma_wait3A_670 : memref<128x64xf32, #tpu.memory_space<vmem>>)
      %ge3A = arith.constant 4 : i32
      %ge3A_679 = arith.cmpi sge, %scan3A_663, %ge3A : i32
      %convert_element_type3A = arith.extui %ge3A_679 : i1 to i32
      %cond3A = arith.constant 0 : i32
      %cond3A_680 = arith.cmpi ne, %convert_element_type3A, %cond3A : i32
      scf.if %cond3A_680 {
        %dma_wait3A_845 = arith.constant 0 : i32
        %dma_wait3A_846 = arith.constant 0 : i32
        %dma_wait3A_847 = arith.constant 0 : i32
        %dma_wait3A_848 = arith.constant 0 : i32
        %dma_wait3A_849 = tpu.memref_slice %arg7[%dma_wait3A_847, %dma_wait3A_848] : memref<256x129xf32, #tpu.memory_space<vmem>> -> memref<8x128xf32, #tpu.memory_space<vmem>>
        %dma_wait3A_850 = arith.constant 0 : i32
        %dma_wait3A_851 = arith.constant 0 : i32
        %dma_wait3A_852 = tpu.memref_slice %arg4[%dma_wait3A_845, %dma_wait3A_846, %add3A, %dma_wait3A_850, %dma_wait3A_851] : memref<200x8x32x8x128xf32, #tpu.memory_space<hbm>> -> memref<1x1x1x8x128xf32, #tpu.memory_space<hbm>>
        %dma_wait3A_853 = tpu.memref_squeeze %dma_wait3A_852 : memref<1x1x1x8x128xf32, #tpu.memory_space<hbm>> -> memref<8x128xf32, #tpu.memory_space<hbm>>
        %dma_wait3A_854 = tpu.memref_slice %arg9[%rem3A_666] : memref<4x!tpu.dma_semaphore, #tpu.memory_space<semaphore_mem>> -> memref<1x!tpu.dma_semaphore, #tpu.memory_space<semaphore_mem>>
        %dma_wait3A_855 = tpu.memref_squeeze %dma_wait3A_854 : memref<1x!tpu.dma_semaphore, #tpu.memory_space<semaphore_mem>> -> memref<!tpu.dma_semaphore, #tpu.memory_space<semaphore_mem>>
        %dma_wait3A_856 = arith.constant 0 : i32
        %dma_wait3A_857 = arith.constant 0 : i32
        %dma_wait3A_858 = tpu.memref_slice %arg4[%dma_wait3A_845, %dma_wait3A_846, %add3A, %dma_wait3A_856, %dma_wait3A_857] : memref<200x8x32x8x128xf32, #tpu.memory_space<hbm>> -> memref<1x1x1x8x128xf32, #tpu.memory_space<hbm>>
        %dma_wait3A_859 = tpu.memref_squeeze %dma_wait3A_858 : memref<1x1x1x8x128xf32, #tpu.memory_space<hbm>> -> memref<8x128xf32, #tpu.memory_space<hbm>>
        %dma_wait3A_860 = arith.constant 0 : i32
        %dma_wait3A_861 = arith.constant 0 : i32
        %dma_wait3A_862 = tpu.memref_slice %arg7[%dma_wait3A_860, %dma_wait3A_861] : memref<256x129xf32, #tpu.memory_space<vmem>> -> memref<8x128xf32, #tpu.memory_space<vmem>>
        tpu.wait_dma2 semaphore(%dma_wait3A_855 : memref<!tpu.dma_semaphore, #tpu.memory_space<semaphore_mem>>) src(%dma_wait3A_862 : memref<8x128xf32, #tpu.memory_space<vmem>>) dst(%dma_wait3A_859 : memref<8x128xf32, #tpu.memory_space<hbm>>)
        %dma_wait3A_863 = arith.constant 0 : i32
        %dma_wait3A_864 = arith.constant 0 : i32
        %dma_wait3A_865 = arith.constant 0 : i32
        %dma_wait3A_866 = arith.constant 0 : i32
        %dma_wait3A_867 = tpu.memref_slice %arg7[%dma_wait3A_865, %dma_wait3A_866] : memref<256x129xf32, #tpu.memory_space<vmem>> -> memref<8x128xf32, #tpu.memory_space<vmem>>
        %dma_wait3A_868 = arith.constant 0 : i32
        %dma_wait3A_869 = arith.constant 0 : i32
        %dma_wait3A_870 = tpu.memref_slice %arg4[%dma_wait3A_863, %dma_wait3A_864, %add3A, %dma_wait3A_868, %dma_wait3A_869] : memref<200x8x32x8x128xf32, #tpu.memory_space<hbm>> -> memref<1x1x1x8x128xf32, #tpu.memory_space<hbm>>
        %dma_wait3A_871 = tpu.memref_squeeze %dma_wait3A_870 : memref<1x1x1x8x128xf32, #tpu.memory_space<hbm>> -> memref<8x128xf32, #tpu.memory_space<hbm>>
        %dma_wait3A_872 = tpu.memref_slice %arg9[%rem3A_666] : memref<4x!tpu.dma_semaphore, #tpu.memory_space<semaphore_mem>> -> memref<1x!tpu.dma_semaphore, #tpu.memory_space<semaphore_mem>>
        %dma_wait3A_873 = tpu.memref_squeeze %dma_wait3A_872 : memref<1x!tpu.dma_semaphore, #tpu.memory_space<semaphore_mem>> -> memref<!tpu.dma_semaphore, #tpu.memory_space<semaphore_mem>>
        %dma_wait3A_874 = arith.constant 0 : i32
        %dma_wait3A_875 = arith.constant 0 : i32
        %dma_wait3A_876 = tpu.memref_slice %arg4[%dma_wait3A_863, %dma_wait3A_864, %add3A, %dma_wait3A_874, %dma_wait3A_875] : memref<200x8x32x8x128xf32, #tpu.memory_space<hbm>> -> memref<1x1x1x8x128xf32, #tpu.memory_space<hbm>>
        %dma_wait3A_877 = tpu.memref_squeeze %dma_wait3A_876 : memref<1x1x1x8x128xf32, #tpu.memory_space<hbm>> -> memref<8x128xf32, #tpu.memory_space<hbm>>
        %dma_wait3A_878 = arith.constant 0 : i32
        %dma_wait3A_879 = arith.constant 0 : i32
        %dma_wait3A_880 = tpu.memref_slice %arg7[%dma_wait3A_878, %dma_wait3A_879] : memref<256x129xf32, #tpu.memory_space<vmem>> -> memref<8x128xf32, #tpu.memory_space<vmem>>
        tpu.wait_dma2 semaphore(%dma_wait3A_873 : memref<!tpu.dma_semaphore, #tpu.memory_space<semaphore_mem>>) src(%dma_wait3A_880 : memref<8x128xf32, #tpu.memory_space<vmem>>) dst(%dma_wait3A_877 : memref<8x128xf32, #tpu.memory_space<hbm>>)
        %dma_wait3A_881 = arith.constant 0 : i32
        %dma_wait3A_882 = arith.constant 0 : i32
        %dma_wait3A_883 = arith.constant 0 : i32
        %dma_wait3A_884 = arith.constant 0 : i32
        %dma_wait3A_885 = tpu.memref_slice %arg7[%dma_wait3A_883, %dma_wait3A_884] : memref<256x129xf32, #tpu.memory_space<vmem>> -> memref<8x128xf32, #tpu.memory_space<vmem>>
        %dma_wait3A_886 = arith.constant 0 : i32
        %dma_wait3A_887 = arith.constant 0 : i32
        %dma_wait3A_888 = tpu.memref_slice %arg4[%dma_wait3A_881, %dma_wait3A_882, %add3A, %dma_wait3A_886, %dma_wait3A_887] : memref<200x8x32x8x128xf32, #tpu.memory_space<hbm>> -> memref<1x1x1x8x128xf32, #tpu.memory_space<hbm>>
        %dma_wait3A_889 = tpu.memref_squeeze %dma_wait3A_888 : memref<1x1x1x8x128xf32, #tpu.memory_space<hbm>> -> memref<8x128xf32, #tpu.memory_space<hbm>>
        %dma_wait3A_890 = tpu.memref_slice %arg9[%rem3A_666] : memref<4x!tpu.dma_semaphore, #tpu.memory_space<semaphore_mem>> -> memref<1x!tpu.dma_semaphore, #tpu.memory_space<semaphore_mem>>
        %dma_wait3A_891 = tpu.memref_squeeze %dma_wait3A_890 : memref<1x!tpu.dma_semaphore, #tpu.memory_space<semaphore_mem>> -> memref<!tpu.dma_semaphore, #tpu.memory_space<semaphore_mem>>
        %dma_wait3A_892 = arith.constant 0 : i32
        %dma_wait3A_893 = arith.constant 0 : i32
        %dma_wait3A_894 = tpu.memref_slice %arg4[%dma_wait3A_881, %dma_wait3A_882, %add3A, %dma_wait3A_892, %dma_wait3A_893] : memref<200x8x32x8x128xf32, #tpu.memory_space<hbm>> -> memref<1x1x1x8x128xf32, #tpu.memory_space<hbm>>
        %dma_wait3A_895 = tpu.memref_squeeze %dma_wait3A_894 : memref<1x1x1x8x128xf32, #tpu.memory_space<hbm>> -> memref<8x128xf32, #tpu.memory_space<hbm>>
        %dma_wait3A_896 = arith.constant 0 : i32
        %dma_wait3A_897 = arith.constant 0 : i32
        %dma_wait3A_898 = tpu.memref_slice %arg7[%dma_wait3A_896, %dma_wait3A_897] : memref<256x129xf32, #tpu.memory_space<vmem>> -> memref<8x128xf32, #tpu.memory_space<vmem>>
        tpu.wait_dma2 semaphore(%dma_wait3A_891 : memref<!tpu.dma_semaphore, #tpu.memory_space<semaphore_mem>>) src(%dma_wait3A_898 : memref<8x128xf32, #tpu.memory_space<vmem>>) dst(%dma_wait3A_895 : memref<8x128xf32, #tpu.memory_space<hbm>>)
        %dma_wait3A_899 = arith.constant 0 : i32
        %dma_wait3A_900 = arith.constant 0 : i32
        %dma_wait3A_901 = arith.constant 0 : i32
        %dma_wait3A_902 = arith.constant 0 : i32
        %dma_wait3A_903 = tpu.memref_slice %arg7[%dma_wait3A_901, %dma_wait3A_902] : memref<256x129xf32, #tpu.memory_space<vmem>> -> memref<8x128xf32, #tpu.memory_space<vmem>>
        %dma_wait3A_904 = arith.constant 0 : i32
        %dma_wait3A_905 = arith.constant 0 : i32
        %dma_wait3A_906 = tpu.memref_slice %arg4[%dma_wait3A_899, %dma_wait3A_900, %add3A, %dma_wait3A_904, %dma_wait3A_905] : memref<200x8x32x8x128xf32, #tpu.memory_space<hbm>> -> memref<1x1x1x8x128xf32, #tpu.memory_space<hbm>>
        %dma_wait3A_907 = tpu.memref_squeeze %dma_wait3A_906 : memref<1x1x1x8x128xf32, #tpu.memory_space<hbm>> -> memref<8x128xf32, #tpu.memory_space<hbm>>
        %dma_wait3A_908 = tpu.memref_slice %arg9[%rem3A_666] : memref<4x!tpu.dma_semaphore, #tpu.memory_space<semaphore_mem>> -> memref<1x!tpu.dma_semaphore, #tpu.memory_space<semaphore_mem>>
        %dma_wait3A_909 = tpu.memref_squeeze %dma_wait3A_908 : memref<1x!tpu.dma_semaphore, #tpu.memory_space<semaphore_mem>> -> memref<!tpu.dma_semaphore, #tpu.memory_space<semaphore_mem>>
        %dma_wait3A_910 = arith.constant 0 : i32
        %dma_wait3A_911 = arith.constant 0 : i32
        %dma_wait3A_912 = tpu.memref_slice %arg4[%dma_wait3A_899, %dma_wait3A_900, %add3A, %dma_wait3A_910, %dma_wait3A_911] : memref<200x8x32x8x128xf32, #tpu.memory_space<hbm>> -> memref<1x1x1x8x128xf32, #tpu.memory_space<hbm>>
        %dma_wait3A_913 = tpu.memref_squeeze %dma_wait3A_912 : memref<1x1x1x8x128xf32, #tpu.memory_space<hbm>> -> memref<8x128xf32, #tpu.memory_space<hbm>>
        %dma_wait3A_914 = arith.constant 0 : i32
        %dma_wait3A_915 = arith.constant 0 : i32
        %dma_wait3A_916 = tpu.memref_slice %arg7[%dma_wait3A_914, %dma_wait3A_915] : memref<256x129xf32, #tpu.memory_space<vmem>> -> memref<8x128xf32, #tpu.memory_space<vmem>>
        tpu.wait_dma2 semaphore(%dma_wait3A_909 : memref<!tpu.dma_semaphore, #tpu.memory_space<semaphore_mem>>) src(%dma_wait3A_916 : memref<8x128xf32, #tpu.memory_space<vmem>>) dst(%dma_wait3A_913 : memref<8x128xf32, #tpu.memory_space<hbm>>)
        %dma_wait3A_917 = arith.constant 0 : i32
        %dma_wait3A_918 = arith.constant 0 : i32
        %dma_wait3A_919 = arith.constant 0 : i32
        %dma_wait3A_920 = arith.constant 0 : i32
        %dma_wait3A_921 = tpu.memref_slice %arg7[%dma_wait3A_919, %dma_wait3A_920] : memref<256x129xf32, #tpu.memory_space<vmem>> -> memref<8x128xf32, #tpu.memory_space<vmem>>
        %dma_wait3A_922 = arith.constant 0 : i32
        %dma_wait3A_923 = arith.constant 0 : i32
        %dma_wait3A_924 = tpu.memref_slice %arg4[%dma_wait3A_917, %dma_wait3A_918, %add3A, %dma_wait3A_922, %dma_wait3A_923] : memref<200x8x32x8x128xf32, #tpu.memory_space<hbm>> -> memref<1x1x1x8x128xf32, #tpu.memory_space<hbm>>
        %dma_wait3A_925 = tpu.memref_squeeze %dma_wait3A_924 : memref<1x1x1x8x128xf32, #tpu.memory_space<hbm>> -> memref<8x128xf32, #tpu.memory_space<hbm>>
        %dma_wait3A_926 = tpu.memref_slice %arg9[%rem3A_666] : memref<4x!tpu.dma_semaphore, #tpu.memory_space<semaphore_mem>> -> memref<1x!tpu.dma_semaphore, #tpu.memory_space<semaphore_mem>>
        %dma_wait3A_927 = tpu.memref_squeeze %dma_wait3A_926 : memref<1x!tpu.dma_semaphore, #tpu.memory_space<semaphore_mem>> -> memref<!tpu.dma_semaphore, #tpu.memory_space<semaphore_mem>>
        %dma_wait3A_928 = arith.constant 0 : i32
        %dma_wait3A_929 = arith.constant 0 : i32
        %dma_wait3A_930 = tpu.memref_slice %arg4[%dma_wait3A_917, %dma_wait3A_918, %add3A, %dma_wait3A_928, %dma_wait3A_929] : memref<200x8x32x8x128xf32, #tpu.memory_space<hbm>> -> memref<1x1x1x8x128xf32, #tpu.memory_space<hbm>>
        %dma_wait3A_931 = tpu.memref_squeeze %dma_wait3A_930 : memref<1x1x1x8x128xf32, #tpu.memory_space<hbm>> -> memref<8x128xf32, #tpu.memory_space<hbm>>
        %dma_wait3A_932 = arith.constant 0 : i32
        %dma_wait3A_933 = arith.constant 0 : i32
        %dma_wait3A_934 = tpu.memref_slice %arg7[%dma_wait3A_932, %dma_wait3A_933] : memref<256x129xf32, #tpu.memory_space<vmem>> -> memref<8x128xf32, #tpu.memory_space<vmem>>
        tpu.wait_dma2 semaphore(%dma_wait3A_927 : memref<!tpu.dma_semaphore, #tpu.memory_space<semaphore_mem>>) src(%dma_wait3A_934 : memref<8x128xf32, #tpu.memory_space<vmem>>) dst(%dma_wait3A_931 : memref<8x128xf32, #tpu.memory_space<hbm>>)
        %dma_wait3A_935 = arith.constant 0 : i32
        %dma_wait3A_936 = arith.constant 0 : i32
        %dma_wait3A_937 = arith.constant 0 : i32
        %dma_wait3A_938 = arith.constant 0 : i32
        %dma_wait3A_939 = tpu.memref_slice %arg7[%dma_wait3A_937, %dma_wait3A_938] : memref<256x129xf32, #tpu.memory_space<vmem>> -> memref<8x128xf32, #tpu.memory_space<vmem>>
        %dma_wait3A_940 = arith.constant 0 : i32
        %dma_wait3A_941 = arith.constant 0 : i32
        %dma_wait3A_942 = tpu.memref_slice %arg4[%dma_wait3A_935, %dma_wait3A_936, %add3A, %dma_wait3A_940, %dma_wait3A_941] : memref<200x8x32x8x128xf32, #tpu.memory_space<hbm>> -> memref<1x1x1x8x128xf32, #tpu.memory_space<hbm>>
        %dma_wait3A_943 = tpu.memref_squeeze %dma_wait3A_942 : memref<1x1x1x8x128xf32, #tpu.memory_space<hbm>> -> memref<8x128xf32, #tpu.memory_space<hbm>>
        %dma_wait3A_944 = tpu.memref_slice %arg9[%rem3A_666] : memref<4x!tpu.dma_semaphore, #tpu.memory_space<semaphore_mem>> -> memref<1x!tpu.dma_semaphore, #tpu.memory_space<semaphore_mem>>
        %dma_wait3A_945 = tpu.memref_squeeze %dma_wait3A_944 : memref<1x!tpu.dma_semaphore, #tpu.memory_space<semaphore_mem>> -> memref<!tpu.dma_semaphore, #tpu.memory_space<semaphore_mem>>
        %dma_wait3A_946 = arith.constant 0 : i32
        %dma_wait3A_947 = arith.constant 0 : i32
        %dma_wait3A_948 = tpu.memref_slice %arg4[%dma_wait3A_935, %dma_wait3A_936, %add3A, %dma_wait3A_946, %dma_wait3A_947] : memref<200x8x32x8x128xf32, #tpu.memory_space<hbm>> -> memref<1x1x1x8x128xf32, #tpu.memory_space<hbm>>
        %dma_wait3A_949 = tpu.memref_squeeze %dma_wait3A_948 : memref<1x1x1x8x128xf32, #tpu.memory_space<hbm>> -> memref<8x128xf32, #tpu.memory_space<hbm>>
        %dma_wait3A_950 = arith.constant 0 : i32
        %dma_wait3A_951 = arith.constant 0 : i32
        %dma_wait3A_952 = tpu.memref_slice %arg7[%dma_wait3A_950, %dma_wait3A_951] : memref<256x129xf32, #tpu.memory_space<vmem>> -> memref<8x128xf32, #tpu.memory_space<vmem>>
        tpu.wait_dma2 semaphore(%dma_wait3A_945 : memref<!tpu.dma_semaphore, #tpu.memory_space<semaphore_mem>>) src(%dma_wait3A_952 : memref<8x128xf32, #tpu.memory_space<vmem>>) dst(%dma_wait3A_949 : memref<8x128xf32, #tpu.memory_space<hbm>>)
        %dma_wait3A_953 = arith.constant 0 : i32
        %dma_wait3A_954 = arith.constant 0 : i32
        %dma_wait3A_955 = arith.constant 0 : i32
        %dma_wait3A_956 = arith.constant 0 : i32
        %dma_wait3A_957 = tpu.memref_slice %arg7[%dma_wait3A_955, %dma_wait3A_956] : memref<256x129xf32, #tpu.memory_space<vmem>> -> memref<8x128xf32, #tpu.memory_space<vmem>>
        %dma_wait3A_958 = arith.constant 0 : i32
        %dma_wait3A_959 = arith.constant 0 : i32
        %dma_wait3A_960 = tpu.memref_slice %arg4[%dma_wait3A_953, %dma_wait3A_954, %add3A, %dma_wait3A_958, %dma_wait3A_959] : memref<200x8x32x8x128xf32, #tpu.memory_space<hbm>> -> memref<1x1x1x8x128xf32, #tpu.memory_space<hbm>>
        %dma_wait3A_961 = tpu.memref_squeeze %dma_wait3A_960 : memref<1x1x1x8x128xf32, #tpu.memory_space<hbm>> -> memref<8x128xf32, #tpu.memory_space<hbm>>
        %dma_wait3A_962 = tpu.memref_slice %arg9[%rem3A_666] : memref<4x!tpu.dma_semaphore, #tpu.memory_space<semaphore_mem>> -> memref<1x!tpu.dma_semaphore, #tpu.memory_space<semaphore_mem>>
        %dma_wait3A_963 = tpu.memref_squeeze %dma_wait3A_962 : memref<1x!tpu.dma_semaphore, #tpu.memory_space<semaphore_mem>> -> memref<!tpu.dma_semaphore, #tpu.memory_space<semaphore_mem>>
        %dma_wait3A_964 = arith.constant 0 : i32
        %dma_wait3A_965 = arith.constant 0 : i32
        %dma_wait3A_966 = tpu.memref_slice %arg4[%dma_wait3A_953, %dma_wait3A_954, %add3A, %dma_wait3A_964, %dma_wait3A_965] : memref<200x8x32x8x128xf32, #tpu.memory_space<hbm>> -> memref<1x1x1x8x128xf32, #tpu.memory_space<hbm>>
        %dma_wait3A_967 = tpu.memref_squeeze %dma_wait3A_966 : memref<1x1x1x8x128xf32, #tpu.memory_space<hbm>> -> memref<8x128xf32, #tpu.memory_space<hbm>>
        %dma_wait3A_968 = arith.constant 0 : i32
        %dma_wait3A_969 = arith.constant 0 : i32
        %dma_wait3A_970 = tpu.memref_slice %arg7[%dma_wait3A_968, %dma_wait3A_969] : memref<256x129xf32, #tpu.memory_space<vmem>> -> memref<8x128xf32, #tpu.memory_space<vmem>>
        tpu.wait_dma2 semaphore(%dma_wait3A_963 : memref<!tpu.dma_semaphore, #tpu.memory_space<semaphore_mem>>) src(%dma_wait3A_970 : memref<8x128xf32, #tpu.memory_space<vmem>>) dst(%dma_wait3A_967 : memref<8x128xf32, #tpu.memory_space<hbm>>)
        %dma_wait3A_971 = arith.constant 0 : i32
        %dma_wait3A_972 = arith.constant 0 : i32
        %dma_wait3A_973 = arith.constant 0 : i32
        %dma_wait3A_974 = arith.constant 0 : i32
        %dma_wait3A_975 = tpu.memref_slice %arg7[%dma_wait3A_973, %dma_wait3A_974] : memref<256x129xf32, #tpu.memory_space<vmem>> -> memref<8x128xf32, #tpu.memory_space<vmem>>
        %dma_wait3A_976 = arith.constant 0 : i32
        %dma_wait3A_977 = arith.constant 0 : i32
        %dma_wait3A_978 = tpu.memref_slice %arg4[%dma_wait3A_971, %dma_wait3A_972, %add3A, %dma_wait3A_976, %dma_wait3A_977] : memref<200x8x32x8x128xf32, #tpu.memory_space<hbm>> -> memref<1x1x1x8x128xf32, #tpu.memory_space<hbm>>
        %dma_wait3A_979 = tpu.memref_squeeze %dma_wait3A_978 : memref<1x1x1x8x128xf32, #tpu.memory_space<hbm>> -> memref<8x128xf32, #tpu.memory_space<hbm>>
        %dma_wait3A_980 = tpu.memref_slice %arg9[%rem3A_666] : memref<4x!tpu.dma_semaphore, #tpu.memory_space<semaphore_mem>> -> memref<1x!tpu.dma_semaphore, #tpu.memory_space<semaphore_mem>>
        %dma_wait3A_981 = tpu.memref_squeeze %dma_wait3A_980 : memref<1x!tpu.dma_semaphore, #tpu.memory_space<semaphore_mem>> -> memref<!tpu.dma_semaphore, #tpu.memory_space<semaphore_mem>>
        %dma_wait3A_982 = arith.constant 0 : i32
        %dma_wait3A_983 = arith.constant 0 : i32
        %dma_wait3A_984 = tpu.memref_slice %arg4[%dma_wait3A_971, %dma_wait3A_972, %add3A, %dma_wait3A_982, %dma_wait3A_983] : memref<200x8x32x8x128xf32, #tpu.memory_space<hbm>> -> memref<1x1x1x8x128xf32, #tpu.memory_space<hbm>>
        %dma_wait3A_985 = tpu.memref_squeeze %dma_wait3A_984 : memref<1x1x1x8x128xf32, #tpu.memory_space<hbm>> -> memref<8x128xf32, #tpu.memory_space<hbm>>
        %dma_wait3A_986 = arith.constant 0 : i32
        %dma_wait3A_987 = arith.constant 0 : i32
        %dma_wait3A_988 = tpu.memref_slice %arg7[%dma_wait3A_986, %dma_wait3A_987] : memref<256x129xf32, #tpu.memory_space<vmem>> -> memref<8x128xf32, #tpu.memory_space<vmem>>
        tpu.wait_dma2 semaphore(%dma_wait3A_981 : memref<!tpu.dma_semaphore, #tpu.memory_space<semaphore_mem>>) src(%dma_wait3A_988 : memref<8x128xf32, #tpu.memory_space<vmem>>) dst(%dma_wait3A_985 : memref<8x128xf32, #tpu.memory_space<hbm>>)
      } else {
      }
      %mul3A_681 = arith.constant 128 : i32
      %mul3A_682 = arith.muli %rem3A_664, %mul3A_681 : i32
      %mul3A_683 = arith.constant 64 : i32
      %mul3A_684 = arith.muli %rem3A_666, %mul3A_683 : i32
      %parallel_loop3A = arith.constant 0 : i32
      %parallel_loop3A_685 = arith.constant 128 : i32
      %parallel_loop3A_686 = arith.constant 4 : i32
      scf.for %parallel_loop3A_845 = %parallel_loop3A to %parallel_loop3A_685 step %parallel_loop3A_686  : i32 {
        %parallel_loop3A_846 = arith.addi %mul3A_682, %parallel_loop3A_845 : i32
        %parallel_loop3A_847 = arith.constant 0 : i32
        %parallel_loop3A_848 = arith.addi %parallel_loop3A_846, %parallel_loop3A_847 : i32
        %parallel_loop3A_849 = arith.index_cast %parallel_loop3A_848 : i32 to index
        %parallel_loop3A_850 = arith.constant 0 : index
        %parallel_loop3A_851 = tpu.vector_load %arg6[%parallel_loop3A_849, %parallel_loop3A_850] {strides = array<i32>} : memref<512x64xf32, #tpu.memory_space<vmem>>, vector<16xf32>,
        %parallel_loop3A_852 = arith.constant 8.000000e+00 : f32
        %parallel_loop3A_853 = vector.broadcast %parallel_loop3A_852 : f32 to vector<16xf32>
        %parallel_loop3A_854 = arith.mulf %parallel_loop3A_851, %parallel_loop3A_853 : vector<16xf32>
        %parallel_loop3A_855 = arith.addi %mul3A_682, %parallel_loop3A_845 : i32
        %parallel_loop3A_856 = arith.constant 0 : i32
        %parallel_loop3A_857 = arith.addi %parallel_loop3A_855, %parallel_loop3A_856 : i32
        %parallel_loop3A_858 = arith.index_cast %parallel_loop3A_857 : i32 to index
        %parallel_loop3A_859 = arith.constant 16 : index
        %parallel_loop3A_860 = tpu.vector_load %arg6[%parallel_loop3A_858, %parallel_loop3A_859] {strides = array<i32>} : memref<512x64xf32, #tpu.memory_space<vmem>>, vector<16xf32>,
        %parallel_loop3A_861 = arith.constant 8.000000e+00 : f32
        %parallel_loop3A_862 = vector.broadcast %parallel_loop3A_861 : f32 to vector<16xf32>
        %parallel_loop3A_863 = arith.mulf %parallel_loop3A_860, %parallel_loop3A_862 : vector<16xf32>
        %parallel_loop3A_864 = arith.addi %mul3A_682, %parallel_loop3A_845 : i32
        %parallel_loop3A_865 = arith.constant 0 : i32
        %parallel_loop3A_866 = arith.addi %parallel_loop3A_864, %parallel_loop3A_865 : i32
        %parallel_loop3A_867 = arith.index_cast %parallel_loop3A_866 : i32 to index
        %parallel_loop3A_868 = arith.constant 32 : index
        %parallel_loop3A_869 = tpu.vector_load %arg6[%parallel_loop3A_867, %parallel_loop3A_868] {strides = array<i32>} : memref<512x64xf32, #tpu.memory_space<vmem>>, vector<16xf32>,
        %parallel_loop3A_870 = arith.constant 8.000000e+00 : f32
        %parallel_loop3A_871 = vector.broadcast %parallel_loop3A_870 : f32 to vector<16xf32>
        %parallel_loop3A_872 = arith.mulf %parallel_loop3A_869, %parallel_loop3A_871 : vector<16xf32>
        %parallel_loop3A_873 = arith.addi %mul3A_682, %parallel_loop3A_845 : i32
        %parallel_loop3A_874 = arith.constant 0 : i32
        %parallel_loop3A_875 = arith.addi %parallel_loop3A_873, %parallel_loop3A_874 : i32
        %parallel_loop3A_876 = arith.index_cast %parallel_loop3A_875 : i32 to index
        %parallel_loop3A_877 = arith.constant 48 : index
        %parallel_loop3A_878 = tpu.vector_load %arg6[%parallel_loop3A_876, %parallel_loop3A_877] {strides = array<i32>} : memref<512x64xf32, #tpu.memory_space<vmem>>, vector<16xf32>,
        %parallel_loop3A_879 = arith.constant 8.000000e+00 : f32
        %parallel_loop3A_880 = vector.broadcast %parallel_loop3A_879 : f32 to vector<16xf32>
        %parallel_loop3A_881 = arith.mulf %parallel_loop3A_878, %parallel_loop3A_880 : vector<16xf32>
        %parallel_loop3A_882 = arith.addi %mul3A_682, %parallel_loop3A_845 : i32
        %parallel_loop3A_883 = arith.constant 1 : i32
        %parallel_loop3A_884 = arith.addi %parallel_loop3A_882, %parallel_loop3A_883 : i32
        %parallel_loop3A_885 = arith.index_cast %parallel_loop3A_884 : i32 to index
        %parallel_loop3A_886 = arith.constant 0 : index
        %parallel_loop3A_887 = tpu.vector_load %arg6[%parallel_loop3A_885, %parallel_loop3A_886] {strides = array<i32>} : memref<512x64xf32, #tpu.memory_space<vmem>>, vector<16xf32>,
        %parallel_loop3A_888 = arith.constant 8.000000e+00 : f32
        %parallel_loop3A_889 = vector.broadcast %parallel_loop3A_888 : f32 to vector<16xf32>
        %parallel_loop3A_890 = arith.mulf %parallel_loop3A_887, %parallel_loop3A_889 : vector<16xf32>
        %parallel_loop3A_891 = arith.addi %mul3A_682, %parallel_loop3A_845 : i32
        %parallel_loop3A_892 = arith.constant 1 : i32
        %parallel_loop3A_893 = arith.addi %parallel_loop3A_891, %parallel_loop3A_892 : i32
        %parallel_loop3A_894 = arith.index_cast %parallel_loop3A_893 : i32 to index
        %parallel_loop3A_895 = arith.constant 16 : index
        %parallel_loop3A_896 = tpu.vector_load %arg6[%parallel_loop3A_894, %parallel_loop3A_895] {strides = array<i32>} : memref<512x64xf32, #tpu.memory_space<vmem>>, vector<16xf32>,
        %parallel_loop3A_897 = arith.constant 8.000000e+00 : f32
        %parallel_loop3A_898 = vector.broadcast %parallel_loop3A_897 : f32 to vector<16xf32>
        %parallel_loop3A_899 = arith.mulf %parallel_loop3A_896, %parallel_loop3A_898 : vector<16xf32>
        %parallel_loop3A_900 = arith.addi %mul3A_682, %parallel_loop3A_845 : i32
        %parallel_loop3A_901 = arith.constant 1 : i32
        %parallel_loop3A_902 = arith.addi %parallel_loop3A_900, %parallel_loop3A_901 : i32
        %parallel_loop3A_903 = arith.index_cast %parallel_loop3A_902 : i32 to index
        %parallel_loop3A_904 = arith.constant 32 : index
        %parallel_loop3A_905 = tpu.vector_load %arg6[%parallel_loop3A_903, %parallel_loop3A_904] {strides = array<i32>} : memref<512x64xf32, #tpu.memory_space<vmem>>, vector<16xf32>,
        %parallel_loop3A_906 = arith.constant 8.000000e+00 : f32
        %parallel_loop3A_907 = vector.broadcast %parallel_loop3A_906 : f32 to vector<16xf32>
        %parallel_loop3A_908 = arith.mulf %parallel_loop3A_905, %parallel_loop3A_907 : vector<16xf32>
        %parallel_loop3A_909 = arith.addi %mul3A_682, %parallel_loop3A_845 : i32
        %parallel_loop3A_910 = arith.constant 1 : i32
        %parallel_loop3A_911 = arith.addi %parallel_loop3A_909, %parallel_loop3A_910 : i32
        %parallel_loop3A_912 = arith.index_cast %parallel_loop3A_911 : i32 to index
        %parallel_loop3A_913 = arith.constant 48 : index
        %parallel_loop3A_914 = tpu.vector_load %arg6[%parallel_loop3A_912, %parallel_loop3A_913] {strides = array<i32>} : memref<512x64xf32, #tpu.memory_space<vmem>>, vector<16xf32>,
        %parallel_loop3A_915 = arith.constant 8.000000e+00 : f32
        %parallel_loop3A_916 = vector.broadcast %parallel_loop3A_915 : f32 to vector<16xf32>
        %parallel_loop3A_917 = arith.mulf %parallel_loop3A_914, %parallel_loop3A_916 : vector<16xf32>
        %parallel_loop3A_918 = arith.addi %mul3A_682, %parallel_loop3A_845 : i32
        %parallel_loop3A_919 = arith.constant 2 : i32
        %parallel_loop3A_920 = arith.addi %parallel_loop3A_918, %parallel_loop3A_919 : i32
        %parallel_loop3A_921 = arith.index_cast %parallel_loop3A_920 : i32 to index
        %parallel_loop3A_922 = arith.constant 0 : index
        %parallel_loop3A_923 = tpu.vector_load %arg6[%parallel_loop3A_921, %parallel_loop3A_922] {strides = array<i32>} : memref<512x64xf32, #tpu.memory_space<vmem>>, vector<16xf32>,
        %parallel_loop3A_924 = arith.constant 8.000000e+00 : f32
        %parallel_loop3A_925 = vector.broadcast %parallel_loop3A_924 : f32 to vector<16xf32>
        %parallel_loop3A_926 = arith.mulf %parallel_loop3A_923, %parallel_loop3A_925 : vector<16xf32>
        %parallel_loop3A_927 = arith.addi %mul3A_682, %parallel_loop3A_845 : i32
        %parallel_loop3A_928 = arith.constant 2 : i32
        %parallel_loop3A_929 = arith.addi %parallel_loop3A_927, %parallel_loop3A_928 : i32
        %parallel_loop3A_930 = arith.index_cast %parallel_loop3A_929 : i32 to index
        %parallel_loop3A_931 = arith.constant 16 : index
        %parallel_loop3A_932 = tpu.vector_load %arg6[%parallel_loop3A_930, %parallel_loop3A_931] {strides = array<i32>} : memref<512x64xf32, #tpu.memory_space<vmem>>, vector<16xf32>,
        %parallel_loop3A_933 = arith.constant 8.000000e+00 : f32
        %parallel_loop3A_934 = vector.broadcast %parallel_loop3A_933 : f32 to vector<16xf32>
        %parallel_loop3A_935 = arith.mulf %parallel_loop3A_932, %parallel_loop3A_934 : vector<16xf32>
        %parallel_loop3A_936 = arith.addi %mul3A_682, %parallel_loop3A_845 : i32
        %parallel_loop3A_937 = arith.constant 2 : i32
        %parallel_loop3A_938 = arith.addi %parallel_loop3A_936, %parallel_loop3A_937 : i32
        %parallel_loop3A_939 = arith.index_cast %parallel_loop3A_938 : i32 to index
        %parallel_loop3A_940 = arith.constant 32 : index
        %parallel_loop3A_941 = tpu.vector_load %arg6[%parallel_loop3A_939, %parallel_loop3A_940] {strides = array<i32>} : memref<512x64xf32, #tpu.memory_space<vmem>>, vector<16xf32>,
        %parallel_loop3A_942 = arith.constant 8.000000e+00 : f32
        %parallel_loop3A_943 = vector.broadcast %parallel_loop3A_942 : f32 to vector<16xf32>
        %parallel_loop3A_944 = arith.mulf %parallel_loop3A_941, %parallel_loop3A_943 : vector<16xf32>
        %parallel_loop3A_945 = arith.addi %mul3A_682, %parallel_loop3A_845 : i32
        %parallel_loop3A_946 = arith.constant 2 : i32
        %parallel_loop3A_947 = arith.addi %parallel_loop3A_945, %parallel_loop3A_946 : i32
        %parallel_loop3A_948 = arith.index_cast %parallel_loop3A_947 : i32 to index
        %parallel_loop3A_949 = arith.constant 48 : index
        %parallel_loop3A_950 = tpu.vector_load %arg6[%parallel_loop3A_948, %parallel_loop3A_949] {strides = array<i32>} : memref<512x64xf32, #tpu.memory_space<vmem>>, vector<16xf32>,
        %parallel_loop3A_951 = arith.constant 8.000000e+00 : f32
        %parallel_loop3A_952 = vector.broadcast %parallel_loop3A_951 : f32 to vector<16xf32>
        %parallel_loop3A_953 = arith.mulf %parallel_loop3A_950, %parallel_loop3A_952 : vector<16xf32>
        %parallel_loop3A_954 = arith.addi %mul3A_682, %parallel_loop3A_845 : i32
        %parallel_loop3A_955 = arith.constant 3 : i32
        %parallel_loop3A_956 = arith.addi %parallel_loop3A_954, %parallel_loop3A_955 : i32
        %parallel_loop3A_957 = arith.index_cast %parallel_loop3A_956 : i32 to index
        %parallel_loop3A_958 = arith.constant 0 : index
        %parallel_loop3A_959 = tpu.vector_load %arg6[%parallel_loop3A_957, %parallel_loop3A_958] {strides = array<i32>} : memref<512x64xf32, #tpu.memory_space<vmem>>, vector<16xf32>,
        %parallel_loop3A_960 = arith.constant 8.000000e+00 : f32
        %parallel_loop3A_961 = vector.broadcast %parallel_loop3A_960 : f32 to vector<16xf32>
        %parallel_loop3A_962 = arith.mulf %parallel_loop3A_959, %parallel_loop3A_961 : vector<16xf32>
        %parallel_loop3A_963 = arith.addi %mul3A_682, %parallel_loop3A_845 : i32
        %parallel_loop3A_964 = arith.constant 3 : i32
        %parallel_loop3A_965 = arith.addi %parallel_loop3A_963, %parallel_loop3A_964 : i32
        %parallel_loop3A_966 = arith.index_cast %parallel_loop3A_965 : i32 to index
        %parallel_loop3A_967 = arith.constant 16 : index
        %parallel_loop3A_968 = tpu.vector_load %arg6[%parallel_loop3A_966, %parallel_loop3A_967] {strides = array<i32>} : memref<512x64xf32, #tpu.memory_space<vmem>>, vector<16xf32>,
        %parallel_loop3A_969 = arith.constant 8.000000e+00 : f32
        %parallel_loop3A_970 = vector.broadcast %parallel_loop3A_969 : f32 to vector<16xf32>
        %parallel_loop3A_971 = arith.mulf %parallel_loop3A_968, %parallel_loop3A_970 : vector<16xf32>
        %parallel_loop3A_972 = arith.addi %mul3A_682, %parallel_loop3A_845 : i32
        %parallel_loop3A_973 = arith.constant 3 : i32
        %parallel_loop3A_974 = arith.addi %parallel_loop3A_972, %parallel_loop3A_973 : i32
        %parallel_loop3A_975 = arith.index_cast %parallel_loop3A_974 : i32 to index
        %parallel_loop3A_976 = arith.constant 32 : index
        %parallel_loop3A_977 = tpu.vector_load %arg6[%parallel_loop3A_975, %parallel_loop3A_976] {strides = array<i32>} : memref<512x64xf32, #tpu.memory_space<vmem>>, vector<16xf32>,
        %parallel_loop3A_978 = arith.constant 8.000000e+00 : f32
        %parallel_loop3A_979 = vector.broadcast %parallel_loop3A_978 : f32 to vector<16xf32>
        %parallel_loop3A_980 = arith.mulf %parallel_loop3A_977, %parallel_loop3A_979 : vector<16xf32>
        %parallel_loop3A_981 = arith.addi %mul3A_682, %parallel_loop3A_845 : i32
        %parallel_loop3A_982 = arith.constant 3 : i32
        %parallel_loop3A_983 = arith.addi %parallel_loop3A_981, %parallel_loop3A_982 : i32
        %parallel_loop3A_984 = arith.index_cast %parallel_loop3A_983 : i32 to index
        %parallel_loop3A_985 = arith.constant 48 : index
        %parallel_loop3A_986 = tpu.vector_load %arg6[%parallel_loop3A_984, %parallel_loop3A_985] {strides = array<i32>} : memref<512x64xf32, #tpu.memory_space<vmem>>, vector<16xf32>,
        %parallel_loop3A_987 = arith.constant 8.000000e+00 : f32
        %parallel_loop3A_988 = vector.broadcast %parallel_loop3A_987 : f32 to vector<16xf32>
        %parallel_loop3A_989 = arith.mulf %parallel_loop3A_986, %parallel_loop3A_988 : vector<16xf32>
        %parallel_loop3A_990 = arith.constant 0 : i32
        %parallel_loop3A_991 = arith.addi %parallel_loop3A_845, %parallel_loop3A_990 : i32
        %parallel_loop3A_992 = vector.broadcast %parallel_loop3A_991 : i32 to vector<16xi32>
        %parallel_loop3A_993 = arith.constant 0 : i32
        %parallel_loop3A_994 = arith.addi %mul3A_684, %parallel_loop3A_993 : i32
        %parallel_loop3A_995 = vector.broadcast %parallel_loop3A_994 : i32 to vector<16xi32>
        %parallel_loop3A_996 = arith.addi %parallel_loop3A_995, %iota3A : vector<16xi32>
        tpu.vector_store_idx %arg7[%parallel_loop3A_996, %parallel_loop3A_992], %parallel_loop3A_854 : memref<256x129xf32, #tpu.memory_space<vmem>>[vector<16xi32>, vector<16xi32>], vector<16xf32>,
        %parallel_loop3A_997 = arith.constant 16 : i32
        %parallel_loop3A_998 = arith.addi %mul3A_684, %parallel_loop3A_997 : i32
        %parallel_loop3A_999 = vector.broadcast %parallel_loop3A_998 : i32 to vector<16xi32>
        %parallel_loop3A_1000 = arith.addi %parallel_loop3A_999, %iota3A : vector<16xi32>
        tpu.vector_store_idx %arg7[%parallel_loop3A_1000, %parallel_loop3A_992], %parallel_loop3A_863 : memref<256x129xf32, #tpu.memory_space<vmem>>[vector<16xi32>, vector<16xi32>], vector<16xf32>,
        %parallel_loop3A_1001 = arith.constant 32 : i32
        %parallel_loop3A_1002 = arith.addi %mul3A_684, %parallel_loop3A_1001 : i32
        %parallel_loop3A_1003 = vector.broadcast %parallel_loop3A_1002 : i32 to vector<16xi32>
        %parallel_loop3A_1004 = arith.addi %parallel_loop3A_1003, %iota3A : vector<16xi32>
        tpu.vector_store_idx %arg7[%parallel_loop3A_1004, %parallel_loop3A_992], %parallel_loop3A_872 : memref<256x129xf32, #tpu.memory_space<vmem>>[vector<16xi32>, vector<16xi32>], vector<16xf32>,
        %parallel_loop3A_1005 = arith.constant 48 : i32
        %parallel_loop3A_1006 = arith.addi %mul3A_684, %parallel_loop3A_1005 : i32
        %parallel_loop3A_1007 = vector.broadcast %parallel_loop3A_1006 : i32 to vector<16xi32>
        %parallel_loop3A_1008 = arith.addi %parallel_loop3A_1007, %iota3A : vector<16xi32>
        tpu.vector_store_idx %arg7[%parallel_loop3A_1008, %parallel_loop3A_992], %parallel_loop3A_881 : memref<256x129xf32, #tpu.memory_space<vmem>>[vector<16xi32>, vector<16xi32>], vector<16xf32>,
        %parallel_loop3A_1009 = arith.constant 1 : i32
        %parallel_loop3A_1010 = arith.addi %parallel_loop3A_845, %parallel_loop3A_1009 : i32
        %parallel_loop3A_1011 = vector.broadcast %parallel_loop3A_1010 : i32 to vector<16xi32>
        %parallel_loop3A_1012 = arith.constant 0 : i32
        %parallel_loop3A_1013 = arith.addi %mul3A_684, %parallel_loop3A_1012 : i32
        %parallel_loop3A_1014 = vector.broadcast %parallel_loop3A_1013 : i32 to vector<16xi32>
        %parallel_loop3A_1015 = arith.addi %parallel_loop3A_1014, %iota3A : vector<16xi32>
        tpu.vector_store_idx %arg7[%parallel_loop3A_1015, %parallel_loop3A_1011], %parallel_loop3A_890 : memref<256x129xf32, #tpu.memory_space<vmem>>[vector<16xi32>, vector<16xi32>], vector<16xf32>,
        %parallel_loop3A_1016 = arith.constant 16 : i32
        %parallel_loop3A_1017 = arith.addi %mul3A_684, %parallel_loop3A_1016 : i32
        %parallel_loop3A_1018 = vector.broadcast %parallel_loop3A_1017 : i32 to vector<16xi32>
        %parallel_loop3A_1019 = arith.addi %parallel_loop3A_1018, %iota3A : vector<16xi32>
        tpu.vector_store_idx %arg7[%parallel_loop3A_1019, %parallel_loop3A_1011], %parallel_loop3A_899 : memref<256x129xf32, #tpu.memory_space<vmem>>[vector<16xi32>, vector<16xi32>], vector<16xf32>,
        %parallel_loop3A_1020 = arith.constant 32 : i32
        %parallel_loop3A_1021 = arith.addi %mul3A_684, %parallel_loop3A_1020 : i32
        %parallel_loop3A_1022 = vector.broadcast %parallel_loop3A_1021 : i32 to vector<16xi32>
        %parallel_loop3A_1023 = arith.addi %parallel_loop3A_1022, %iota3A : vector<16xi32>
        tpu.vector_store_idx %arg7[%parallel_loop3A_1023, %parallel_loop3A_1011], %parallel_loop3A_908 : memref<256x129xf32, #tpu.memory_space<vmem>>[vector<16xi32>, vector<16xi32>], vector<16xf32>,
        %parallel_loop3A_1024 = arith.constant 48 : i32
        %parallel_loop3A_1025 = arith.addi %mul3A_684, %parallel_loop3A_1024 : i32
        %parallel_loop3A_1026 = vector.broadcast %parallel_loop3A_1025 : i32 to vector<16xi32>
        %parallel_loop3A_1027 = arith.addi %parallel_loop3A_1026, %iota3A : vector<16xi32>
        tpu.vector_store_idx %arg7[%parallel_loop3A_1027, %parallel_loop3A_1011], %parallel_loop3A_917 : memref<256x129xf32, #tpu.memory_space<vmem>>[vector<16xi32>, vector<16xi32>], vector<16xf32>,
        %parallel_loop3A_1028 = arith.constant 2 : i32
        %parallel_loop3A_1029 = arith.addi %parallel_loop3A_845, %parallel_loop3A_1028 : i32
        %parallel_loop3A_1030 = vector.broadcast %parallel_loop3A_1029 : i32 to vector<16xi32>
        %parallel_loop3A_1031 = arith.constant 0 : i32
        %parallel_loop3A_1032 = arith.addi %mul3A_684, %parallel_loop3A_1031 : i32
        %parallel_loop3A_1033 = vector.broadcast %parallel_loop3A_1032 : i32 to vector<16xi32>
        %parallel_loop3A_1034 = arith.addi %parallel_loop3A_1033, %iota3A : vector<16xi32>
        tpu.vector_store_idx %arg7[%parallel_loop3A_1034, %parallel_loop3A_1030], %parallel_loop3A_926 : memref<256x129xf32, #tpu.memory_space<vmem>>[vector<16xi32>, vector<16xi32>], vector<16xf32>,
        %parallel_loop3A_1035 = arith.constant 16 : i32
        %parallel_loop3A_1036 = arith.addi %mul3A_684, %parallel_loop3A_1035 : i32
        %parallel_loop3A_1037 = vector.broadcast %parallel_loop3A_1036 : i32 to vector<16xi32>
        %parallel_loop3A_1038 = arith.addi %parallel_loop3A_1037, %iota3A : vector<16xi32>
        tpu.vector_store_idx %arg7[%parallel_loop3A_1038, %parallel_loop3A_1030], %parallel_loop3A_935 : memref<256x129xf32, #tpu.memory_space<vmem>>[vector<16xi32>, vector<16xi32>], vector<16xf32>,
        %parallel_loop3A_1039 = arith.constant 32 : i32
        %parallel_loop3A_1040 = arith.addi %mul3A_684, %parallel_loop3A_1039 : i32
        %parallel_loop3A_1041 = vector.broadcast %parallel_loop3A_1040 : i32 to vector<16xi32>
        %parallel_loop3A_1042 = arith.addi %parallel_loop3A_1041, %iota3A : vector<16xi32>
        tpu.vector_store_idx %arg7[%parallel_loop3A_1042, %parallel_loop3A_1030], %parallel_loop3A_944 : memref<256x129xf32, #tpu.memory_space<vmem>>[vector<16xi32>, vector<16xi32>], vector<16xf32>,
        %parallel_loop3A_1043 = arith.constant 48 : i32
        %parallel_loop3A_1044 = arith.addi %mul3A_684, %parallel_loop3A_1043 : i32
        %parallel_loop3A_1045 = vector.broadcast %parallel_loop3A_1044 : i32 to vector<16xi32>
        %parallel_loop3A_1046 = arith.addi %parallel_loop3A_1045, %iota3A : vector<16xi32>
        tpu.vector_store_idx %arg7[%parallel_loop3A_1046, %parallel_loop3A_1030], %parallel_loop3A_953 : memref<256x129xf32, #tpu.memory_space<vmem>>[vector<16xi32>, vector<16xi32>], vector<16xf32>,
        %parallel_loop3A_1047 = arith.constant 3 : i32
        %parallel_loop3A_1048 = arith.addi %parallel_loop3A_845, %parallel_loop3A_1047 : i32
        %parallel_loop3A_1049 = vector.broadcast %parallel_loop3A_1048 : i32 to vector<16xi32>
        %parallel_loop3A_1050 = arith.constant 0 : i32
        %parallel_loop3A_1051 = arith.addi %mul3A_684, %parallel_loop3A_1050 : i32
        %parallel_loop3A_1052 = vector.broadcast %parallel_loop3A_1051 : i32 to vector<16xi32>
        %parallel_loop3A_1053 = arith.addi %parallel_loop3A_1052, %iota3A : vector<16xi32>
        tpu.vector_store_idx %arg7[%parallel_loop3A_1053, %parallel_loop3A_1049], %parallel_loop3A_962 : memref<256x129xf32, #tpu.memory_space<vmem>>[vector<16xi32>, vector<16xi32>], vector<16xf32>,
        %parallel_loop3A_1054 = arith.constant 16 : i32
        %parallel_loop3A_1055 = arith.addi %mul3A_684, %parallel_loop3A_1054 : i32
        %parallel_loop3A_1056 = vector.broadcast %parallel_loop3A_1055 : i32 to vector<16xi32>
        %parallel_loop3A_1057 = arith.addi %parallel_loop3A_1056, %iota3A : vector<16xi32>
        tpu.vector_store_idx %arg7[%parallel_loop3A_1057, %parallel_loop3A_1049], %parallel_loop3A_971 : memref<256x129xf32, #tpu.memory_space<vmem>>[vector<16xi32>, vector<16xi32>], vector<16xf32>,
        %parallel_loop3A_1058 = arith.constant 32 : i32
        %parallel_loop3A_1059 = arith.addi %mul3A_684, %parallel_loop3A_1058 : i32
        %parallel_loop3A_1060 = vector.broadcast %parallel_loop3A_1059 : i32 to vector<16xi32>
        %parallel_loop3A_1061 = arith.addi %parallel_loop3A_1060, %iota3A : vector<16xi32>
        tpu.vector_store_idx %arg7[%parallel_loop3A_1061, %parallel_loop3A_1049], %parallel_loop3A_980 : memref<256x129xf32, #tpu.memory_space<vmem>>[vector<16xi32>, vector<16xi32>], vector<16xf32>,
        %parallel_loop3A_1062 = arith.constant 48 : i32
        %parallel_loop3A_1063 = arith.addi %mul3A_684, %parallel_loop3A_1062 : i32
        %parallel_loop3A_1064 = vector.broadcast %parallel_loop3A_1063 : i32 to vector<16xi32>
        %parallel_loop3A_1065 = arith.addi %parallel_loop3A_1064, %iota3A : vector<16xi32>
        tpu.vector_store_idx %arg7[%parallel_loop3A_1065, %parallel_loop3A_1049], %parallel_loop3A_989 : memref<256x129xf32, #tpu.memory_space<vmem>>[vector<16xi32>, vector<16xi32>], vector<16xf32>,
      } {sc.loop_unroll_factor = 2 : i64, sc.parallel_access}
      %mul3A_687 = arith.constant 64 : i32
      %mul3A_688 = arith.muli %rem3A_666, %mul3A_687 : i32
      %add3A_689 = arith.constant 0 : i32
      %add3A_690 = arith.addi %mul3A_688, %add3A_689 : i32
      %dma_start3A_691 = arith.constant 0 : i32
      %dma_start3A_692 = arith.constant 0 : i32
      %dma_start3A_693 = tpu.memref_slice %arg7[%add3A_690, %dma_start3A_692] : memref<256x129xf32, #tpu.memory_space<vmem>> -> memref<8x128xf32, #tpu.memory_space<vmem>>
      %dma_start3A_694 = arith.constant 0 : i32
      %dma_start3A_695 = arith.constant 0 : i32
      %dma_start3A_696 = tpu.memref_slice %arg4[%scan3A_663, %dma_start3A_691, %add3A, %dma_start3A_694, %dma_start3A_695] : memref<200x8x32x8x128xf32, #tpu.memory_space<hbm>> -> memref<1x1x1x8x128xf32, #tpu.memory_space<hbm>>
      %dma_start3A_697 = tpu.memref_squeeze %dma_start3A_696 : memref<1x1x1x8x128xf32, #tpu.memory_space<hbm>> -> memref<8x128xf32, #tpu.memory_space<hbm>>
      %dma_start3A_698 = tpu.memref_slice %arg9[%rem3A_666] : memref<4x!tpu.dma_semaphore, #tpu.memory_space<semaphore_mem>> -> memref<1x!tpu.dma_semaphore, #tpu.memory_space<semaphore_mem>>
      %dma_start3A_699 = tpu.memref_squeeze %dma_start3A_698 : memref<1x!tpu.dma_semaphore, #tpu.memory_space<semaphore_mem>> -> memref<!tpu.dma_semaphore, #tpu.memory_space<semaphore_mem>>
      %dma_start3A_700 = arith.constant 0 : i32
      %dma_start3A_701 = arith.constant 0 : i32
      %dma_start3A_702 = tpu.memref_slice %arg4[%scan3A_663, %dma_start3A_691, %add3A, %dma_start3A_700, %dma_start3A_701] : memref<200x8x32x8x128xf32, #tpu.memory_space<hbm>> -> memref<1x1x1x8x128xf32, #tpu.memory_space<hbm>>
      %dma_start3A_703 = tpu.memref_squeeze %dma_start3A_702 : memref<1x1x1x8x128xf32, #tpu.memory_space<hbm>> -> memref<8x128xf32, #tpu.memory_space<hbm>>
      %dma_start3A_704 = arith.constant 0 : i32
      %dma_start3A_705 = tpu.memref_slice %arg7[%add3A_690, %dma_start3A_704] : memref<256x129xf32, #tpu.memory_space<vmem>> -> memref<8x128xf32, #tpu.memory_space<vmem>>
      tpu.enqueue_dma source(%dma_start3A_705 : memref<8x128xf32, #tpu.memory_space<vmem>>) target(%dma_start3A_703 : memref<8x128xf32, #tpu.memory_space<hbm>>) target_semaphore(%dma_start3A_699 : memref<!tpu.dma_semaphore, #tpu.memory_space<semaphore_mem>>)
      %mul3A_706 = arith.constant 64 : i32
      %mul3A_707 = arith.muli %rem3A_666, %mul3A_706 : i32
      %add3A_708 = arith.constant 8 : i32
      %add3A_709 = arith.addi %mul3A_707, %add3A_708 : i32
      %dma_start3A_710 = arith.constant 1 : i32
      %dma_start3A_711 = arith.constant 0 : i32
      %dma_start3A_712 = tpu.memref_slice %arg7[%add3A_709, %dma_start3A_711] : memref<256x129xf32, #tpu.memory_space<vmem>> -> memref<8x128xf32, #tpu.memory_space<vmem>>
      %dma_start3A_713 = arith.constant 0 : i32
      %dma_start3A_714 = arith.constant 0 : i32
      %dma_start3A_715 = tpu.memref_slice %arg4[%scan3A_663, %dma_start3A_710, %add3A, %dma_start3A_713, %dma_start3A_714] : memref<200x8x32x8x128xf32, #tpu.memory_space<hbm>> -> memref<1x1x1x8x128xf32, #tpu.memory_space<hbm>>
      %dma_start3A_716 = tpu.memref_squeeze %dma_start3A_715 : memref<1x1x1x8x128xf32, #tpu.memory_space<hbm>> -> memref<8x128xf32, #tpu.memory_space<hbm>>
      %dma_start3A_717 = tpu.memref_slice %arg9[%rem3A_666] : memref<4x!tpu.dma_semaphore, #tpu.memory_space<semaphore_mem>> -> memref<1x!tpu.dma_semaphore, #tpu.memory_space<semaphore_mem>>
      %dma_start3A_718 = tpu.memref_squeeze %dma_start3A_717 : memref<1x!tpu.dma_semaphore, #tpu.memory_space<semaphore_mem>> -> memref<!tpu.dma_semaphore, #tpu.memory_space<semaphore_mem>>
      %dma_start3A_719 = arith.constant 0 : i32
      %dma_start3A_720 = arith.constant 0 : i32
      %dma_start3A_721 = tpu.memref_slice %arg4[%scan3A_663, %dma_start3A_710, %add3A, %dma_start3A_719, %dma_start3A_720] : memref<200x8x32x8x128xf32, #tpu.memory_space<hbm>> -> memref<1x1x1x8x128xf32, #tpu.memory_space<hbm>>
      %dma_start3A_722 = tpu.memref_squeeze %dma_start3A_721 : memref<1x1x1x8x128xf32, #tpu.memory_space<hbm>> -> memref<8x128xf32, #tpu.memory_space<hbm>>
      %dma_start3A_723 = arith.constant 0 : i32
      %dma_start3A_724 = tpu.memref_slice %arg7[%add3A_709, %dma_start3A_723] : memref<256x129xf32, #tpu.memory_space<vmem>> -> memref<8x128xf32, #tpu.memory_space<vmem>>
      tpu.enqueue_dma source(%dma_start3A_724 : memref<8x128xf32, #tpu.memory_space<vmem>>) target(%dma_start3A_722 : memref<8x128xf32, #tpu.memory_space<hbm>>) target_semaphore(%dma_start3A_718 : memref<!tpu.dma_semaphore, #tpu.memory_space<semaphore_mem>>)
      %mul3A_725 = arith.constant 64 : i32
      %mul3A_726 = arith.muli %rem3A_666, %mul3A_725 : i32
      %add3A_727 = arith.constant 16 : i32
      %add3A_728 = arith.addi %mul3A_726, %add3A_727 : i32
      %dma_start3A_729 = arith.constant 2 : i32
      %dma_start3A_730 = arith.constant 0 : i32
      %dma_start3A_731 = tpu.memref_slice %arg7[%add3A_728, %dma_start3A_730] : memref<256x129xf32, #tpu.memory_space<vmem>> -> memref<8x128xf32, #tpu.memory_space<vmem>>
      %dma_start3A_732 = arith.constant 0 : i32
      %dma_start3A_733 = arith.constant 0 : i32
      %dma_start3A_734 = tpu.memref_slice %arg4[%scan3A_663, %dma_start3A_729, %add3A, %dma_start3A_732, %dma_start3A_733] : memref<200x8x32x8x128xf32, #tpu.memory_space<hbm>> -> memref<1x1x1x8x128xf32, #tpu.memory_space<hbm>>
      %dma_start3A_735 = tpu.memref_squeeze %dma_start3A_734 : memref<1x1x1x8x128xf32, #tpu.memory_space<hbm>> -> memref<8x128xf32, #tpu.memory_space<hbm>>
      %dma_start3A_736 = tpu.memref_slice %arg9[%rem3A_666] : memref<4x!tpu.dma_semaphore, #tpu.memory_space<semaphore_mem>> -> memref<1x!tpu.dma_semaphore, #tpu.memory_space<semaphore_mem>>
      %dma_start3A_737 = tpu.memref_squeeze %dma_start3A_736 : memref<1x!tpu.dma_semaphore, #tpu.memory_space<semaphore_mem>> -> memref<!tpu.dma_semaphore, #tpu.memory_space<semaphore_mem>>
      %dma_start3A_738 = arith.constant 0 : i32
      %dma_start3A_739 = arith.constant 0 : i32
      %dma_start3A_740 = tpu.memref_slice %arg4[%scan3A_663, %dma_start3A_729, %add3A, %dma_start3A_738, %dma_start3A_739] : memref<200x8x32x8x128xf32, #tpu.memory_space<hbm>> -> memref<1x1x1x8x128xf32, #tpu.memory_space<hbm>>
      %dma_start3A_741 = tpu.memref_squeeze %dma_start3A_740 : memref<1x1x1x8x128xf32, #tpu.memory_space<hbm>> -> memref<8x128xf32, #tpu.memory_space<hbm>>
      %dma_start3A_742 = arith.constant 0 : i32
      %dma_start3A_743 = tpu.memref_slice %arg7[%add3A_728, %dma_start3A_742] : memref<256x129xf32, #tpu.memory_space<vmem>> -> memref<8x128xf32, #tpu.memory_space<vmem>>
      tpu.enqueue_dma source(%dma_start3A_743 : memref<8x128xf32, #tpu.memory_space<vmem>>) target(%dma_start3A_741 : memref<8x128xf32, #tpu.memory_space<hbm>>) target_semaphore(%dma_start3A_737 : memref<!tpu.dma_semaphore, #tpu.memory_space<semaphore_mem>>)
      %mul3A_744 = arith.constant 64 : i32
      %mul3A_745 = arith.muli %rem3A_666, %mul3A_744 : i32
      %add3A_746 = arith.constant 24 : i32
      %add3A_747 = arith.addi %mul3A_745, %add3A_746 : i32
      %dma_start3A_748 = arith.constant 3 : i32
      %dma_start3A_749 = arith.constant 0 : i32
      %dma_start3A_750 = tpu.memref_slice %arg7[%add3A_747, %dma_start3A_749] : memref<256x129xf32, #tpu.memory_space<vmem>> -> memref<8x128xf32, #tpu.memory_space<vmem>>
      %dma_start3A_751 = arith.constant 0 : i32
      %dma_start3A_752 = arith.constant 0 : i32
      %dma_start3A_753 = tpu.memref_slice %arg4[%scan3A_663, %dma_start3A_748, %add3A, %dma_start3A_751, %dma_start3A_752] : memref<200x8x32x8x128xf32, #tpu.memory_space<hbm>> -> memref<1x1x1x8x128xf32, #tpu.memory_space<hbm>>
      %dma_start3A_754 = tpu.memref_squeeze %dma_start3A_753 : memref<1x1x1x8x128xf32, #tpu.memory_space<hbm>> -> memref<8x128xf32, #tpu.memory_space<hbm>>
      %dma_start3A_755 = tpu.memref_slice %arg9[%rem3A_666] : memref<4x!tpu.dma_semaphore, #tpu.memory_space<semaphore_mem>> -> memref<1x!tpu.dma_semaphore, #tpu.memory_space<semaphore_mem>>
      %dma_start3A_756 = tpu.memref_squeeze %dma_start3A_755 : memref<1x!tpu.dma_semaphore, #tpu.memory_space<semaphore_mem>> -> memref<!tpu.dma_semaphore, #tpu.memory_space<semaphore_mem>>
      %dma_start3A_757 = arith.constant 0 : i32
      %dma_start3A_758 = arith.constant 0 : i32
      %dma_start3A_759 = tpu.memref_slice %arg4[%scan3A_663, %dma_start3A_748, %add3A, %dma_start3A_757, %dma_start3A_758] : memref<200x8x32x8x128xf32, #tpu.memory_space<hbm>> -> memref<1x1x1x8x128xf32, #tpu.memory_space<hbm>>
      %dma_start3A_760 = tpu.memref_squeeze %dma_start3A_759 : memref<1x1x1x8x128xf32, #tpu.memory_space<hbm>> -> memref<8x128xf32, #tpu.memory_space<hbm>>
      %dma_start3A_761 = arith.constant 0 : i32
      %dma_start3A_762 = tpu.memref_slice %arg7[%add3A_747, %dma_start3A_761] : memref<256x129xf32, #tpu.memory_space<vmem>> -> memref<8x128xf32, #tpu.memory_space<vmem>>
      tpu.enqueue_dma source(%dma_start3A_762 : memref<8x128xf32, #tpu.memory_space<vmem>>) target(%dma_start3A_760 : memref<8x128xf32, #tpu.memory_space<hbm>>) target_semaphore(%dma_start3A_756 : memref<!tpu.dma_semaphore, #tpu.memory_space<semaphore_mem>>)
      %mul3A_763 = arith.constant 64 : i32
      %mul3A_764 = arith.muli %rem3A_666, %mul3A_763 : i32
      %add3A_765 = arith.constant 32 : i32
      %add3A_766 = arith.addi %mul3A_764, %add3A_765 : i32
      %dma_start3A_767 = arith.constant 4 : i32
      %dma_start3A_768 = arith.constant 0 : i32
      %dma_start3A_769 = tpu.memref_slice %arg7[%add3A_766, %dma_start3A_768] : memref<256x129xf32, #tpu.memory_space<vmem>> -> memref<8x128xf32, #tpu.memory_space<vmem>>
      %dma_start3A_770 = arith.constant 0 : i32
      %dma_start3A_771 = arith.constant 0 : i32
      %dma_start3A_772 = tpu.memref_slice %arg4[%scan3A_663, %dma_start3A_767, %add3A, %dma_start3A_770, %dma_start3A_771] : memref<200x8x32x8x128xf32, #tpu.memory_space<hbm>> -> memref<1x1x1x8x128xf32, #tpu.memory_space<hbm>>
      %dma_start3A_773 = tpu.memref_squeeze %dma_start3A_772 : memref<1x1x1x8x128xf32, #tpu.memory_space<hbm>> -> memref<8x128xf32, #tpu.memory_space<hbm>>
      %dma_start3A_774 = tpu.memref_slice %arg9[%rem3A_666] : memref<4x!tpu.dma_semaphore, #tpu.memory_space<semaphore_mem>> -> memref<1x!tpu.dma_semaphore, #tpu.memory_space<semaphore_mem>>
      %dma_start3A_775 = tpu.memref_squeeze %dma_start3A_774 : memref<1x!tpu.dma_semaphore, #tpu.memory_space<semaphore_mem>> -> memref<!tpu.dma_semaphore, #tpu.memory_space<semaphore_mem>>
      %dma_start3A_776 = arith.constant 0 : i32
      %dma_start3A_777 = arith.constant 0 : i32
      %dma_start3A_778 = tpu.memref_slice %arg4[%scan3A_663, %dma_start3A_767, %add3A, %dma_start3A_776, %dma_start3A_777] : memref<200x8x32x8x128xf32, #tpu.memory_space<hbm>> -> memref<1x1x1x8x128xf32, #tpu.memory_space<hbm>>
      %dma_start3A_779 = tpu.memref_squeeze %dma_start3A_778 : memref<1x1x1x8x128xf32, #tpu.memory_space<hbm>> -> memref<8x128xf32, #tpu.memory_space<hbm>>
      %dma_start3A_780 = arith.constant 0 : i32
      %dma_start3A_781 = tpu.memref_slice %arg7[%add3A_766, %dma_start3A_780] : memref<256x129xf32, #tpu.memory_space<vmem>> -> memref<8x128xf32, #tpu.memory_space<vmem>>
      tpu.enqueue_dma source(%dma_start3A_781 : memref<8x128xf32, #tpu.memory_space<vmem>>) target(%dma_start3A_779 : memref<8x128xf32, #tpu.memory_space<hbm>>) target_semaphore(%dma_start3A_775 : memref<!tpu.dma_semaphore, #tpu.memory_space<semaphore_mem>>)
      %mul3A_782 = arith.constant 64 : i32
      %mul3A_783 = arith.muli %rem3A_666, %mul3A_782 : i32
      %add3A_784 = arith.constant 40 : i32
      %add3A_785 = arith.addi %mul3A_783, %add3A_784 : i32
      %dma_start3A_786 = arith.constant 5 : i32
      %dma_start3A_787 = arith.constant 0 : i32
      %dma_start3A_788 = tpu.memref_slice %arg7[%add3A_785, %dma_start3A_787] : memref<256x129xf32, #tpu.memory_space<vmem>> -> memref<8x128xf32, #tpu.memory_space<vmem>>
      %dma_start3A_789 = arith.constant 0 : i32
      %dma_start3A_790 = arith.constant 0 : i32
      %dma_start3A_791 = tpu.memref_slice %arg4[%scan3A_663, %dma_start3A_786, %add3A, %dma_start3A_789, %dma_start3A_790] : memref<200x8x32x8x128xf32, #tpu.memory_space<hbm>> -> memref<1x1x1x8x128xf32, #tpu.memory_space<hbm>>
      %dma_start3A_792 = tpu.memref_squeeze %dma_start3A_791 : memref<1x1x1x8x128xf32, #tpu.memory_space<hbm>> -> memref<8x128xf32, #tpu.memory_space<hbm>>
      %dma_start3A_793 = tpu.memref_slice %arg9[%rem3A_666] : memref<4x!tpu.dma_semaphore, #tpu.memory_space<semaphore_mem>> -> memref<1x!tpu.dma_semaphore, #tpu.memory_space<semaphore_mem>>
      %dma_start3A_794 = tpu.memref_squeeze %dma_start3A_793 : memref<1x!tpu.dma_semaphore, #tpu.memory_space<semaphore_mem>> -> memref<!tpu.dma_semaphore, #tpu.memory_space<semaphore_mem>>
      %dma_start3A_795 = arith.constant 0 : i32
      %dma_start3A_796 = arith.constant 0 : i32
      %dma_start3A_797 = tpu.memref_slice %arg4[%scan3A_663, %dma_start3A_786, %add3A, %dma_start3A_795, %dma_start3A_796] : memref<200x8x32x8x128xf32, #tpu.memory_space<hbm>> -> memref<1x1x1x8x128xf32, #tpu.memory_space<hbm>>
      %dma_start3A_798 = tpu.memref_squeeze %dma_start3A_797 : memref<1x1x1x8x128xf32, #tpu.memory_space<hbm>> -> memref<8x128xf32, #tpu.memory_space<hbm>>
      %dma_start3A_799 = arith.constant 0 : i32
      %dma_start3A_800 = tpu.memref_slice %arg7[%add3A_785, %dma_start3A_799] : memref<256x129xf32, #tpu.memory_space<vmem>> -> memref<8x128xf32, #tpu.memory_space<vmem>>
      tpu.enqueue_dma source(%dma_start3A_800 : memref<8x128xf32, #tpu.memory_space<vmem>>) target(%dma_start3A_798 : memref<8x128xf32, #tpu.memory_space<hbm>>) target_semaphore(%dma_start3A_794 : memref<!tpu.dma_semaphore, #tpu.memory_space<semaphore_mem>>)
      %mul3A_801 = arith.constant 64 : i32
      %mul3A_802 = arith.muli %rem3A_666, %mul3A_801 : i32
      %add3A_803 = arith.constant 48 : i32
      %add3A_804 = arith.addi %mul3A_802, %add3A_803 : i32
      %dma_start3A_805 = arith.constant 6 : i32
      %dma_start3A_806 = arith.constant 0 : i32
      %dma_start3A_807 = tpu.memref_slice %arg7[%add3A_804, %dma_start3A_806] : memref<256x129xf32, #tpu.memory_space<vmem>> -> memref<8x128xf32, #tpu.memory_space<vmem>>
      %dma_start3A_808 = arith.constant 0 : i32
      %dma_start3A_809 = arith.constant 0 : i32
      %dma_start3A_810 = tpu.memref_slice %arg4[%scan3A_663, %dma_start3A_805, %add3A, %dma_start3A_808, %dma_start3A_809] : memref<200x8x32x8x128xf32, #tpu.memory_space<hbm>> -> memref<1x1x1x8x128xf32, #tpu.memory_space<hbm>>
      %dma_start3A_811 = tpu.memref_squeeze %dma_start3A_810 : memref<1x1x1x8x128xf32, #tpu.memory_space<hbm>> -> memref<8x128xf32, #tpu.memory_space<hbm>>
      %dma_start3A_812 = tpu.memref_slice %arg9[%rem3A_666] : memref<4x!tpu.dma_semaphore, #tpu.memory_space<semaphore_mem>> -> memref<1x!tpu.dma_semaphore, #tpu.memory_space<semaphore_mem>>
      %dma_start3A_813 = tpu.memref_squeeze %dma_start3A_812 : memref<1x!tpu.dma_semaphore, #tpu.memory_space<semaphore_mem>> -> memref<!tpu.dma_semaphore, #tpu.memory_space<semaphore_mem>>
      %dma_start3A_814 = arith.constant 0 : i32
      %dma_start3A_815 = arith.constant 0 : i32
      %dma_start3A_816 = tpu.memref_slice %arg4[%scan3A_663, %dma_start3A_805, %add3A, %dma_start3A_814, %dma_start3A_815] : memref<200x8x32x8x128xf32, #tpu.memory_space<hbm>> -> memref<1x1x1x8x128xf32, #tpu.memory_space<hbm>>
      %dma_start3A_817 = tpu.memref_squeeze %dma_start3A_816 : memref<1x1x1x8x128xf32, #tpu.memory_space<hbm>> -> memref<8x128xf32, #tpu.memory_space<hbm>>
      %dma_start3A_818 = arith.constant 0 : i32
      %dma_start3A_819 = tpu.memref_slice %arg7[%add3A_804, %dma_start3A_818] : memref<256x129xf32, #tpu.memory_space<vmem>> -> memref<8x128xf32, #tpu.memory_space<vmem>>
      tpu.enqueue_dma source(%dma_start3A_819 : memref<8x128xf32, #tpu.memory_space<vmem>>) target(%dma_start3A_817 : memref<8x128xf32, #tpu.memory_space<hbm>>) target_semaphore(%dma_start3A_813 : memref<!tpu.dma_semaphore, #tpu.memory_space<semaphore_mem>>)
      %mul3A_820 = arith.constant 64 : i32
      %mul3A_821 = arith.muli %rem3A_666, %mul3A_820 : i32
      %add3A_822 = arith.constant 56 : i32
      %add3A_823 = arith.addi %mul3A_821, %add3A_822 : i32
      %dma_start3A_824 = arith.constant 7 : i32
      %dma_start3A_825 = arith.constant 0 : i32
      %dma_start3A_826 = tpu.memref_slice %arg7[%add3A_823, %dma_start3A_825] : memref<256x129xf32, #tpu.memory_space<vmem>> -> memref<8x128xf32, #tpu.memory_space<vmem>>
      %dma_start3A_827 = arith.constant 0 : i32
      %dma_start3A_828 = arith.constant 0 : i32
      %dma_start3A_829 = tpu.memref_slice %arg4[%scan3A_663, %dma_start3A_824, %add3A, %dma_start3A_827, %dma_start3A_828] : memref<200x8x32x8x128xf32, #tpu.memory_space<hbm>> -> memref<1x1x1x8x128xf32, #tpu.memory_space<hbm>>
      %dma_start3A_830 = tpu.memref_squeeze %dma_start3A_829 : memref<1x1x1x8x128xf32, #tpu.memory_space<hbm>> -> memref<8x128xf32, #tpu.memory_space<hbm>>
      %dma_start3A_831 = tpu.memref_slice %arg9[%rem3A_666] : memref<4x!tpu.dma_semaphore, #tpu.memory_space<semaphore_mem>> -> memref<1x!tpu.dma_semaphore, #tpu.memory_space<semaphore_mem>>
      %dma_start3A_832 = tpu.memref_squeeze %dma_start3A_831 : memref<1x!tpu.dma_semaphore, #tpu.memory_space<semaphore_mem>> -> memref<!tpu.dma_semaphore, #tpu.memory_space<semaphore_mem>>
      %dma_start3A_833 = arith.constant 0 : i32
      %dma_start3A_834 = arith.constant 0 : i32
      %dma_start3A_835 = tpu.memref_slice %arg4[%scan3A_663, %dma_start3A_824, %add3A, %dma_start3A_833, %dma_start3A_834] : memref<200x8x32x8x128xf32, #tpu.memory_space<hbm>> -> memref<1x1x1x8x128xf32, #tpu.memory_space<hbm>>
      %dma_start3A_836 = tpu.memref_squeeze %dma_start3A_835 : memref<1x1x1x8x128xf32, #tpu.memory_space<hbm>> -> memref<8x128xf32, #tpu.memory_space<hbm>>
      %dma_start3A_837 = arith.constant 0 : i32
      %dma_start3A_838 = tpu.memref_slice %arg7[%add3A_823, %dma_start3A_837] : memref<256x129xf32, #tpu.memory_space<vmem>> -> memref<8x128xf32, #tpu.memory_space<vmem>>
      tpu.enqueue_dma source(%dma_start3A_838 : memref<8x128xf32, #tpu.memory_space<vmem>>) target(%dma_start3A_836 : memref<8x128xf32, #tpu.memory_space<hbm>>) target_semaphore(%dma_start3A_832 : memref<!tpu.dma_semaphore, #tpu.memory_space<semaphore_mem>>)
      %add3A_839 = arith.constant 4 : i32
      %add3A_840 = arith.addi %scan3A_663, %add3A_839 : i32
      %lt3A = arith.constant 200 : i32
      %lt3A_841 = arith.cmpi slt, %add3A_840, %lt3A : i32
      %convert_element_type3A_842 = arith.extui %lt3A_841 : i1 to i32
      %cond3A_843 = arith.constant 0 : i32
      %cond3A_844 = arith.cmpi ne, %convert_element_type3A_842, %cond3A_843 : i32
      scf.if %cond3A_844 {
        %add3A_845 = arith.constant 4 : i32
        %add3A_846 = arith.addi %scan3A_663, %add3A_845 : i32
        %mul3A_847 = arith.constant 128 : i32
        %mul3A_848 = arith.muli %rem3A_664, %mul3A_847 : i32
        %dma_start3A_849 = arith.constant 0 : i32
        %dma_start3A_850 = tpu.memref_slice %arg6[%mul3A_848, %dma_start3A_849] : memref<512x64xf32, #tpu.memory_space<vmem>> -> memref<128x64xf32, #tpu.memory_space<vmem>>
        %dma_start3A_851 = arith.constant 0 : i32
        %dma_start3A_852 = tpu.memref_slice %arg5[%add3A_846, %dma_start3A_851] : memref<200x128xi32, #tpu.memory_space<vmem>> -> memref<1x128xi32, #tpu.memory_space<vmem>>
        %dma_start3A_853 = tpu.memref_squeeze %dma_start3A_852 : memref<1x128xi32, #tpu.memory_space<vmem>> -> memref<128xi32, #tpu.memory_space<vmem>>
        %dma_start3A_854 = arith.constant 0 : i32
        %dma_start3A_855 = arith.constant 0 : i32
        %dma_start3A_856 = tpu.memref_slice %arg3[%dma_start3A_854, %dma_start3A_855] : memref<1000000x64xf32, #tpu.memory_space<hbm>> -> memref<1000000x64xf32, #tpu.memory_space<hbm>>
        %dma_start3A_857 = tpu.memref_slice %arg8[%rem3A_664] : memref<4x!tpu.dma_semaphore, #tpu.memory_space<semaphore_mem>> -> memref<1x!tpu.dma_semaphore, #tpu.memory_space<semaphore_mem>>
        %dma_start3A_858 = tpu.memref_squeeze %dma_start3A_857 : memref<1x!tpu.dma_semaphore, #tpu.memory_space<semaphore_mem>> -> memref<!tpu.dma_semaphore, #tpu.memory_space<semaphore_mem>>
        tpu.enqueue_indirect_dma source(%dma_start3A_856 : memref<1000000x64xf32, #tpu.memory_space<hbm>>) target(%dma_start3A_850 : memref<128x64xf32, #tpu.memory_space<vmem>>) offsets(%dma_start3A_853 : memref<128xi32, #tpu.memory_space<vmem>>) semaphore(%dma_start3A_858 : memref<!tpu.dma_semaphore, #tpu.memory_space<semaphore_mem>>)
      } else {
      }
    }
    %scan3A_55 = arith.constant 200 : i32
    %dma_wait3A = arith.constant 0 : i32
    %dma_wait3A_56 = arith.constant 0 : i32
    %dma_wait3A_57 = arith.constant 0 : i32
    %dma_wait3A_58 = arith.constant 0 : i32
    %dma_wait3A_59 = arith.constant 0 : i32
    %dma_wait3A_60 = tpu.memref_slice %arg7[%dma_wait3A_58, %dma_wait3A_59] : memref<256x129xf32, #tpu.memory_space<vmem>> -> memref<8x128xf32, #tpu.memory_space<vmem>>
    %dma_wait3A_61 = arith.constant 0 : i32
    %dma_wait3A_62 = arith.constant 0 : i32
    %dma_wait3A_63 = tpu.memref_slice %arg4[%dma_wait3A, %dma_wait3A_56, %add3A, %dma_wait3A_61, %dma_wait3A_62] : memref<200x8x32x8x128xf32, #tpu.memory_space<hbm>> -> memref<1x1x1x8x128xf32, #tpu.memory_space<hbm>>
    %dma_wait3A_64 = tpu.memref_squeeze %dma_wait3A_63 : memref<1x1x1x8x128xf32, #tpu.memory_space<hbm>> -> memref<8x128xf32, #tpu.memory_space<hbm>>
    %dma_wait3A_65 = tpu.memref_slice %arg9[%dma_wait3A_57] : memref<4x!tpu.dma_semaphore, #tpu.memory_space<semaphore_mem>> -> memref<1x!tpu.dma_semaphore, #tpu.memory_space<semaphore_mem>>
    %dma_wait3A_66 = tpu.memref_squeeze %dma_wait3A_65 : memref<1x!tpu.dma_semaphore, #tpu.memory_space<semaphore_mem>> -> memref<!tpu.dma_semaphore, #tpu.memory_space<semaphore_mem>>
    %dma_wait3A_67 = arith.constant 0 : i32
    %dma_wait3A_68 = arith.constant 0 : i32
    %dma_wait3A_69 = tpu.memref_slice %arg4[%dma_wait3A, %dma_wait3A_56, %add3A, %dma_wait3A_67, %dma_wait3A_68] : memref<200x8x32x8x128xf32, #tpu.memory_space<hbm>> -> memref<1x1x1x8x128xf32, #tpu.memory_space<hbm>>
    %dma_wait3A_70 = tpu.memref_squeeze %dma_wait3A_69 : memref<1x1x1x8x128xf32, #tpu.memory_space<hbm>> -> memref<8x128xf32, #tpu.memory_space<hbm>>
    %dma_wait3A_71 = arith.constant 0 : i32
    %dma_wait3A_72 = arith.constant 0 : i32
    %dma_wait3A_73 = tpu.memref_slice %arg7[%dma_wait3A_71, %dma_wait3A_72] : memref<256x129xf32, #tpu.memory_space<vmem>> -> memref<8x128xf32, #tpu.memory_space<vmem>>
    tpu.wait_dma2 semaphore(%dma_wait3A_66 : memref<!tpu.dma_semaphore, #tpu.memory_space<semaphore_mem>>) src(%dma_wait3A_73 : memref<8x128xf32, #tpu.memory_space<vmem>>) dst(%dma_wait3A_70 : memref<8x128xf32, #tpu.memory_space<hbm>>)
    %dma_wait3A_74 = arith.constant 0 : i32
    %dma_wait3A_75 = arith.constant 0 : i32
    %dma_wait3A_76 = arith.constant 0 : i32
    %dma_wait3A_77 = arith.constant 0 : i32
    %dma_wait3A_78 = arith.constant 0 : i32
    %dma_wait3A_79 = tpu.memref_slice %arg7[%dma_wait3A_77, %dma_wait3A_78] : memref<256x129xf32, #tpu.memory_space<vmem>> -> memref<8x128xf32, #tpu.memory_space<vmem>>
    %dma_wait3A_80 = arith.constant 0 : i32
    %dma_wait3A_81 = arith.constant 0 : i32
    %dma_wait3A_82 = tpu.memref_slice %arg4[%dma_wait3A_74, %dma_wait3A_75, %add3A, %dma_wait3A_80, %dma_wait3A_81] : memref<200x8x32x8x128xf32, #tpu.memory_space<hbm>> -> memref<1x1x1x8x128xf32, #tpu.memory_space<hbm>>
    %dma_wait3A_83 = tpu.memref_squeeze %dma_wait3A_82 : memref<1x1x1x8x128xf32, #tpu.memory_space<hbm>> -> memref<8x128xf32, #tpu.memory_space<hbm>>
    %dma_wait3A_84 = tpu.memref_slice %arg9[%dma_wait3A_76] : memref<4x!tpu.dma_semaphore, #tpu.memory_space<semaphore_mem>> -> memref<1x!tpu.dma_semaphore, #tpu.memory_space<semaphore_mem>>
    %dma_wait3A_85 = tpu.memref_squeeze %dma_wait3A_84 : memref<1x!tpu.dma_semaphore, #tpu.memory_space<semaphore_mem>> -> memref<!tpu.dma_semaphore, #tpu.memory_space<semaphore_mem>>
    %dma_wait3A_86 = arith.constant 0 : i32
    %dma_wait3A_87 = arith.constant 0 : i32
    %dma_wait3A_88 = tpu.memref_slice %arg4[%dma_wait3A_74, %dma_wait3A_75, %add3A, %dma_wait3A_86, %dma_wait3A_87] : memref<200x8x32x8x128xf32, #tpu.memory_space<hbm>> -> memref<1x1x1x8x128xf32, #tpu.memory_space<hbm>>
    %dma_wait3A_89 = tpu.memref_squeeze %dma_wait3A_88 : memref<1x1x1x8x128xf32, #tpu.memory_space<hbm>> -> memref<8x128xf32, #tpu.memory_space<hbm>>
    %dma_wait3A_90 = arith.constant 0 : i32
    %dma_wait3A_91 = arith.constant 0 : i32
    %dma_wait3A_92 = tpu.memref_slice %arg7[%dma_wait3A_90, %dma_wait3A_91] : memref<256x129xf32, #tpu.memory_space<vmem>> -> memref<8x128xf32, #tpu.memory_space<vmem>>
    tpu.wait_dma2 semaphore(%dma_wait3A_85 : memref<!tpu.dma_semaphore, #tpu.memory_space<semaphore_mem>>) src(%dma_wait3A_92 : memref<8x128xf32, #tpu.memory_space<vmem>>) dst(%dma_wait3A_89 : memref<8x128xf32, #tpu.memory_space<hbm>>)
    %dma_wait3A_93 = arith.constant 0 : i32
    %dma_wait3A_94 = arith.constant 0 : i32
    %dma_wait3A_95 = arith.constant 0 : i32
    %dma_wait3A_96 = arith.constant 0 : i32
    %dma_wait3A_97 = arith.constant 0 : i32
    %dma_wait3A_98 = tpu.memref_slice %arg7[%dma_wait3A_96, %dma_wait3A_97] : memref<256x129xf32, #tpu.memory_space<vmem>> -> memref<8x128xf32, #tpu.memory_space<vmem>>
    %dma_wait3A_99 = arith.constant 0 : i32
    %dma_wait3A_100 = arith.constant 0 : i32
    %dma_wait3A_101 = tpu.memref_slice %arg4[%dma_wait3A_93, %dma_wait3A_94, %add3A, %dma_wait3A_99, %dma_wait3A_100] : memref<200x8x32x8x128xf32, #tpu.memory_space<hbm>> -> memref<1x1x1x8x128xf32, #tpu.memory_space<hbm>>
    %dma_wait3A_102 = tpu.memref_squeeze %dma_wait3A_101 : memref<1x1x1x8x128xf32, #tpu.memory_space<hbm>> -> memref<8x128xf32, #tpu.memory_space<hbm>>
    %dma_wait3A_103 = tpu.memref_slice %arg9[%dma_wait3A_95] : memref<4x!tpu.dma_semaphore, #tpu.memory_space<semaphore_mem>> -> memref<1x!tpu.dma_semaphore, #tpu.memory_space<semaphore_mem>>
    %dma_wait3A_104 = tpu.memref_squeeze %dma_wait3A_103 : memref<1x!tpu.dma_semaphore, #tpu.memory_space<semaphore_mem>> -> memref<!tpu.dma_semaphore, #tpu.memory_space<semaphore_mem>>
    %dma_wait3A_105 = arith.constant 0 : i32
    %dma_wait3A_106 = arith.constant 0 : i32
    %dma_wait3A_107 = tpu.memref_slice %arg4[%dma_wait3A_93, %dma_wait3A_94, %add3A, %dma_wait3A_105, %dma_wait3A_106] : memref<200x8x32x8x128xf32, #tpu.memory_space<hbm>> -> memref<1x1x1x8x128xf32, #tpu.memory_space<hbm>>
    %dma_wait3A_108 = tpu.memref_squeeze %dma_wait3A_107 : memref<1x1x1x8x128xf32, #tpu.memory_space<hbm>> -> memref<8x128xf32, #tpu.memory_space<hbm>>
    %dma_wait3A_109 = arith.constant 0 : i32
    %dma_wait3A_110 = arith.constant 0 : i32
    %dma_wait3A_111 = tpu.memref_slice %arg7[%dma_wait3A_109, %dma_wait3A_110] : memref<256x129xf32, #tpu.memory_space<vmem>> -> memref<8x128xf32, #tpu.memory_space<vmem>>
    tpu.wait_dma2 semaphore(%dma_wait3A_104 : memref<!tpu.dma_semaphore, #tpu.memory_space<semaphore_mem>>) src(%dma_wait3A_111 : memref<8x128xf32, #tpu.memory_space<vmem>>) dst(%dma_wait3A_108 : memref<8x128xf32, #tpu.memory_space<hbm>>)
    %dma_wait3A_112 = arith.constant 0 : i32
    %dma_wait3A_113 = arith.constant 0 : i32
    %dma_wait3A_114 = arith.constant 0 : i32
    %dma_wait3A_115 = arith.constant 0 : i32
    %dma_wait3A_116 = arith.constant 0 : i32
    %dma_wait3A_117 = tpu.memref_slice %arg7[%dma_wait3A_115, %dma_wait3A_116] : memref<256x129xf32, #tpu.memory_space<vmem>> -> memref<8x128xf32, #tpu.memory_space<vmem>>
    %dma_wait3A_118 = arith.constant 0 : i32
    %dma_wait3A_119 = arith.constant 0 : i32
    %dma_wait3A_120 = tpu.memref_slice %arg4[%dma_wait3A_112, %dma_wait3A_113, %add3A, %dma_wait3A_118, %dma_wait3A_119] : memref<200x8x32x8x128xf32, #tpu.memory_space<hbm>> -> memref<1x1x1x8x128xf32, #tpu.memory_space<hbm>>
    %dma_wait3A_121 = tpu.memref_squeeze %dma_wait3A_120 : memref<1x1x1x8x128xf32, #tpu.memory_space<hbm>> -> memref<8x128xf32, #tpu.memory_space<hbm>>
    %dma_wait3A_122 = tpu.memref_slice %arg9[%dma_wait3A_114] : memref<4x!tpu.dma_semaphore, #tpu.memory_space<semaphore_mem>> -> memref<1x!tpu.dma_semaphore, #tpu.memory_space<semaphore_mem>>
    %dma_wait3A_123 = tpu.memref_squeeze %dma_wait3A_122 : memref<1x!tpu.dma_semaphore, #tpu.memory_space<semaphore_mem>> -> memref<!tpu.dma_semaphore, #tpu.memory_space<semaphore_mem>>
    %dma_wait3A_124 = arith.constant 0 : i32
    %dma_wait3A_125 = arith.constant 0 : i32
    %dma_wait3A_126 = tpu.memref_slice %arg4[%dma_wait3A_112, %dma_wait3A_113, %add3A, %dma_wait3A_124, %dma_wait3A_125] : memref<200x8x32x8x128xf32, #tpu.memory_space<hbm>> -> memref<1x1x1x8x128xf32, #tpu.memory_space<hbm>>
    %dma_wait3A_127 = tpu.memref_squeeze %dma_wait3A_126 : memref<1x1x1x8x128xf32, #tpu.memory_space<hbm>> -> memref<8x128xf32, #tpu.memory_space<hbm>>
    %dma_wait3A_128 = arith.constant 0 : i32
    %dma_wait3A_129 = arith.constant 0 : i32
    %dma_wait3A_130 = tpu.memref_slice %arg7[%dma_wait3A_128, %dma_wait3A_129] : memref<256x129xf32, #tpu.memory_space<vmem>> -> memref<8x128xf32, #tpu.memory_space<vmem>>
    tpu.wait_dma2 semaphore(%dma_wait3A_123 : memref<!tpu.dma_semaphore, #tpu.memory_space<semaphore_mem>>) src(%dma_wait3A_130 : memref<8x128xf32, #tpu.memory_space<vmem>>) dst(%dma_wait3A_127 : memref<8x128xf32, #tpu.memory_space<hbm>>)
    %dma_wait3A_131 = arith.constant 0 : i32
    %dma_wait3A_132 = arith.constant 0 : i32
    %dma_wait3A_133 = arith.constant 0 : i32
    %dma_wait3A_134 = arith.constant 0 : i32
    %dma_wait3A_135 = arith.constant 0 : i32
    %dma_wait3A_136 = tpu.memref_slice %arg7[%dma_wait3A_134, %dma_wait3A_135] : memref<256x129xf32, #tpu.memory_space<vmem>> -> memref<8x128xf32, #tpu.memory_space<vmem>>
    %dma_wait3A_137 = arith.constant 0 : i32
    %dma_wait3A_138 = arith.constant 0 : i32
    %dma_wait3A_139 = tpu.memref_slice %arg4[%dma_wait3A_131, %dma_wait3A_132, %add3A, %dma_wait3A_137, %dma_wait3A_138] : memref<200x8x32x8x128xf32, #tpu.memory_space<hbm>> -> memref<1x1x1x8x128xf32, #tpu.memory_space<hbm>>
    %dma_wait3A_140 = tpu.memref_squeeze %dma_wait3A_139 : memref<1x1x1x8x128xf32, #tpu.memory_space<hbm>> -> memref<8x128xf32, #tpu.memory_space<hbm>>
    %dma_wait3A_141 = tpu.memref_slice %arg9[%dma_wait3A_133] : memref<4x!tpu.dma_semaphore, #tpu.memory_space<semaphore_mem>> -> memref<1x!tpu.dma_semaphore, #tpu.memory_space<semaphore_mem>>
    %dma_wait3A_142 = tpu.memref_squeeze %dma_wait3A_141 : memref<1x!tpu.dma_semaphore, #tpu.memory_space<semaphore_mem>> -> memref<!tpu.dma_semaphore, #tpu.memory_space<semaphore_mem>>
    %dma_wait3A_143 = arith.constant 0 : i32
    %dma_wait3A_144 = arith.constant 0 : i32
    %dma_wait3A_145 = tpu.memref_slice %arg4[%dma_wait3A_131, %dma_wait3A_132, %add3A, %dma_wait3A_143, %dma_wait3A_144] : memref<200x8x32x8x128xf32, #tpu.memory_space<hbm>> -> memref<1x1x1x8x128xf32, #tpu.memory_space<hbm>>
    %dma_wait3A_146 = tpu.memref_squeeze %dma_wait3A_145 : memref<1x1x1x8x128xf32, #tpu.memory_space<hbm>> -> memref<8x128xf32, #tpu.memory_space<hbm>>
    %dma_wait3A_147 = arith.constant 0 : i32
    %dma_wait3A_148 = arith.constant 0 : i32
    %dma_wait3A_149 = tpu.memref_slice %arg7[%dma_wait3A_147, %dma_wait3A_148] : memref<256x129xf32, #tpu.memory_space<vmem>> -> memref<8x128xf32, #tpu.memory_space<vmem>>
    tpu.wait_dma2 semaphore(%dma_wait3A_142 : memref<!tpu.dma_semaphore, #tpu.memory_space<semaphore_mem>>) src(%dma_wait3A_149 : memref<8x128xf32, #tpu.memory_space<vmem>>) dst(%dma_wait3A_146 : memref<8x128xf32, #tpu.memory_space<hbm>>)
    %dma_wait3A_150 = arith.constant 0 : i32
    %dma_wait3A_151 = arith.constant 0 : i32
    %dma_wait3A_152 = arith.constant 0 : i32
    %dma_wait3A_153 = arith.constant 0 : i32
    %dma_wait3A_154 = arith.constant 0 : i32
    %dma_wait3A_155 = tpu.memref_slice %arg7[%dma_wait3A_153, %dma_wait3A_154] : memref<256x129xf32, #tpu.memory_space<vmem>> -> memref<8x128xf32, #tpu.memory_space<vmem>>
    %dma_wait3A_156 = arith.constant 0 : i32
    %dma_wait3A_157 = arith.constant 0 : i32
    %dma_wait3A_158 = tpu.memref_slice %arg4[%dma_wait3A_150, %dma_wait3A_151, %add3A, %dma_wait3A_156, %dma_wait3A_157] : memref<200x8x32x8x128xf32, #tpu.memory_space<hbm>> -> memref<1x1x1x8x128xf32, #tpu.memory_space<hbm>>
    %dma_wait3A_159 = tpu.memref_squeeze %dma_wait3A_158 : memref<1x1x1x8x128xf32, #tpu.memory_space<hbm>> -> memref<8x128xf32, #tpu.memory_space<hbm>>
    %dma_wait3A_160 = tpu.memref_slice %arg9[%dma_wait3A_152] : memref<4x!tpu.dma_semaphore, #tpu.memory_space<semaphore_mem>> -> memref<1x!tpu.dma_semaphore, #tpu.memory_space<semaphore_mem>>
    %dma_wait3A_161 = tpu.memref_squeeze %dma_wait3A_160 : memref<1x!tpu.dma_semaphore, #tpu.memory_space<semaphore_mem>> -> memref<!tpu.dma_semaphore, #tpu.memory_space<semaphore_mem>>
    %dma_wait3A_162 = arith.constant 0 : i32
    %dma_wait3A_163 = arith.constant 0 : i32
    %dma_wait3A_164 = tpu.memref_slice %arg4[%dma_wait3A_150, %dma_wait3A_151, %add3A, %dma_wait3A_162, %dma_wait3A_163] : memref<200x8x32x8x128xf32, #tpu.memory_space<hbm>> -> memref<1x1x1x8x128xf32, #tpu.memory_space<hbm>>
    %dma_wait3A_165 = tpu.memref_squeeze %dma_wait3A_164 : memref<1x1x1x8x128xf32, #tpu.memory_space<hbm>> -> memref<8x128xf32, #tpu.memory_space<hbm>>
    %dma_wait3A_166 = arith.constant 0 : i32
    %dma_wait3A_167 = arith.constant 0 : i32
    %dma_wait3A_168 = tpu.memref_slice %arg7[%dma_wait3A_166, %dma_wait3A_167] : memref<256x129xf32, #tpu.memory_space<vmem>> -> memref<8x128xf32, #tpu.memory_space<vmem>>
    tpu.wait_dma2 semaphore(%dma_wait3A_161 : memref<!tpu.dma_semaphore, #tpu.memory_space<semaphore_mem>>) src(%dma_wait3A_168 : memref<8x128xf32, #tpu.memory_space<vmem>>) dst(%dma_wait3A_165 : memref<8x128xf32, #tpu.memory_space<hbm>>)
    %dma_wait3A_169 = arith.constant 0 : i32
    %dma_wait3A_170 = arith.constant 0 : i32
    %dma_wait3A_171 = arith.constant 0 : i32
    %dma_wait3A_172 = arith.constant 0 : i32
    %dma_wait3A_173 = arith.constant 0 : i32
    %dma_wait3A_174 = tpu.memref_slice %arg7[%dma_wait3A_172, %dma_wait3A_173] : memref<256x129xf32, #tpu.memory_space<vmem>> -> memref<8x128xf32, #tpu.memory_space<vmem>>
    %dma_wait3A_175 = arith.constant 0 : i32
    %dma_wait3A_176 = arith.constant 0 : i32
    %dma_wait3A_177 = tpu.memref_slice %arg4[%dma_wait3A_169, %dma_wait3A_170, %add3A, %dma_wait3A_175, %dma_wait3A_176] : memref<200x8x32x8x128xf32, #tpu.memory_space<hbm>> -> memref<1x1x1x8x128xf32, #tpu.memory_space<hbm>>
    %dma_wait3A_178 = tpu.memref_squeeze %dma_wait3A_177 : memref<1x1x1x8x128xf32, #tpu.memory_space<hbm>> -> memref<8x128xf32, #tpu.memory_space<hbm>>
    %dma_wait3A_179 = tpu.memref_slice %arg9[%dma_wait3A_171] : memref<4x!tpu.dma_semaphore, #tpu.memory_space<semaphore_mem>> -> memref<1x!tpu.dma_semaphore, #tpu.memory_space<semaphore_mem>>
    %dma_wait3A_180 = tpu.memref_squeeze %dma_wait3A_179 : memref<1x!tpu.dma_semaphore, #tpu.memory_space<semaphore_mem>> -> memref<!tpu.dma_semaphore, #tpu.memory_space<semaphore_mem>>
    %dma_wait3A_181 = arith.constant 0 : i32
    %dma_wait3A_182 = arith.constant 0 : i32
    %dma_wait3A_183 = tpu.memref_slice %arg4[%dma_wait3A_169, %dma_wait3A_170, %add3A, %dma_wait3A_181, %dma_wait3A_182] : memref<200x8x32x8x128xf32, #tpu.memory_space<hbm>> -> memref<1x1x1x8x128xf32, #tpu.memory_space<hbm>>
    %dma_wait3A_184 = tpu.memref_squeeze %dma_wait3A_183 : memref<1x1x1x8x128xf32, #tpu.memory_space<hbm>> -> memref<8x128xf32, #tpu.memory_space<hbm>>
    %dma_wait3A_185 = arith.constant 0 : i32
    %dma_wait3A_186 = arith.constant 0 : i32
    %dma_wait3A_187 = tpu.memref_slice %arg7[%dma_wait3A_185, %dma_wait3A_186] : memref<256x129xf32, #tpu.memory_space<vmem>> -> memref<8x128xf32, #tpu.memory_space<vmem>>
    tpu.wait_dma2 semaphore(%dma_wait3A_180 : memref<!tpu.dma_semaphore, #tpu.memory_space<semaphore_mem>>) src(%dma_wait3A_187 : memref<8x128xf32, #tpu.memory_space<vmem>>) dst(%dma_wait3A_184 : memref<8x128xf32, #tpu.memory_space<hbm>>)
    %dma_wait3A_188 = arith.constant 0 : i32
    %dma_wait3A_189 = arith.constant 0 : i32
    %dma_wait3A_190 = arith.constant 0 : i32
    %dma_wait3A_191 = arith.constant 0 : i32
    %dma_wait3A_192 = arith.constant 0 : i32
    %dma_wait3A_193 = tpu.memref_slice %arg7[%dma_wait3A_191, %dma_wait3A_192] : memref<256x129xf32, #tpu.memory_space<vmem>> -> memref<8x128xf32, #tpu.memory_space<vmem>>
    %dma_wait3A_194 = arith.constant 0 : i32
    %dma_wait3A_195 = arith.constant 0 : i32
    %dma_wait3A_196 = tpu.memref_slice %arg4[%dma_wait3A_188, %dma_wait3A_189, %add3A, %dma_wait3A_194, %dma_wait3A_195] : memref<200x8x32x8x128xf32, #tpu.memory_space<hbm>> -> memref<1x1x1x8x128xf32, #tpu.memory_space<hbm>>
    %dma_wait3A_197 = tpu.memref_squeeze %dma_wait3A_196 : memref<1x1x1x8x128xf32, #tpu.memory_space<hbm>> -> memref<8x128xf32, #tpu.memory_space<hbm>>
    %dma_wait3A_198 = tpu.memref_slice %arg9[%dma_wait3A_190] : memref<4x!tpu.dma_semaphore, #tpu.memory_space<semaphore_mem>> -> memref<1x!tpu.dma_semaphore, #tpu.memory_space<semaphore_mem>>
    %dma_wait3A_199 = tpu.memref_squeeze %dma_wait3A_198 : memref<1x!tpu.dma_semaphore, #tpu.memory_space<semaphore_mem>> -> memref<!tpu.dma_semaphore, #tpu.memory_space<semaphore_mem>>
    %dma_wait3A_200 = arith.constant 0 : i32
    %dma_wait3A_201 = arith.constant 0 : i32
    %dma_wait3A_202 = tpu.memref_slice %arg4[%dma_wait3A_188, %dma_wait3A_189, %add3A, %dma_wait3A_200, %dma_wait3A_201] : memref<200x8x32x8x128xf32, #tpu.memory_space<hbm>> -> memref<1x1x1x8x128xf32, #tpu.memory_space<hbm>>
    %dma_wait3A_203 = tpu.memref_squeeze %dma_wait3A_202 : memref<1x1x1x8x128xf32, #tpu.memory_space<hbm>> -> memref<8x128xf32, #tpu.memory_space<hbm>>
    %dma_wait3A_204 = arith.constant 0 : i32
    %dma_wait3A_205 = arith.constant 0 : i32
    %dma_wait3A_206 = tpu.memref_slice %arg7[%dma_wait3A_204, %dma_wait3A_205] : memref<256x129xf32, #tpu.memory_space<vmem>> -> memref<8x128xf32, #tpu.memory_space<vmem>>
    tpu.wait_dma2 semaphore(%dma_wait3A_199 : memref<!tpu.dma_semaphore, #tpu.memory_space<semaphore_mem>>) src(%dma_wait3A_206 : memref<8x128xf32, #tpu.memory_space<vmem>>) dst(%dma_wait3A_203 : memref<8x128xf32, #tpu.memory_space<hbm>>)
    %dma_wait3A_207 = arith.constant 0 : i32
    %dma_wait3A_208 = arith.constant 0 : i32
    %dma_wait3A_209 = arith.constant 1 : i32
    %dma_wait3A_210 = arith.constant 0 : i32
    %dma_wait3A_211 = arith.constant 0 : i32
    %dma_wait3A_212 = tpu.memref_slice %arg7[%dma_wait3A_210, %dma_wait3A_211] : memref<256x129xf32, #tpu.memory_space<vmem>> -> memref<8x128xf32, #tpu.memory_space<vmem>>
    %dma_wait3A_213 = arith.constant 0 : i32
    %dma_wait3A_214 = arith.constant 0 : i32
    %dma_wait3A_215 = tpu.memref_slice %arg4[%dma_wait3A_207, %dma_wait3A_208, %add3A, %dma_wait3A_213, %dma_wait3A_214] : memref<200x8x32x8x128xf32, #tpu.memory_space<hbm>> -> memref<1x1x1x8x128xf32, #tpu.memory_space<hbm>>
    %dma_wait3A_216 = tpu.memref_squeeze %dma_wait3A_215 : memref<1x1x1x8x128xf32, #tpu.memory_space<hbm>> -> memref<8x128xf32, #tpu.memory_space<hbm>>
    %dma_wait3A_217 = tpu.memref_slice %arg9[%dma_wait3A_209] : memref<4x!tpu.dma_semaphore, #tpu.memory_space<semaphore_mem>> -> memref<1x!tpu.dma_semaphore, #tpu.memory_space<semaphore_mem>>
    %dma_wait3A_218 = tpu.memref_squeeze %dma_wait3A_217 : memref<1x!tpu.dma_semaphore, #tpu.memory_space<semaphore_mem>> -> memref<!tpu.dma_semaphore, #tpu.memory_space<semaphore_mem>>
    %dma_wait3A_219 = arith.constant 0 : i32
    %dma_wait3A_220 = arith.constant 0 : i32
    %dma_wait3A_221 = tpu.memref_slice %arg4[%dma_wait3A_207, %dma_wait3A_208, %add3A, %dma_wait3A_219, %dma_wait3A_220] : memref<200x8x32x8x128xf32, #tpu.memory_space<hbm>> -> memref<1x1x1x8x128xf32, #tpu.memory_space<hbm>>
    %dma_wait3A_222 = tpu.memref_squeeze %dma_wait3A_221 : memref<1x1x1x8x128xf32, #tpu.memory_space<hbm>> -> memref<8x128xf32, #tpu.memory_space<hbm>>
    %dma_wait3A_223 = arith.constant 0 : i32
    %dma_wait3A_224 = arith.constant 0 : i32
    %dma_wait3A_225 = tpu.memref_slice %arg7[%dma_wait3A_223, %dma_wait3A_224] : memref<256x129xf32, #tpu.memory_space<vmem>> -> memref<8x128xf32, #tpu.memory_space<vmem>>
    tpu.wait_dma2 semaphore(%dma_wait3A_218 : memref<!tpu.dma_semaphore, #tpu.memory_space<semaphore_mem>>) src(%dma_wait3A_225 : memref<8x128xf32, #tpu.memory_space<vmem>>) dst(%dma_wait3A_222 : memref<8x128xf32, #tpu.memory_space<hbm>>)
    %dma_wait3A_226 = arith.constant 0 : i32
    %dma_wait3A_227 = arith.constant 0 : i32
    %dma_wait3A_228 = arith.constant 1 : i32
    %dma_wait3A_229 = arith.constant 0 : i32
    %dma_wait3A_230 = arith.constant 0 : i32
    %dma_wait3A_231 = tpu.memref_slice %arg7[%dma_wait3A_229, %dma_wait3A_230] : memref<256x129xf32, #tpu.memory_space<vmem>> -> memref<8x128xf32, #tpu.memory_space<vmem>>
    %dma_wait3A_232 = arith.constant 0 : i32
    %dma_wait3A_233 = arith.constant 0 : i32
    %dma_wait3A_234 = tpu.memref_slice %arg4[%dma_wait3A_226, %dma_wait3A_227, %add3A, %dma_wait3A_232, %dma_wait3A_233] : memref<200x8x32x8x128xf32, #tpu.memory_space<hbm>> -> memref<1x1x1x8x128xf32, #tpu.memory_space<hbm>>
    %dma_wait3A_235 = tpu.memref_squeeze %dma_wait3A_234 : memref<1x1x1x8x128xf32, #tpu.memory_space<hbm>> -> memref<8x128xf32, #tpu.memory_space<hbm>>
    %dma_wait3A_236 = tpu.memref_slice %arg9[%dma_wait3A_228] : memref<4x!tpu.dma_semaphore, #tpu.memory_space<semaphore_mem>> -> memref<1x!tpu.dma_semaphore, #tpu.memory_space<semaphore_mem>>
    %dma_wait3A_237 = tpu.memref_squeeze %dma_wait3A_236 : memref<1x!tpu.dma_semaphore, #tpu.memory_space<semaphore_mem>> -> memref<!tpu.dma_semaphore, #tpu.memory_space<semaphore_mem>>
    %dma_wait3A_238 = arith.constant 0 : i32
    %dma_wait3A_239 = arith.constant 0 : i32
    %dma_wait3A_240 = tpu.memref_slice %arg4[%dma_wait3A_226, %dma_wait3A_227, %add3A, %dma_wait3A_238, %dma_wait3A_239] : memref<200x8x32x8x128xf32, #tpu.memory_space<hbm>> -> memref<1x1x1x8x128xf32, #tpu.memory_space<hbm>>
    %dma_wait3A_241 = tpu.memref_squeeze %dma_wait3A_240 : memref<1x1x1x8x128xf32, #tpu.memory_space<hbm>> -> memref<8x128xf32, #tpu.memory_space<hbm>>
    %dma_wait3A_242 = arith.constant 0 : i32
    %dma_wait3A_243 = arith.constant 0 : i32
    %dma_wait3A_244 = tpu.memref_slice %arg7[%dma_wait3A_242, %dma_wait3A_243] : memref<256x129xf32, #tpu.memory_space<vmem>> -> memref<8x128xf32, #tpu.memory_space<vmem>>
    tpu.wait_dma2 semaphore(%dma_wait3A_237 : memref<!tpu.dma_semaphore, #tpu.memory_space<semaphore_mem>>) src(%dma_wait3A_244 : memref<8x128xf32, #tpu.memory_space<vmem>>) dst(%dma_wait3A_241 : memref<8x128xf32, #tpu.memory_space<hbm>>)
    %dma_wait3A_245 = arith.constant 0 : i32
    %dma_wait3A_246 = arith.constant 0 : i32
    %dma_wait3A_247 = arith.constant 1 : i32
    %dma_wait3A_248 = arith.constant 0 : i32
    %dma_wait3A_249 = arith.constant 0 : i32
    %dma_wait3A_250 = tpu.memref_slice %arg7[%dma_wait3A_248, %dma_wait3A_249] : memref<256x129xf32, #tpu.memory_space<vmem>> -> memref<8x128xf32, #tpu.memory_space<vmem>>
    %dma_wait3A_251 = arith.constant 0 : i32
    %dma_wait3A_252 = arith.constant 0 : i32
    %dma_wait3A_253 = tpu.memref_slice %arg4[%dma_wait3A_245, %dma_wait3A_246, %add3A, %dma_wait3A_251, %dma_wait3A_252] : memref<200x8x32x8x128xf32, #tpu.memory_space<hbm>> -> memref<1x1x1x8x128xf32, #tpu.memory_space<hbm>>
    %dma_wait3A_254 = tpu.memref_squeeze %dma_wait3A_253 : memref<1x1x1x8x128xf32, #tpu.memory_space<hbm>> -> memref<8x128xf32, #tpu.memory_space<hbm>>
    %dma_wait3A_255 = tpu.memref_slice %arg9[%dma_wait3A_247] : memref<4x!tpu.dma_semaphore, #tpu.memory_space<semaphore_mem>> -> memref<1x!tpu.dma_semaphore, #tpu.memory_space<semaphore_mem>>
    %dma_wait3A_256 = tpu.memref_squeeze %dma_wait3A_255 : memref<1x!tpu.dma_semaphore, #tpu.memory_space<semaphore_mem>> -> memref<!tpu.dma_semaphore, #tpu.memory_space<semaphore_mem>>
    %dma_wait3A_257 = arith.constant 0 : i32
    %dma_wait3A_258 = arith.constant 0 : i32
    %dma_wait3A_259 = tpu.memref_slice %arg4[%dma_wait3A_245, %dma_wait3A_246, %add3A, %dma_wait3A_257, %dma_wait3A_258] : memref<200x8x32x8x128xf32, #tpu.memory_space<hbm>> -> memref<1x1x1x8x128xf32, #tpu.memory_space<hbm>>
    %dma_wait3A_260 = tpu.memref_squeeze %dma_wait3A_259 : memref<1x1x1x8x128xf32, #tpu.memory_space<hbm>> -> memref<8x128xf32, #tpu.memory_space<hbm>>
    %dma_wait3A_261 = arith.constant 0 : i32
    %dma_wait3A_262 = arith.constant 0 : i32
    %dma_wait3A_263 = tpu.memref_slice %arg7[%dma_wait3A_261, %dma_wait3A_262] : memref<256x129xf32, #tpu.memory_space<vmem>> -> memref<8x128xf32, #tpu.memory_space<vmem>>
    tpu.wait_dma2 semaphore(%dma_wait3A_256 : memref<!tpu.dma_semaphore, #tpu.memory_space<semaphore_mem>>) src(%dma_wait3A_263 : memref<8x128xf32, #tpu.memory_space<vmem>>) dst(%dma_wait3A_260 : memref<8x128xf32, #tpu.memory_space<hbm>>)
    %dma_wait3A_264 = arith.constant 0 : i32
    %dma_wait3A_265 = arith.constant 0 : i32
    %dma_wait3A_266 = arith.constant 1 : i32
    %dma_wait3A_267 = arith.constant 0 : i32
    %dma_wait3A_268 = arith.constant 0 : i32
    %dma_wait3A_269 = tpu.memref_slice %arg7[%dma_wait3A_267, %dma_wait3A_268] : memref<256x129xf32, #tpu.memory_space<vmem>> -> memref<8x128xf32, #tpu.memory_space<vmem>>
    %dma_wait3A_270 = arith.constant 0 : i32
    %dma_wait3A_271 = arith.constant 0 : i32
    %dma_wait3A_272 = tpu.memref_slice %arg4[%dma_wait3A_264, %dma_wait3A_265, %add3A, %dma_wait3A_270, %dma_wait3A_271] : memref<200x8x32x8x128xf32, #tpu.memory_space<hbm>> -> memref<1x1x1x8x128xf32, #tpu.memory_space<hbm>>
    %dma_wait3A_273 = tpu.memref_squeeze %dma_wait3A_272 : memref<1x1x1x8x128xf32, #tpu.memory_space<hbm>> -> memref<8x128xf32, #tpu.memory_space<hbm>>
    %dma_wait3A_274 = tpu.memref_slice %arg9[%dma_wait3A_266] : memref<4x!tpu.dma_semaphore, #tpu.memory_space<semaphore_mem>> -> memref<1x!tpu.dma_semaphore, #tpu.memory_space<semaphore_mem>>
    %dma_wait3A_275 = tpu.memref_squeeze %dma_wait3A_274 : memref<1x!tpu.dma_semaphore, #tpu.memory_space<semaphore_mem>> -> memref<!tpu.dma_semaphore, #tpu.memory_space<semaphore_mem>>
    %dma_wait3A_276 = arith.constant 0 : i32
    %dma_wait3A_277 = arith.constant 0 : i32
    %dma_wait3A_278 = tpu.memref_slice %arg4[%dma_wait3A_264, %dma_wait3A_265, %add3A, %dma_wait3A_276, %dma_wait3A_277] : memref<200x8x32x8x128xf32, #tpu.memory_space<hbm>> -> memref<1x1x1x8x128xf32, #tpu.memory_space<hbm>>
    %dma_wait3A_279 = tpu.memref_squeeze %dma_wait3A_278 : memref<1x1x1x8x128xf32, #tpu.memory_space<hbm>> -> memref<8x128xf32, #tpu.memory_space<hbm>>
    %dma_wait3A_280 = arith.constant 0 : i32
    %dma_wait3A_281 = arith.constant 0 : i32
    %dma_wait3A_282 = tpu.memref_slice %arg7[%dma_wait3A_280, %dma_wait3A_281] : memref<256x129xf32, #tpu.memory_space<vmem>> -> memref<8x128xf32, #tpu.memory_space<vmem>>
    tpu.wait_dma2 semaphore(%dma_wait3A_275 : memref<!tpu.dma_semaphore, #tpu.memory_space<semaphore_mem>>) src(%dma_wait3A_282 : memref<8x128xf32, #tpu.memory_space<vmem>>) dst(%dma_wait3A_279 : memref<8x128xf32, #tpu.memory_space<hbm>>)
    %dma_wait3A_283 = arith.constant 0 : i32
    %dma_wait3A_284 = arith.constant 0 : i32
    %dma_wait3A_285 = arith.constant 1 : i32
    %dma_wait3A_286 = arith.constant 0 : i32
    %dma_wait3A_287 = arith.constant 0 : i32
    %dma_wait3A_288 = tpu.memref_slice %arg7[%dma_wait3A_286, %dma_wait3A_287] : memref<256x129xf32, #tpu.memory_space<vmem>> -> memref<8x128xf32, #tpu.memory_space<vmem>>
    %dma_wait3A_289 = arith.constant 0 : i32
    %dma_wait3A_290 = arith.constant 0 : i32
    %dma_wait3A_291 = tpu.memref_slice %arg4[%dma_wait3A_283, %dma_wait3A_284, %add3A, %dma_wait3A_289, %dma_wait3A_290] : memref<200x8x32x8x128xf32, #tpu.memory_space<hbm>> -> memref<1x1x1x8x128xf32, #tpu.memory_space<hbm>>
    %dma_wait3A_292 = tpu.memref_squeeze %dma_wait3A_291 : memref<1x1x1x8x128xf32, #tpu.memory_space<hbm>> -> memref<8x128xf32, #tpu.memory_space<hbm>>
    %dma_wait3A_293 = tpu.memref_slice %arg9[%dma_wait3A_285] : memref<4x!tpu.dma_semaphore, #tpu.memory_space<semaphore_mem>> -> memref<1x!tpu.dma_semaphore, #tpu.memory_space<semaphore_mem>>
    %dma_wait3A_294 = tpu.memref_squeeze %dma_wait3A_293 : memref<1x!tpu.dma_semaphore, #tpu.memory_space<semaphore_mem>> -> memref<!tpu.dma_semaphore, #tpu.memory_space<semaphore_mem>>
    %dma_wait3A_295 = arith.constant 0 : i32
    %dma_wait3A_296 = arith.constant 0 : i32
    %dma_wait3A_297 = tpu.memref_slice %arg4[%dma_wait3A_283, %dma_wait3A_284, %add3A, %dma_wait3A_295, %dma_wait3A_296] : memref<200x8x32x8x128xf32, #tpu.memory_space<hbm>> -> memref<1x1x1x8x128xf32, #tpu.memory_space<hbm>>
    %dma_wait3A_298 = tpu.memref_squeeze %dma_wait3A_297 : memref<1x1x1x8x128xf32, #tpu.memory_space<hbm>> -> memref<8x128xf32, #tpu.memory_space<hbm>>
    %dma_wait3A_299 = arith.constant 0 : i32
    %dma_wait3A_300 = arith.constant 0 : i32
    %dma_wait3A_301 = tpu.memref_slice %arg7[%dma_wait3A_299, %dma_wait3A_300] : memref<256x129xf32, #tpu.memory_space<vmem>> -> memref<8x128xf32, #tpu.memory_space<vmem>>
    tpu.wait_dma2 semaphore(%dma_wait3A_294 : memref<!tpu.dma_semaphore, #tpu.memory_space<semaphore_mem>>) src(%dma_wait3A_301 : memref<8x128xf32, #tpu.memory_space<vmem>>) dst(%dma_wait3A_298 : memref<8x128xf32, #tpu.memory_space<hbm>>)
    %dma_wait3A_302 = arith.constant 0 : i32
    %dma_wait3A_303 = arith.constant 0 : i32
    %dma_wait3A_304 = arith.constant 1 : i32
    %dma_wait3A_305 = arith.constant 0 : i32
    %dma_wait3A_306 = arith.constant 0 : i32
    %dma_wait3A_307 = tpu.memref_slice %arg7[%dma_wait3A_305, %dma_wait3A_306] : memref<256x129xf32, #tpu.memory_space<vmem>> -> memref<8x128xf32, #tpu.memory_space<vmem>>
    %dma_wait3A_308 = arith.constant 0 : i32
    %dma_wait3A_309 = arith.constant 0 : i32
    %dma_wait3A_310 = tpu.memref_slice %arg4[%dma_wait3A_302, %dma_wait3A_303, %add3A, %dma_wait3A_308, %dma_wait3A_309] : memref<200x8x32x8x128xf32, #tpu.memory_space<hbm>> -> memref<1x1x1x8x128xf32, #tpu.memory_space<hbm>>
    %dma_wait3A_311 = tpu.memref_squeeze %dma_wait3A_310 : memref<1x1x1x8x128xf32, #tpu.memory_space<hbm>> -> memref<8x128xf32, #tpu.memory_space<hbm>>
    %dma_wait3A_312 = tpu.memref_slice %arg9[%dma_wait3A_304] : memref<4x!tpu.dma_semaphore, #tpu.memory_space<semaphore_mem>> -> memref<1x!tpu.dma_semaphore, #tpu.memory_space<semaphore_mem>>
    %dma_wait3A_313 = tpu.memref_squeeze %dma_wait3A_312 : memref<1x!tpu.dma_semaphore, #tpu.memory_space<semaphore_mem>> -> memref<!tpu.dma_semaphore, #tpu.memory_space<semaphore_mem>>
    %dma_wait3A_314 = arith.constant 0 : i32
    %dma_wait3A_315 = arith.constant 0 : i32
    %dma_wait3A_316 = tpu.memref_slice %arg4[%dma_wait3A_302, %dma_wait3A_303, %add3A, %dma_wait3A_314, %dma_wait3A_315] : memref<200x8x32x8x128xf32, #tpu.memory_space<hbm>> -> memref<1x1x1x8x128xf32, #tpu.memory_space<hbm>>
    %dma_wait3A_317 = tpu.memref_squeeze %dma_wait3A_316 : memref<1x1x1x8x128xf32, #tpu.memory_space<hbm>> -> memref<8x128xf32, #tpu.memory_space<hbm>>
    %dma_wait3A_318 = arith.constant 0 : i32
    %dma_wait3A_319 = arith.constant 0 : i32
    %dma_wait3A_320 = tpu.memref_slice %arg7[%dma_wait3A_318, %dma_wait3A_319] : memref<256x129xf32, #tpu.memory_space<vmem>> -> memref<8x128xf32, #tpu.memory_space<vmem>>
    tpu.wait_dma2 semaphore(%dma_wait3A_313 : memref<!tpu.dma_semaphore, #tpu.memory_space<semaphore_mem>>) src(%dma_wait3A_320 : memref<8x128xf32, #tpu.memory_space<vmem>>) dst(%dma_wait3A_317 : memref<8x128xf32, #tpu.memory_space<hbm>>)
    %dma_wait3A_321 = arith.constant 0 : i32
    %dma_wait3A_322 = arith.constant 0 : i32
    %dma_wait3A_323 = arith.constant 1 : i32
    %dma_wait3A_324 = arith.constant 0 : i32
    %dma_wait3A_325 = arith.constant 0 : i32
    %dma_wait3A_326 = tpu.memref_slice %arg7[%dma_wait3A_324, %dma_wait3A_325] : memref<256x129xf32, #tpu.memory_space<vmem>> -> memref<8x128xf32, #tpu.memory_space<vmem>>
    %dma_wait3A_327 = arith.constant 0 : i32
    %dma_wait3A_328 = arith.constant 0 : i32
    %dma_wait3A_329 = tpu.memref_slice %arg4[%dma_wait3A_321, %dma_wait3A_322, %add3A, %dma_wait3A_327, %dma_wait3A_328] : memref<200x8x32x8x128xf32, #tpu.memory_space<hbm>> -> memref<1x1x1x8x128xf32, #tpu.memory_space<hbm>>
    %dma_wait3A_330 = tpu.memref_squeeze %dma_wait3A_329 : memref<1x1x1x8x128xf32, #tpu.memory_space<hbm>> -> memref<8x128xf32, #tpu.memory_space<hbm>>
    %dma_wait3A_331 = tpu.memref_slice %arg9[%dma_wait3A_323] : memref<4x!tpu.dma_semaphore, #tpu.memory_space<semaphore_mem>> -> memref<1x!tpu.dma_semaphore, #tpu.memory_space<semaphore_mem>>
    %dma_wait3A_332 = tpu.memref_squeeze %dma_wait3A_331 : memref<1x!tpu.dma_semaphore, #tpu.memory_space<semaphore_mem>> -> memref<!tpu.dma_semaphore, #tpu.memory_space<semaphore_mem>>
    %dma_wait3A_333 = arith.constant 0 : i32
    %dma_wait3A_334 = arith.constant 0 : i32
    %dma_wait3A_335 = tpu.memref_slice %arg4[%dma_wait3A_321, %dma_wait3A_322, %add3A, %dma_wait3A_333, %dma_wait3A_334] : memref<200x8x32x8x128xf32, #tpu.memory_space<hbm>> -> memref<1x1x1x8x128xf32, #tpu.memory_space<hbm>>
    %dma_wait3A_336 = tpu.memref_squeeze %dma_wait3A_335 : memref<1x1x1x8x128xf32, #tpu.memory_space<hbm>> -> memref<8x128xf32, #tpu.memory_space<hbm>>
    %dma_wait3A_337 = arith.constant 0 : i32
    %dma_wait3A_338 = arith.constant 0 : i32
    %dma_wait3A_339 = tpu.memref_slice %arg7[%dma_wait3A_337, %dma_wait3A_338] : memref<256x129xf32, #tpu.memory_space<vmem>> -> memref<8x128xf32, #tpu.memory_space<vmem>>
    tpu.wait_dma2 semaphore(%dma_wait3A_332 : memref<!tpu.dma_semaphore, #tpu.memory_space<semaphore_mem>>) src(%dma_wait3A_339 : memref<8x128xf32, #tpu.memory_space<vmem>>) dst(%dma_wait3A_336 : memref<8x128xf32, #tpu.memory_space<hbm>>)
    %dma_wait3A_340 = arith.constant 0 : i32
    %dma_wait3A_341 = arith.constant 0 : i32
    %dma_wait3A_342 = arith.constant 1 : i32
    %dma_wait3A_343 = arith.constant 0 : i32
    %dma_wait3A_344 = arith.constant 0 : i32
    %dma_wait3A_345 = tpu.memref_slice %arg7[%dma_wait3A_343, %dma_wait3A_344] : memref<256x129xf32, #tpu.memory_space<vmem>> -> memref<8x128xf32, #tpu.memory_space<vmem>>
    %dma_wait3A_346 = arith.constant 0 : i32
    %dma_wait3A_347 = arith.constant 0 : i32
    %dma_wait3A_348 = tpu.memref_slice %arg4[%dma_wait3A_340, %dma_wait3A_341, %add3A, %dma_wait3A_346, %dma_wait3A_347] : memref<200x8x32x8x128xf32, #tpu.memory_space<hbm>> -> memref<1x1x1x8x128xf32, #tpu.memory_space<hbm>>
    %dma_wait3A_349 = tpu.memref_squeeze %dma_wait3A_348 : memref<1x1x1x8x128xf32, #tpu.memory_space<hbm>> -> memref<8x128xf32, #tpu.memory_space<hbm>>
    %dma_wait3A_350 = tpu.memref_slice %arg9[%dma_wait3A_342] : memref<4x!tpu.dma_semaphore, #tpu.memory_space<semaphore_mem>> -> memref<1x!tpu.dma_semaphore, #tpu.memory_space<semaphore_mem>>
    %dma_wait3A_351 = tpu.memref_squeeze %dma_wait3A_350 : memref<1x!tpu.dma_semaphore, #tpu.memory_space<semaphore_mem>> -> memref<!tpu.dma_semaphore, #tpu.memory_space<semaphore_mem>>
    %dma_wait3A_352 = arith.constant 0 : i32
    %dma_wait3A_353 = arith.constant 0 : i32
    %dma_wait3A_354 = tpu.memref_slice %arg4[%dma_wait3A_340, %dma_wait3A_341, %add3A, %dma_wait3A_352, %dma_wait3A_353] : memref<200x8x32x8x128xf32, #tpu.memory_space<hbm>> -> memref<1x1x1x8x128xf32, #tpu.memory_space<hbm>>
    %dma_wait3A_355 = tpu.memref_squeeze %dma_wait3A_354 : memref<1x1x1x8x128xf32, #tpu.memory_space<hbm>> -> memref<8x128xf32, #tpu.memory_space<hbm>>
    %dma_wait3A_356 = arith.constant 0 : i32
    %dma_wait3A_357 = arith.constant 0 : i32
    %dma_wait3A_358 = tpu.memref_slice %arg7[%dma_wait3A_356, %dma_wait3A_357] : memref<256x129xf32, #tpu.memory_space<vmem>> -> memref<8x128xf32, #tpu.memory_space<vmem>>
    tpu.wait_dma2 semaphore(%dma_wait3A_351 : memref<!tpu.dma_semaphore, #tpu.memory_space<semaphore_mem>>) src(%dma_wait3A_358 : memref<8x128xf32, #tpu.memory_space<vmem>>) dst(%dma_wait3A_355 : memref<8x128xf32, #tpu.memory_space<hbm>>)
    %dma_wait3A_359 = arith.constant 0 : i32
    %dma_wait3A_360 = arith.constant 0 : i32
    %dma_wait3A_361 = arith.constant 2 : i32
    %dma_wait3A_362 = arith.constant 0 : i32
    %dma_wait3A_363 = arith.constant 0 : i32
    %dma_wait3A_364 = tpu.memref_slice %arg7[%dma_wait3A_362, %dma_wait3A_363] : memref<256x129xf32, #tpu.memory_space<vmem>> -> memref<8x128xf32, #tpu.memory_space<vmem>>
    %dma_wait3A_365 = arith.constant 0 : i32
    %dma_wait3A_366 = arith.constant 0 : i32
    %dma_wait3A_367 = tpu.memref_slice %arg4[%dma_wait3A_359, %dma_wait3A_360, %add3A, %dma_wait3A_365, %dma_wait3A_366] : memref<200x8x32x8x128xf32, #tpu.memory_space<hbm>> -> memref<1x1x1x8x128xf32, #tpu.memory_space<hbm>>
    %dma_wait3A_368 = tpu.memref_squeeze %dma_wait3A_367 : memref<1x1x1x8x128xf32, #tpu.memory_space<hbm>> -> memref<8x128xf32, #tpu.memory_space<hbm>>
    %dma_wait3A_369 = tpu.memref_slice %arg9[%dma_wait3A_361] : memref<4x!tpu.dma_semaphore, #tpu.memory_space<semaphore_mem>> -> memref<1x!tpu.dma_semaphore, #tpu.memory_space<semaphore_mem>>
    %dma_wait3A_370 = tpu.memref_squeeze %dma_wait3A_369 : memref<1x!tpu.dma_semaphore, #tpu.memory_space<semaphore_mem>> -> memref<!tpu.dma_semaphore, #tpu.memory_space<semaphore_mem>>
    %dma_wait3A_371 = arith.constant 0 : i32
    %dma_wait3A_372 = arith.constant 0 : i32
    %dma_wait3A_373 = tpu.memref_slice %arg4[%dma_wait3A_359, %dma_wait3A_360, %add3A, %dma_wait3A_371, %dma_wait3A_372] : memref<200x8x32x8x128xf32, #tpu.memory_space<hbm>> -> memref<1x1x1x8x128xf32, #tpu.memory_space<hbm>>
    %dma_wait3A_374 = tpu.memref_squeeze %dma_wait3A_373 : memref<1x1x1x8x128xf32, #tpu.memory_space<hbm>> -> memref<8x128xf32, #tpu.memory_space<hbm>>
    %dma_wait3A_375 = arith.constant 0 : i32
    %dma_wait3A_376 = arith.constant 0 : i32
    %dma_wait3A_377 = tpu.memref_slice %arg7[%dma_wait3A_375, %dma_wait3A_376] : memref<256x129xf32, #tpu.memory_space<vmem>> -> memref<8x128xf32, #tpu.memory_space<vmem>>
    tpu.wait_dma2 semaphore(%dma_wait3A_370 : memref<!tpu.dma_semaphore, #tpu.memory_space<semaphore_mem>>) src(%dma_wait3A_377 : memref<8x128xf32, #tpu.memory_space<vmem>>) dst(%dma_wait3A_374 : memref<8x128xf32, #tpu.memory_space<hbm>>)
    %dma_wait3A_378 = arith.constant 0 : i32
    %dma_wait3A_379 = arith.constant 0 : i32
    %dma_wait3A_380 = arith.constant 2 : i32
    %dma_wait3A_381 = arith.constant 0 : i32
    %dma_wait3A_382 = arith.constant 0 : i32
    %dma_wait3A_383 = tpu.memref_slice %arg7[%dma_wait3A_381, %dma_wait3A_382] : memref<256x129xf32, #tpu.memory_space<vmem>> -> memref<8x128xf32, #tpu.memory_space<vmem>>
    %dma_wait3A_384 = arith.constant 0 : i32
    %dma_wait3A_385 = arith.constant 0 : i32
    %dma_wait3A_386 = tpu.memref_slice %arg4[%dma_wait3A_378, %dma_wait3A_379, %add3A, %dma_wait3A_384, %dma_wait3A_385] : memref<200x8x32x8x128xf32, #tpu.memory_space<hbm>> -> memref<1x1x1x8x128xf32, #tpu.memory_space<hbm>>
    %dma_wait3A_387 = tpu.memref_squeeze %dma_wait3A_386 : memref<1x1x1x8x128xf32, #tpu.memory_space<hbm>> -> memref<8x128xf32, #tpu.memory_space<hbm>>
    %dma_wait3A_388 = tpu.memref_slice %arg9[%dma_wait3A_380] : memref<4x!tpu.dma_semaphore, #tpu.memory_space<semaphore_mem>> -> memref<1x!tpu.dma_semaphore, #tpu.memory_space<semaphore_mem>>
    %dma_wait3A_389 = tpu.memref_squeeze %dma_wait3A_388 : memref<1x!tpu.dma_semaphore, #tpu.memory_space<semaphore_mem>> -> memref<!tpu.dma_semaphore, #tpu.memory_space<semaphore_mem>>
    %dma_wait3A_390 = arith.constant 0 : i32
    %dma_wait3A_391 = arith.constant 0 : i32
    %dma_wait3A_392 = tpu.memref_slice %arg4[%dma_wait3A_378, %dma_wait3A_379, %add3A, %dma_wait3A_390, %dma_wait3A_391] : memref<200x8x32x8x128xf32, #tpu.memory_space<hbm>> -> memref<1x1x1x8x128xf32, #tpu.memory_space<hbm>>
    %dma_wait3A_393 = tpu.memref_squeeze %dma_wait3A_392 : memref<1x1x1x8x128xf32, #tpu.memory_space<hbm>> -> memref<8x128xf32, #tpu.memory_space<hbm>>
    %dma_wait3A_394 = arith.constant 0 : i32
    %dma_wait3A_395 = arith.constant 0 : i32
    %dma_wait3A_396 = tpu.memref_slice %arg7[%dma_wait3A_394, %dma_wait3A_395] : memref<256x129xf32, #tpu.memory_space<vmem>> -> memref<8x128xf32, #tpu.memory_space<vmem>>
    tpu.wait_dma2 semaphore(%dma_wait3A_389 : memref<!tpu.dma_semaphore, #tpu.memory_space<semaphore_mem>>) src(%dma_wait3A_396 : memref<8x128xf32, #tpu.memory_space<vmem>>) dst(%dma_wait3A_393 : memref<8x128xf32, #tpu.memory_space<hbm>>)
    %dma_wait3A_397 = arith.constant 0 : i32
    %dma_wait3A_398 = arith.constant 0 : i32
    %dma_wait3A_399 = arith.constant 2 : i32
    %dma_wait3A_400 = arith.constant 0 : i32
    %dma_wait3A_401 = arith.constant 0 : i32
    %dma_wait3A_402 = tpu.memref_slice %arg7[%dma_wait3A_400, %dma_wait3A_401] : memref<256x129xf32, #tpu.memory_space<vmem>> -> memref<8x128xf32, #tpu.memory_space<vmem>>
    %dma_wait3A_403 = arith.constant 0 : i32
    %dma_wait3A_404 = arith.constant 0 : i32
    %dma_wait3A_405 = tpu.memref_slice %arg4[%dma_wait3A_397, %dma_wait3A_398, %add3A, %dma_wait3A_403, %dma_wait3A_404] : memref<200x8x32x8x128xf32, #tpu.memory_space<hbm>> -> memref<1x1x1x8x128xf32, #tpu.memory_space<hbm>>
    %dma_wait3A_406 = tpu.memref_squeeze %dma_wait3A_405 : memref<1x1x1x8x128xf32, #tpu.memory_space<hbm>> -> memref<8x128xf32, #tpu.memory_space<hbm>>
    %dma_wait3A_407 = tpu.memref_slice %arg9[%dma_wait3A_399] : memref<4x!tpu.dma_semaphore, #tpu.memory_space<semaphore_mem>> -> memref<1x!tpu.dma_semaphore, #tpu.memory_space<semaphore_mem>>
    %dma_wait3A_408 = tpu.memref_squeeze %dma_wait3A_407 : memref<1x!tpu.dma_semaphore, #tpu.memory_space<semaphore_mem>> -> memref<!tpu.dma_semaphore, #tpu.memory_space<semaphore_mem>>
    %dma_wait3A_409 = arith.constant 0 : i32
    %dma_wait3A_410 = arith.constant 0 : i32
    %dma_wait3A_411 = tpu.memref_slice %arg4[%dma_wait3A_397, %dma_wait3A_398, %add3A, %dma_wait3A_409, %dma_wait3A_410] : memref<200x8x32x8x128xf32, #tpu.memory_space<hbm>> -> memref<1x1x1x8x128xf32, #tpu.memory_space<hbm>>
    %dma_wait3A_412 = tpu.memref_squeeze %dma_wait3A_411 : memref<1x1x1x8x128xf32, #tpu.memory_space<hbm>> -> memref<8x128xf32, #tpu.memory_space<hbm>>
    %dma_wait3A_413 = arith.constant 0 : i32
    %dma_wait3A_414 = arith.constant 0 : i32
    %dma_wait3A_415 = tpu.memref_slice %arg7[%dma_wait3A_413, %dma_wait3A_414] : memref<256x129xf32, #tpu.memory_space<vmem>> -> memref<8x128xf32, #tpu.memory_space<vmem>>
    tpu.wait_dma2 semaphore(%dma_wait3A_408 : memref<!tpu.dma_semaphore, #tpu.memory_space<semaphore_mem>>) src(%dma_wait3A_415 : memref<8x128xf32, #tpu.memory_space<vmem>>) dst(%dma_wait3A_412 : memref<8x128xf32, #tpu.memory_space<hbm>>)
    %dma_wait3A_416 = arith.constant 0 : i32
    %dma_wait3A_417 = arith.constant 0 : i32
    %dma_wait3A_418 = arith.constant 2 : i32
    %dma_wait3A_419 = arith.constant 0 : i32
    %dma_wait3A_420 = arith.constant 0 : i32
    %dma_wait3A_421 = tpu.memref_slice %arg7[%dma_wait3A_419, %dma_wait3A_420] : memref<256x129xf32, #tpu.memory_space<vmem>> -> memref<8x128xf32, #tpu.memory_space<vmem>>
    %dma_wait3A_422 = arith.constant 0 : i32
    %dma_wait3A_423 = arith.constant 0 : i32
    %dma_wait3A_424 = tpu.memref_slice %arg4[%dma_wait3A_416, %dma_wait3A_417, %add3A, %dma_wait3A_422, %dma_wait3A_423] : memref<200x8x32x8x128xf32, #tpu.memory_space<hbm>> -> memref<1x1x1x8x128xf32, #tpu.memory_space<hbm>>
    %dma_wait3A_425 = tpu.memref_squeeze %dma_wait3A_424 : memref<1x1x1x8x128xf32, #tpu.memory_space<hbm>> -> memref<8x128xf32, #tpu.memory_space<hbm>>
    %dma_wait3A_426 = tpu.memref_slice %arg9[%dma_wait3A_418] : memref<4x!tpu.dma_semaphore, #tpu.memory_space<semaphore_mem>> -> memref<1x!tpu.dma_semaphore, #tpu.memory_space<semaphore_mem>>
    %dma_wait3A_427 = tpu.memref_squeeze %dma_wait3A_426 : memref<1x!tpu.dma_semaphore, #tpu.memory_space<semaphore_mem>> -> memref<!tpu.dma_semaphore, #tpu.memory_space<semaphore_mem>>
    %dma_wait3A_428 = arith.constant 0 : i32
    %dma_wait3A_429 = arith.constant 0 : i32
    %dma_wait3A_430 = tpu.memref_slice %arg4[%dma_wait3A_416, %dma_wait3A_417, %add3A, %dma_wait3A_428, %dma_wait3A_429] : memref<200x8x32x8x128xf32, #tpu.memory_space<hbm>> -> memref<1x1x1x8x128xf32, #tpu.memory_space<hbm>>
    %dma_wait3A_431 = tpu.memref_squeeze %dma_wait3A_430 : memref<1x1x1x8x128xf32, #tpu.memory_space<hbm>> -> memref<8x128xf32, #tpu.memory_space<hbm>>
    %dma_wait3A_432 = arith.constant 0 : i32
    %dma_wait3A_433 = arith.constant 0 : i32
    %dma_wait3A_434 = tpu.memref_slice %arg7[%dma_wait3A_432, %dma_wait3A_433] : memref<256x129xf32, #tpu.memory_space<vmem>> -> memref<8x128xf32, #tpu.memory_space<vmem>>
    tpu.wait_dma2 semaphore(%dma_wait3A_427 : memref<!tpu.dma_semaphore, #tpu.memory_space<semaphore_mem>>) src(%dma_wait3A_434 : memref<8x128xf32, #tpu.memory_space<vmem>>) dst(%dma_wait3A_431 : memref<8x128xf32, #tpu.memory_space<hbm>>)
    %dma_wait3A_435 = arith.constant 0 : i32
    %dma_wait3A_436 = arith.constant 0 : i32
    %dma_wait3A_437 = arith.constant 2 : i32
    %dma_wait3A_438 = arith.constant 0 : i32
    %dma_wait3A_439 = arith.constant 0 : i32
    %dma_wait3A_440 = tpu.memref_slice %arg7[%dma_wait3A_438, %dma_wait3A_439] : memref<256x129xf32, #tpu.memory_space<vmem>> -> memref<8x128xf32, #tpu.memory_space<vmem>>
    %dma_wait3A_441 = arith.constant 0 : i32
    %dma_wait3A_442 = arith.constant 0 : i32
    %dma_wait3A_443 = tpu.memref_slice %arg4[%dma_wait3A_435, %dma_wait3A_436, %add3A, %dma_wait3A_441, %dma_wait3A_442] : memref<200x8x32x8x128xf32, #tpu.memory_space<hbm>> -> memref<1x1x1x8x128xf32, #tpu.memory_space<hbm>>
    %dma_wait3A_444 = tpu.memref_squeeze %dma_wait3A_443 : memref<1x1x1x8x128xf32, #tpu.memory_space<hbm>> -> memref<8x128xf32, #tpu.memory_space<hbm>>
    %dma_wait3A_445 = tpu.memref_slice %arg9[%dma_wait3A_437] : memref<4x!tpu.dma_semaphore, #tpu.memory_space<semaphore_mem>> -> memref<1x!tpu.dma_semaphore, #tpu.memory_space<semaphore_mem>>
    %dma_wait3A_446 = tpu.memref_squeeze %dma_wait3A_445 : memref<1x!tpu.dma_semaphore, #tpu.memory_space<semaphore_mem>> -> memref<!tpu.dma_semaphore, #tpu.memory_space<semaphore_mem>>
    %dma_wait3A_447 = arith.constant 0 : i32
    %dma_wait3A_448 = arith.constant 0 : i32
    %dma_wait3A_449 = tpu.memref_slice %arg4[%dma_wait3A_435, %dma_wait3A_436, %add3A, %dma_wait3A_447, %dma_wait3A_448] : memref<200x8x32x8x128xf32, #tpu.memory_space<hbm>> -> memref<1x1x1x8x128xf32, #tpu.memory_space<hbm>>
    %dma_wait3A_450 = tpu.memref_squeeze %dma_wait3A_449 : memref<1x1x1x8x128xf32, #tpu.memory_space<hbm>> -> memref<8x128xf32, #tpu.memory_space<hbm>>
    %dma_wait3A_451 = arith.constant 0 : i32
    %dma_wait3A_452 = arith.constant 0 : i32
    %dma_wait3A_453 = tpu.memref_slice %arg7[%dma_wait3A_451, %dma_wait3A_452] : memref<256x129xf32, #tpu.memory_space<vmem>> -> memref<8x128xf32, #tpu.memory_space<vmem>>
    tpu.wait_dma2 semaphore(%dma_wait3A_446 : memref<!tpu.dma_semaphore, #tpu.memory_space<semaphore_mem>>) src(%dma_wait3A_453 : memref<8x128xf32, #tpu.memory_space<vmem>>) dst(%dma_wait3A_450 : memref<8x128xf32, #tpu.memory_space<hbm>>)
    %dma_wait3A_454 = arith.constant 0 : i32
    %dma_wait3A_455 = arith.constant 0 : i32
    %dma_wait3A_456 = arith.constant 2 : i32
    %dma_wait3A_457 = arith.constant 0 : i32
    %dma_wait3A_458 = arith.constant 0 : i32
    %dma_wait3A_459 = tpu.memref_slice %arg7[%dma_wait3A_457, %dma_wait3A_458] : memref<256x129xf32, #tpu.memory_space<vmem>> -> memref<8x128xf32, #tpu.memory_space<vmem>>
    %dma_wait3A_460 = arith.constant 0 : i32
    %dma_wait3A_461 = arith.constant 0 : i32
    %dma_wait3A_462 = tpu.memref_slice %arg4[%dma_wait3A_454, %dma_wait3A_455, %add3A, %dma_wait3A_460, %dma_wait3A_461] : memref<200x8x32x8x128xf32, #tpu.memory_space<hbm>> -> memref<1x1x1x8x128xf32, #tpu.memory_space<hbm>>
    %dma_wait3A_463 = tpu.memref_squeeze %dma_wait3A_462 : memref<1x1x1x8x128xf32, #tpu.memory_space<hbm>> -> memref<8x128xf32, #tpu.memory_space<hbm>>
    %dma_wait3A_464 = tpu.memref_slice %arg9[%dma_wait3A_456] : memref<4x!tpu.dma_semaphore, #tpu.memory_space<semaphore_mem>> -> memref<1x!tpu.dma_semaphore, #tpu.memory_space<semaphore_mem>>
    %dma_wait3A_465 = tpu.memref_squeeze %dma_wait3A_464 : memref<1x!tpu.dma_semaphore, #tpu.memory_space<semaphore_mem>> -> memref<!tpu.dma_semaphore, #tpu.memory_space<semaphore_mem>>
    %dma_wait3A_466 = arith.constant 0 : i32
    %dma_wait3A_467 = arith.constant 0 : i32
    %dma_wait3A_468 = tpu.memref_slice %arg4[%dma_wait3A_454, %dma_wait3A_455, %add3A, %dma_wait3A_466, %dma_wait3A_467] : memref<200x8x32x8x128xf32, #tpu.memory_space<hbm>> -> memref<1x1x1x8x128xf32, #tpu.memory_space<hbm>>
    %dma_wait3A_469 = tpu.memref_squeeze %dma_wait3A_468 : memref<1x1x1x8x128xf32, #tpu.memory_space<hbm>> -> memref<8x128xf32, #tpu.memory_space<hbm>>
    %dma_wait3A_470 = arith.constant 0 : i32
    %dma_wait3A_471 = arith.constant 0 : i32
    %dma_wait3A_472 = tpu.memref_slice %arg7[%dma_wait3A_470, %dma_wait3A_471] : memref<256x129xf32, #tpu.memory_space<vmem>> -> memref<8x128xf32, #tpu.memory_space<vmem>>
    tpu.wait_dma2 semaphore(%dma_wait3A_465 : memref<!tpu.dma_semaphore, #tpu.memory_space<semaphore_mem>>) src(%dma_wait3A_472 : memref<8x128xf32, #tpu.memory_space<vmem>>) dst(%dma_wait3A_469 : memref<8x128xf32, #tpu.memory_space<hbm>>)
    %dma_wait3A_473 = arith.constant 0 : i32
    %dma_wait3A_474 = arith.constant 0 : i32
    %dma_wait3A_475 = arith.constant 2 : i32
    %dma_wait3A_476 = arith.constant 0 : i32
    %dma_wait3A_477 = arith.constant 0 : i32
    %dma_wait3A_478 = tpu.memref_slice %arg7[%dma_wait3A_476, %dma_wait3A_477] : memref<256x129xf32, #tpu.memory_space<vmem>> -> memref<8x128xf32, #tpu.memory_space<vmem>>
    %dma_wait3A_479 = arith.constant 0 : i32
    %dma_wait3A_480 = arith.constant 0 : i32
    %dma_wait3A_481 = tpu.memref_slice %arg4[%dma_wait3A_473, %dma_wait3A_474, %add3A, %dma_wait3A_479, %dma_wait3A_480] : memref<200x8x32x8x128xf32, #tpu.memory_space<hbm>> -> memref<1x1x1x8x128xf32, #tpu.memory_space<hbm>>
    %dma_wait3A_482 = tpu.memref_squeeze %dma_wait3A_481 : memref<1x1x1x8x128xf32, #tpu.memory_space<hbm>> -> memref<8x128xf32, #tpu.memory_space<hbm>>
    %dma_wait3A_483 = tpu.memref_slice %arg9[%dma_wait3A_475] : memref<4x!tpu.dma_semaphore, #tpu.memory_space<semaphore_mem>> -> memref<1x!tpu.dma_semaphore, #tpu.memory_space<semaphore_mem>>
    %dma_wait3A_484 = tpu.memref_squeeze %dma_wait3A_483 : memref<1x!tpu.dma_semaphore, #tpu.memory_space<semaphore_mem>> -> memref<!tpu.dma_semaphore, #tpu.memory_space<semaphore_mem>>
    %dma_wait3A_485 = arith.constant 0 : i32
    %dma_wait3A_486 = arith.constant 0 : i32
    %dma_wait3A_487 = tpu.memref_slice %arg4[%dma_wait3A_473, %dma_wait3A_474, %add3A, %dma_wait3A_485, %dma_wait3A_486] : memref<200x8x32x8x128xf32, #tpu.memory_space<hbm>> -> memref<1x1x1x8x128xf32, #tpu.memory_space<hbm>>
    %dma_wait3A_488 = tpu.memref_squeeze %dma_wait3A_487 : memref<1x1x1x8x128xf32, #tpu.memory_space<hbm>> -> memref<8x128xf32, #tpu.memory_space<hbm>>
    %dma_wait3A_489 = arith.constant 0 : i32
    %dma_wait3A_490 = arith.constant 0 : i32
    %dma_wait3A_491 = tpu.memref_slice %arg7[%dma_wait3A_489, %dma_wait3A_490] : memref<256x129xf32, #tpu.memory_space<vmem>> -> memref<8x128xf32, #tpu.memory_space<vmem>>
    tpu.wait_dma2 semaphore(%dma_wait3A_484 : memref<!tpu.dma_semaphore, #tpu.memory_space<semaphore_mem>>) src(%dma_wait3A_491 : memref<8x128xf32, #tpu.memory_space<vmem>>) dst(%dma_wait3A_488 : memref<8x128xf32, #tpu.memory_space<hbm>>)
    %dma_wait3A_492 = arith.constant 0 : i32
    %dma_wait3A_493 = arith.constant 0 : i32
    %dma_wait3A_494 = arith.constant 2 : i32
    %dma_wait3A_495 = arith.constant 0 : i32
    %dma_wait3A_496 = arith.constant 0 : i32
    %dma_wait3A_497 = tpu.memref_slice %arg7[%dma_wait3A_495, %dma_wait3A_496] : memref<256x129xf32, #tpu.memory_space<vmem>> -> memref<8x128xf32, #tpu.memory_space<vmem>>
    %dma_wait3A_498 = arith.constant 0 : i32
    %dma_wait3A_499 = arith.constant 0 : i32
    %dma_wait3A_500 = tpu.memref_slice %arg4[%dma_wait3A_492, %dma_wait3A_493, %add3A, %dma_wait3A_498, %dma_wait3A_499] : memref<200x8x32x8x128xf32, #tpu.memory_space<hbm>> -> memref<1x1x1x8x128xf32, #tpu.memory_space<hbm>>
    %dma_wait3A_501 = tpu.memref_squeeze %dma_wait3A_500 : memref<1x1x1x8x128xf32, #tpu.memory_space<hbm>> -> memref<8x128xf32, #tpu.memory_space<hbm>>
    %dma_wait3A_502 = tpu.memref_slice %arg9[%dma_wait3A_494] : memref<4x!tpu.dma_semaphore, #tpu.memory_space<semaphore_mem>> -> memref<1x!tpu.dma_semaphore, #tpu.memory_space<semaphore_mem>>
    %dma_wait3A_503 = tpu.memref_squeeze %dma_wait3A_502 : memref<1x!tpu.dma_semaphore, #tpu.memory_space<semaphore_mem>> -> memref<!tpu.dma_semaphore, #tpu.memory_space<semaphore_mem>>
    %dma_wait3A_504 = arith.constant 0 : i32
    %dma_wait3A_505 = arith.constant 0 : i32
    %dma_wait3A_506 = tpu.memref_slice %arg4[%dma_wait3A_492, %dma_wait3A_493, %add3A, %dma_wait3A_504, %dma_wait3A_505] : memref<200x8x32x8x128xf32, #tpu.memory_space<hbm>> -> memref<1x1x1x8x128xf32, #tpu.memory_space<hbm>>
    %dma_wait3A_507 = tpu.memref_squeeze %dma_wait3A_506 : memref<1x1x1x8x128xf32, #tpu.memory_space<hbm>> -> memref<8x128xf32, #tpu.memory_space<hbm>>
    %dma_wait3A_508 = arith.constant 0 : i32
    %dma_wait3A_509 = arith.constant 0 : i32
    %dma_wait3A_510 = tpu.memref_slice %arg7[%dma_wait3A_508, %dma_wait3A_509] : memref<256x129xf32, #tpu.memory_space<vmem>> -> memref<8x128xf32, #tpu.memory_space<vmem>>
    tpu.wait_dma2 semaphore(%dma_wait3A_503 : memref<!tpu.dma_semaphore, #tpu.memory_space<semaphore_mem>>) src(%dma_wait3A_510 : memref<8x128xf32, #tpu.memory_space<vmem>>) dst(%dma_wait3A_507 : memref<8x128xf32, #tpu.memory_space<hbm>>)
    %dma_wait3A_511 = arith.constant 0 : i32
    %dma_wait3A_512 = arith.constant 0 : i32
    %dma_wait3A_513 = arith.constant 3 : i32
    %dma_wait3A_514 = arith.constant 0 : i32
    %dma_wait3A_515 = arith.constant 0 : i32
    %dma_wait3A_516 = tpu.memref_slice %arg7[%dma_wait3A_514, %dma_wait3A_515] : memref<256x129xf32, #tpu.memory_space<vmem>> -> memref<8x128xf32, #tpu.memory_space<vmem>>
    %dma_wait3A_517 = arith.constant 0 : i32
    %dma_wait3A_518 = arith.constant 0 : i32
    %dma_wait3A_519 = tpu.memref_slice %arg4[%dma_wait3A_511, %dma_wait3A_512, %add3A, %dma_wait3A_517, %dma_wait3A_518] : memref<200x8x32x8x128xf32, #tpu.memory_space<hbm>> -> memref<1x1x1x8x128xf32, #tpu.memory_space<hbm>>
    %dma_wait3A_520 = tpu.memref_squeeze %dma_wait3A_519 : memref<1x1x1x8x128xf32, #tpu.memory_space<hbm>> -> memref<8x128xf32, #tpu.memory_space<hbm>>
    %dma_wait3A_521 = tpu.memref_slice %arg9[%dma_wait3A_513] : memref<4x!tpu.dma_semaphore, #tpu.memory_space<semaphore_mem>> -> memref<1x!tpu.dma_semaphore, #tpu.memory_space<semaphore_mem>>
    %dma_wait3A_522 = tpu.memref_squeeze %dma_wait3A_521 : memref<1x!tpu.dma_semaphore, #tpu.memory_space<semaphore_mem>> -> memref<!tpu.dma_semaphore, #tpu.memory_space<semaphore_mem>>
    %dma_wait3A_523 = arith.constant 0 : i32
    %dma_wait3A_524 = arith.constant 0 : i32
    %dma_wait3A_525 = tpu.memref_slice %arg4[%dma_wait3A_511, %dma_wait3A_512, %add3A, %dma_wait3A_523, %dma_wait3A_524] : memref<200x8x32x8x128xf32, #tpu.memory_space<hbm>> -> memref<1x1x1x8x128xf32, #tpu.memory_space<hbm>>
    %dma_wait3A_526 = tpu.memref_squeeze %dma_wait3A_525 : memref<1x1x1x8x128xf32, #tpu.memory_space<hbm>> -> memref<8x128xf32, #tpu.memory_space<hbm>>
    %dma_wait3A_527 = arith.constant 0 : i32
    %dma_wait3A_528 = arith.constant 0 : i32
    %dma_wait3A_529 = tpu.memref_slice %arg7[%dma_wait3A_527, %dma_wait3A_528] : memref<256x129xf32, #tpu.memory_space<vmem>> -> memref<8x128xf32, #tpu.memory_space<vmem>>
    tpu.wait_dma2 semaphore(%dma_wait3A_522 : memref<!tpu.dma_semaphore, #tpu.memory_space<semaphore_mem>>) src(%dma_wait3A_529 : memref<8x128xf32, #tpu.memory_space<vmem>>) dst(%dma_wait3A_526 : memref<8x128xf32, #tpu.memory_space<hbm>>)
    %dma_wait3A_530 = arith.constant 0 : i32
    %dma_wait3A_531 = arith.constant 0 : i32
    %dma_wait3A_532 = arith.constant 3 : i32
    %dma_wait3A_533 = arith.constant 0 : i32
    %dma_wait3A_534 = arith.constant 0 : i32
    %dma_wait3A_535 = tpu.memref_slice %arg7[%dma_wait3A_533, %dma_wait3A_534] : memref<256x129xf32, #tpu.memory_space<vmem>> -> memref<8x128xf32, #tpu.memory_space<vmem>>
    %dma_wait3A_536 = arith.constant 0 : i32
    %dma_wait3A_537 = arith.constant 0 : i32
    %dma_wait3A_538 = tpu.memref_slice %arg4[%dma_wait3A_530, %dma_wait3A_531, %add3A, %dma_wait3A_536, %dma_wait3A_537] : memref<200x8x32x8x128xf32, #tpu.memory_space<hbm>> -> memref<1x1x1x8x128xf32, #tpu.memory_space<hbm>>
    %dma_wait3A_539 = tpu.memref_squeeze %dma_wait3A_538 : memref<1x1x1x8x128xf32, #tpu.memory_space<hbm>> -> memref<8x128xf32, #tpu.memory_space<hbm>>
    %dma_wait3A_540 = tpu.memref_slice %arg9[%dma_wait3A_532] : memref<4x!tpu.dma_semaphore, #tpu.memory_space<semaphore_mem>> -> memref<1x!tpu.dma_semaphore, #tpu.memory_space<semaphore_mem>>
    %dma_wait3A_541 = tpu.memref_squeeze %dma_wait3A_540 : memref<1x!tpu.dma_semaphore, #tpu.memory_space<semaphore_mem>> -> memref<!tpu.dma_semaphore, #tpu.memory_space<semaphore_mem>>
    %dma_wait3A_542 = arith.constant 0 : i32
    %dma_wait3A_543 = arith.constant 0 : i32
    %dma_wait3A_544 = tpu.memref_slice %arg4[%dma_wait3A_530, %dma_wait3A_531, %add3A, %dma_wait3A_542, %dma_wait3A_543] : memref<200x8x32x8x128xf32, #tpu.memory_space<hbm>> -> memref<1x1x1x8x128xf32, #tpu.memory_space<hbm>>
    %dma_wait3A_545 = tpu.memref_squeeze %dma_wait3A_544 : memref<1x1x1x8x128xf32, #tpu.memory_space<hbm>> -> memref<8x128xf32, #tpu.memory_space<hbm>>
    %dma_wait3A_546 = arith.constant 0 : i32
    %dma_wait3A_547 = arith.constant 0 : i32
    %dma_wait3A_548 = tpu.memref_slice %arg7[%dma_wait3A_546, %dma_wait3A_547] : memref<256x129xf32, #tpu.memory_space<vmem>> -> memref<8x128xf32, #tpu.memory_space<vmem>>
    tpu.wait_dma2 semaphore(%dma_wait3A_541 : memref<!tpu.dma_semaphore, #tpu.memory_space<semaphore_mem>>) src(%dma_wait3A_548 : memref<8x128xf32, #tpu.memory_space<vmem>>) dst(%dma_wait3A_545 : memref<8x128xf32, #tpu.memory_space<hbm>>)
    %dma_wait3A_549 = arith.constant 0 : i32
    %dma_wait3A_550 = arith.constant 0 : i32
    %dma_wait3A_551 = arith.constant 3 : i32
    %dma_wait3A_552 = arith.constant 0 : i32
    %dma_wait3A_553 = arith.constant 0 : i32
    %dma_wait3A_554 = tpu.memref_slice %arg7[%dma_wait3A_552, %dma_wait3A_553] : memref<256x129xf32, #tpu.memory_space<vmem>> -> memref<8x128xf32, #tpu.memory_space<vmem>>
    %dma_wait3A_555 = arith.constant 0 : i32
    %dma_wait3A_556 = arith.constant 0 : i32
    %dma_wait3A_557 = tpu.memref_slice %arg4[%dma_wait3A_549, %dma_wait3A_550, %add3A, %dma_wait3A_555, %dma_wait3A_556] : memref<200x8x32x8x128xf32, #tpu.memory_space<hbm>> -> memref<1x1x1x8x128xf32, #tpu.memory_space<hbm>>
    %dma_wait3A_558 = tpu.memref_squeeze %dma_wait3A_557 : memref<1x1x1x8x128xf32, #tpu.memory_space<hbm>> -> memref<8x128xf32, #tpu.memory_space<hbm>>
    %dma_wait3A_559 = tpu.memref_slice %arg9[%dma_wait3A_551] : memref<4x!tpu.dma_semaphore, #tpu.memory_space<semaphore_mem>> -> memref<1x!tpu.dma_semaphore, #tpu.memory_space<semaphore_mem>>
    %dma_wait3A_560 = tpu.memref_squeeze %dma_wait3A_559 : memref<1x!tpu.dma_semaphore, #tpu.memory_space<semaphore_mem>> -> memref<!tpu.dma_semaphore, #tpu.memory_space<semaphore_mem>>
    %dma_wait3A_561 = arith.constant 0 : i32
    %dma_wait3A_562 = arith.constant 0 : i32
    %dma_wait3A_563 = tpu.memref_slice %arg4[%dma_wait3A_549, %dma_wait3A_550, %add3A, %dma_wait3A_561, %dma_wait3A_562] : memref<200x8x32x8x128xf32, #tpu.memory_space<hbm>> -> memref<1x1x1x8x128xf32, #tpu.memory_space<hbm>>
    %dma_wait3A_564 = tpu.memref_squeeze %dma_wait3A_563 : memref<1x1x1x8x128xf32, #tpu.memory_space<hbm>> -> memref<8x128xf32, #tpu.memory_space<hbm>>
    %dma_wait3A_565 = arith.constant 0 : i32
    %dma_wait3A_566 = arith.constant 0 : i32
    %dma_wait3A_567 = tpu.memref_slice %arg7[%dma_wait3A_565, %dma_wait3A_566] : memref<256x129xf32, #tpu.memory_space<vmem>> -> memref<8x128xf32, #tpu.memory_space<vmem>>
    tpu.wait_dma2 semaphore(%dma_wait3A_560 : memref<!tpu.dma_semaphore, #tpu.memory_space<semaphore_mem>>) src(%dma_wait3A_567 : memref<8x128xf32, #tpu.memory_space<vmem>>) dst(%dma_wait3A_564 : memref<8x128xf32, #tpu.memory_space<hbm>>)
    %dma_wait3A_568 = arith.constant 0 : i32
    %dma_wait3A_569 = arith.constant 0 : i32
    %dma_wait3A_570 = arith.constant 3 : i32
    %dma_wait3A_571 = arith.constant 0 : i32
    %dma_wait3A_572 = arith.constant 0 : i32
    %dma_wait3A_573 = tpu.memref_slice %arg7[%dma_wait3A_571, %dma_wait3A_572] : memref<256x129xf32, #tpu.memory_space<vmem>> -> memref<8x128xf32, #tpu.memory_space<vmem>>
    %dma_wait3A_574 = arith.constant 0 : i32
    %dma_wait3A_575 = arith.constant 0 : i32
    %dma_wait3A_576 = tpu.memref_slice %arg4[%dma_wait3A_568, %dma_wait3A_569, %add3A, %dma_wait3A_574, %dma_wait3A_575] : memref<200x8x32x8x128xf32, #tpu.memory_space<hbm>> -> memref<1x1x1x8x128xf32, #tpu.memory_space<hbm>>
    %dma_wait3A_577 = tpu.memref_squeeze %dma_wait3A_576 : memref<1x1x1x8x128xf32, #tpu.memory_space<hbm>> -> memref<8x128xf32, #tpu.memory_space<hbm>>
    %dma_wait3A_578 = tpu.memref_slice %arg9[%dma_wait3A_570] : memref<4x!tpu.dma_semaphore, #tpu.memory_space<semaphore_mem>> -> memref<1x!tpu.dma_semaphore, #tpu.memory_space<semaphore_mem>>
    %dma_wait3A_579 = tpu.memref_squeeze %dma_wait3A_578 : memref<1x!tpu.dma_semaphore, #tpu.memory_space<semaphore_mem>> -> memref<!tpu.dma_semaphore, #tpu.memory_space<semaphore_mem>>
    %dma_wait3A_580 = arith.constant 0 : i32
    %dma_wait3A_581 = arith.constant 0 : i32
    %dma_wait3A_582 = tpu.memref_slice %arg4[%dma_wait3A_568, %dma_wait3A_569, %add3A, %dma_wait3A_580, %dma_wait3A_581] : memref<200x8x32x8x128xf32, #tpu.memory_space<hbm>> -> memref<1x1x1x8x128xf32, #tpu.memory_space<hbm>>
    %dma_wait3A_583 = tpu.memref_squeeze %dma_wait3A_582 : memref<1x1x1x8x128xf32, #tpu.memory_space<hbm>> -> memref<8x128xf32, #tpu.memory_space<hbm>>
    %dma_wait3A_584 = arith.constant 0 : i32
    %dma_wait3A_585 = arith.constant 0 : i32
    %dma_wait3A_586 = tpu.memref_slice %arg7[%dma_wait3A_584, %dma_wait3A_585] : memref<256x129xf32, #tpu.memory_space<vmem>> -> memref<8x128xf32, #tpu.memory_space<vmem>>
    tpu.wait_dma2 semaphore(%dma_wait3A_579 : memref<!tpu.dma_semaphore, #tpu.memory_space<semaphore_mem>>) src(%dma_wait3A_586 : memref<8x128xf32, #tpu.memory_space<vmem>>) dst(%dma_wait3A_583 : memref<8x128xf32, #tpu.memory_space<hbm>>)
    %dma_wait3A_587 = arith.constant 0 : i32
    %dma_wait3A_588 = arith.constant 0 : i32
    %dma_wait3A_589 = arith.constant 3 : i32
    %dma_wait3A_590 = arith.constant 0 : i32
    %dma_wait3A_591 = arith.constant 0 : i32
    %dma_wait3A_592 = tpu.memref_slice %arg7[%dma_wait3A_590, %dma_wait3A_591] : memref<256x129xf32, #tpu.memory_space<vmem>> -> memref<8x128xf32, #tpu.memory_space<vmem>>
    %dma_wait3A_593 = arith.constant 0 : i32
    %dma_wait3A_594 = arith.constant 0 : i32
    %dma_wait3A_595 = tpu.memref_slice %arg4[%dma_wait3A_587, %dma_wait3A_588, %add3A, %dma_wait3A_593, %dma_wait3A_594] : memref<200x8x32x8x128xf32, #tpu.memory_space<hbm>> -> memref<1x1x1x8x128xf32, #tpu.memory_space<hbm>>
    %dma_wait3A_596 = tpu.memref_squeeze %dma_wait3A_595 : memref<1x1x1x8x128xf32, #tpu.memory_space<hbm>> -> memref<8x128xf32, #tpu.memory_space<hbm>>
    %dma_wait3A_597 = tpu.memref_slice %arg9[%dma_wait3A_589] : memref<4x!tpu.dma_semaphore, #tpu.memory_space<semaphore_mem>> -> memref<1x!tpu.dma_semaphore, #tpu.memory_space<semaphore_mem>>
    %dma_wait3A_598 = tpu.memref_squeeze %dma_wait3A_597 : memref<1x!tpu.dma_semaphore, #tpu.memory_space<semaphore_mem>> -> memref<!tpu.dma_semaphore, #tpu.memory_space<semaphore_mem>>
    %dma_wait3A_599 = arith.constant 0 : i32
    %dma_wait3A_600 = arith.constant 0 : i32
    %dma_wait3A_601 = tpu.memref_slice %arg4[%dma_wait3A_587, %dma_wait3A_588, %add3A, %dma_wait3A_599, %dma_wait3A_600] : memref<200x8x32x8x128xf32, #tpu.memory_space<hbm>> -> memref<1x1x1x8x128xf32, #tpu.memory_space<hbm>>
    %dma_wait3A_602 = tpu.memref_squeeze %dma_wait3A_601 : memref<1x1x1x8x128xf32, #tpu.memory_space<hbm>> -> memref<8x128xf32, #tpu.memory_space<hbm>>
    %dma_wait3A_603 = arith.constant 0 : i32
    %dma_wait3A_604 = arith.constant 0 : i32
    %dma_wait3A_605 = tpu.memref_slice %arg7[%dma_wait3A_603, %dma_wait3A_604] : memref<256x129xf32, #tpu.memory_space<vmem>> -> memref<8x128xf32, #tpu.memory_space<vmem>>
    tpu.wait_dma2 semaphore(%dma_wait3A_598 : memref<!tpu.dma_semaphore, #tpu.memory_space<semaphore_mem>>) src(%dma_wait3A_605 : memref<8x128xf32, #tpu.memory_space<vmem>>) dst(%dma_wait3A_602 : memref<8x128xf32, #tpu.memory_space<hbm>>)
    %dma_wait3A_606 = arith.constant 0 : i32
    %dma_wait3A_607 = arith.constant 0 : i32
    %dma_wait3A_608 = arith.constant 3 : i32
    %dma_wait3A_609 = arith.constant 0 : i32
    %dma_wait3A_610 = arith.constant 0 : i32
    %dma_wait3A_611 = tpu.memref_slice %arg7[%dma_wait3A_609, %dma_wait3A_610] : memref<256x129xf32, #tpu.memory_space<vmem>> -> memref<8x128xf32, #tpu.memory_space<vmem>>
    %dma_wait3A_612 = arith.constant 0 : i32
    %dma_wait3A_613 = arith.constant 0 : i32
    %dma_wait3A_614 = tpu.memref_slice %arg4[%dma_wait3A_606, %dma_wait3A_607, %add3A, %dma_wait3A_612, %dma_wait3A_613] : memref<200x8x32x8x128xf32, #tpu.memory_space<hbm>> -> memref<1x1x1x8x128xf32, #tpu.memory_space<hbm>>
    %dma_wait3A_615 = tpu.memref_squeeze %dma_wait3A_614 : memref<1x1x1x8x128xf32, #tpu.memory_space<hbm>> -> memref<8x128xf32, #tpu.memory_space<hbm>>
    %dma_wait3A_616 = tpu.memref_slice %arg9[%dma_wait3A_608] : memref<4x!tpu.dma_semaphore, #tpu.memory_space<semaphore_mem>> -> memref<1x!tpu.dma_semaphore, #tpu.memory_space<semaphore_mem>>
    %dma_wait3A_617 = tpu.memref_squeeze %dma_wait3A_616 : memref<1x!tpu.dma_semaphore, #tpu.memory_space<semaphore_mem>> -> memref<!tpu.dma_semaphore, #tpu.memory_space<semaphore_mem>>
    %dma_wait3A_618 = arith.constant 0 : i32
    %dma_wait3A_619 = arith.constant 0 : i32
    %dma_wait3A_620 = tpu.memref_slice %arg4[%dma_wait3A_606, %dma_wait3A_607, %add3A, %dma_wait3A_618, %dma_wait3A_619] : memref<200x8x32x8x128xf32, #tpu.memory_space<hbm>> -> memref<1x1x1x8x128xf32, #tpu.memory_space<hbm>>
    %dma_wait3A_621 = tpu.memref_squeeze %dma_wait3A_620 : memref<1x1x1x8x128xf32, #tpu.memory_space<hbm>> -> memref<8x128xf32, #tpu.memory_space<hbm>>
    %dma_wait3A_622 = arith.constant 0 : i32
    %dma_wait3A_623 = arith.constant 0 : i32
    %dma_wait3A_624 = tpu.memref_slice %arg7[%dma_wait3A_622, %dma_wait3A_623] : memref<256x129xf32, #tpu.memory_space<vmem>> -> memref<8x128xf32, #tpu.memory_space<vmem>>
    tpu.wait_dma2 semaphore(%dma_wait3A_617 : memref<!tpu.dma_semaphore, #tpu.memory_space<semaphore_mem>>) src(%dma_wait3A_624 : memref<8x128xf32, #tpu.memory_space<vmem>>) dst(%dma_wait3A_621 : memref<8x128xf32, #tpu.memory_space<hbm>>)
    %dma_wait3A_625 = arith.constant 0 : i32
    %dma_wait3A_626 = arith.constant 0 : i32
    %dma_wait3A_627 = arith.constant 3 : i32
    %dma_wait3A_628 = arith.constant 0 : i32
    %dma_wait3A_629 = arith.constant 0 : i32
    %dma_wait3A_630 = tpu.memref_slice %arg7[%dma_wait3A_628, %dma_wait3A_629] : memref<256x129xf32, #tpu.memory_space<vmem>> -> memref<8x128xf32, #tpu.memory_space<vmem>>
    %dma_wait3A_631 = arith.constant 0 : i32
    %dma_wait3A_632 = arith.constant 0 : i32
    %dma_wait3A_633 = tpu.memref_slice %arg4[%dma_wait3A_625, %dma_wait3A_626, %add3A, %dma_wait3A_631, %dma_wait3A_632] : memref<200x8x32x8x128xf32, #tpu.memory_space<hbm>> -> memref<1x1x1x8x128xf32, #tpu.memory_space<hbm>>
    %dma_wait3A_634 = tpu.memref_squeeze %dma_wait3A_633 : memref<1x1x1x8x128xf32, #tpu.memory_space<hbm>> -> memref<8x128xf32, #tpu.memory_space<hbm>>
    %dma_wait3A_635 = tpu.memref_slice %arg9[%dma_wait3A_627] : memref<4x!tpu.dma_semaphore, #tpu.memory_space<semaphore_mem>> -> memref<1x!tpu.dma_semaphore, #tpu.memory_space<semaphore_mem>>
    %dma_wait3A_636 = tpu.memref_squeeze %dma_wait3A_635 : memref<1x!tpu.dma_semaphore, #tpu.memory_space<semaphore_mem>> -> memref<!tpu.dma_semaphore, #tpu.memory_space<semaphore_mem>>
    %dma_wait3A_637 = arith.constant 0 : i32
    %dma_wait3A_638 = arith.constant 0 : i32
    %dma_wait3A_639 = tpu.memref_slice %arg4[%dma_wait3A_625, %dma_wait3A_626, %add3A, %dma_wait3A_637, %dma_wait3A_638] : memref<200x8x32x8x128xf32, #tpu.memory_space<hbm>> -> memref<1x1x1x8x128xf32, #tpu.memory_space<hbm>>
    %dma_wait3A_640 = tpu.memref_squeeze %dma_wait3A_639 : memref<1x1x1x8x128xf32, #tpu.memory_space<hbm>> -> memref<8x128xf32, #tpu.memory_space<hbm>>
    %dma_wait3A_641 = arith.constant 0 : i32
    %dma_wait3A_642 = arith.constant 0 : i32
    %dma_wait3A_643 = tpu.memref_slice %arg7[%dma_wait3A_641, %dma_wait3A_642] : memref<256x129xf32, #tpu.memory_space<vmem>> -> memref<8x128xf32, #tpu.memory_space<vmem>>
    tpu.wait_dma2 semaphore(%dma_wait3A_636 : memref<!tpu.dma_semaphore, #tpu.memory_space<semaphore_mem>>) src(%dma_wait3A_643 : memref<8x128xf32, #tpu.memory_space<vmem>>) dst(%dma_wait3A_640 : memref<8x128xf32, #tpu.memory_space<hbm>>)
    %dma_wait3A_644 = arith.constant 0 : i32
    %dma_wait3A_645 = arith.constant 0 : i32
    %dma_wait3A_646 = arith.constant 3 : i32
    %dma_wait3A_647 = arith.constant 0 : i32
    %dma_wait3A_648 = arith.constant 0 : i32
    %dma_wait3A_649 = tpu.memref_slice %arg7[%dma_wait3A_647, %dma_wait3A_648] : memref<256x129xf32, #tpu.memory_space<vmem>> -> memref<8x128xf32, #tpu.memory_space<vmem>>
    %dma_wait3A_650 = arith.constant 0 : i32
    %dma_wait3A_651 = arith.constant 0 : i32
    %dma_wait3A_652 = tpu.memref_slice %arg4[%dma_wait3A_644, %dma_wait3A_645, %add3A, %dma_wait3A_650, %dma_wait3A_651] : memref<200x8x32x8x128xf32, #tpu.memory_space<hbm>> -> memref<1x1x1x8x128xf32, #tpu.memory_space<hbm>>
    %dma_wait3A_653 = tpu.memref_squeeze %dma_wait3A_652 : memref<1x1x1x8x128xf32, #tpu.memory_space<hbm>> -> memref<8x128xf32, #tpu.memory_space<hbm>>
    %dma_wait3A_654 = tpu.memref_slice %arg9[%dma_wait3A_646] : memref<4x!tpu.dma_semaphore, #tpu.memory_space<semaphore_mem>> -> memref<1x!tpu.dma_semaphore, #tpu.memory_space<semaphore_mem>>
    %dma_wait3A_655 = tpu.memref_squeeze %dma_wait3A_654 : memref<1x!tpu.dma_semaphore, #tpu.memory_space<semaphore_mem>> -> memref<!tpu.dma_semaphore, #tpu.memory_space<semaphore_mem>>
    %dma_wait3A_656 = arith.constant 0 : i32
    %dma_wait3A_657 = arith.constant 0 : i32
    %dma_wait3A_658 = tpu.memref_slice %arg4[%dma_wait3A_644, %dma_wait3A_645, %add3A, %dma_wait3A_656, %dma_wait3A_657] : memref<200x8x32x8x128xf32, #tpu.memory_space<hbm>> -> memref<1x1x1x8x128xf32, #tpu.memory_space<hbm>>
    %dma_wait3A_659 = tpu.memref_squeeze %dma_wait3A_658 : memref<1x1x1x8x128xf32, #tpu.memory_space<hbm>> -> memref<8x128xf32, #tpu.memory_space<hbm>>
    %dma_wait3A_660 = arith.constant 0 : i32
    %dma_wait3A_661 = arith.constant 0 : i32
    %dma_wait3A_662 = tpu.memref_slice %arg7[%dma_wait3A_660, %dma_wait3A_661] : memref<256x129xf32, #tpu.memory_space<vmem>> -> memref<8x128xf32, #tpu.memory_space<vmem>>
    tpu.wait_dma2 semaphore(%dma_wait3A_655 : memref<!tpu.dma_semaphore, #tpu.memory_space<semaphore_mem>>) src(%dma_wait3A_662 : memref<8x128xf32, #tpu.memory_space<vmem>>) dst(%dma_wait3A_659 : memref<8x128xf32, #tpu.memory_space<hbm>>)
    return
  }
}

</mosaic_0001>

<sc_bundles>
// kernel: _emb_call.3.cloned.1.call-start
scs
__scs_entry_jumppad:
0x0: {  	(pc) =	sbr.rel $0x88, $3  }
0x1: {  	(tag) =	ssettag $0x0;
	lr =	simm.s32 $0x1  }
0x2: {  	[smem:$0x3F9F] =	sst lr;
	_ =	strace $0xD0000000  }
0x3: {  	_ = 	snop  }
0x4: {  	_ = 	snop  }
0x5: {  	_ = 	snop  }
0x6: {  	_ = 	snop  }
0x7: {  	_ = 	snop  }
__scs_overlays_trampoline_lowered:
0x8: {  	[smem:$0x3FAE] =	sst s0  }
0x9: {  	[smem:$0x3FAF] =	sst s1  }
0xa: {  	[smem:$0x3FB0] =	sst s2  }
0xb: {  	[smem:$0x3FB1] =	sst s3  }
0xc: {  	[smem:$0x3FB2] =	sst s4  }
0xd: {  	[smem:$0x3FB3] =	sst s5  }
0xe: {  	[smem:$0x3FB4] =	sst s6  }
0xf: {  	[smem:$0x3FB5] =	sst s7  }
0x10: {  	[smem:$0x3FB6] =	sst s8  }
0x11: {  	[smem:$0x3FB7] =	sst s9;
	s0 =	simm.s32 @!p0 $0x0  }
0x12: {  	s1 =	sld [smem:$0x3F9D];
	s0 =	simm.s32 @p0 $0x1  }
0x13: {  	[smem:$0x3FB8] =	sst s0;
	s0 =	simm.s32 @!p1 $0x0  }
0x14: {  	s2 =	sld [smem:$0x3F9C];
	s0 =	simm.s32 @p1 $0x1  }
0x15: {  	[smem:$0x3FB9] =	sst s0;
	s0 =	simm.s32 @!p2 $0x0  }
0x16: {  	s3 =	sld [smem:$0x3FDB];
	s0 =	simm.s32 @p2 $0x1  }
0x17: {  	s4 =	simm.s32 $0x1BF5;
	[smem:$0x3FBB] =	sst s0  }
0x18: {  	s0 =	sld [smem:$0x3F9E];
	_ =	swait.ge [sflag:s4], $0x0  }
0x19: {  	s7 =	sld [smem:$0x3F9F]  }
0x1a: {  	s8 =	sadd.s32 $0xFFFFE003, lr  }
0x1b: {  	s9 =	sadd.s32 $0xFFFFFEF7, lr;
	s5 =	simm.s32 $0xFFFFFFFF;
	p2 =	slt.u32 s8, $0xFFFFF086  }
0x1c: {  	p1 =	slt.u32 s9, $0xF7A;
	s5 =	simm.s32 @!p2 $0x0  }
0x1d: {  	s5 =	simm.s32 @p1 $0x1;
	p0 =	seq.s32 s7, s2  }
0x1e: {  	s7 =	smul.u32 @!p0 $0xF7A, s2;
	p2 =	seq.s32 @!p0 s5, $0x0  }
0x1f: {  	s9 =	smul.u32 $0xF7A, s1;
	s8 =	simm.s32 @!p0 $0x1BF5;
	p2 =	por !p2, p0  }
0x20: {  	[sflag:s8] =	ssyncset.s32 @!p0 $0xFFFFF086;
	s6 =	sadd.s32 @!p0 s3, s7;
	s7 =	simm.s32 @!p0 $0x108  }
0x21: {  	s3 =	sadd.s32 s3, s9;
	s6 =	sadd.s32 @!p0 $0x88, s6;
	s7 =	simm.s32 @p2 $0x1082  }
0x22: {  	[simem:s7], [sflag:s8] =	dma.local @!p0 [hbm:s6], $0xF7A  }
0x23: {  	s9 =	sor.u32 $0xD0000000, s2;
	s6 =	simm.s32 $0x108;
	_ =	swait.ge @!p0 [sflag:s8], $0x0  }
0x24: {  	s3 =	sadd.s32 $0x88, s3;
	s6 =	simm.s32 @!p1 $0x1082;
	[sflag:s4] =	ssyncset.s32 $0xFFFFF086  }
0x25: {  	[simem:s6], [sflag:s4] =	dma.local [hbm:s3], $0xF7A  }
0x26: {  	[smem:$0x3F9F] =	sst s1;
	(tag) =	ssettag s2;
	_ =	strace s9  }
0x27: {  	s1 =	sld [smem:$0x3FAF]  }
0x28: {  	s2 =	sld [smem:$0x3FB0]  }
0x29: {  	s4 =	sld [smem:$0x3FB2]  }
0x2a: {  	p0 =	seq.s32 s5, $0x0;
	s5 =	sld [smem:$0x3FB3]  }
0x2b: {  	s6 =	sld [smem:$0x3FB4]  }
0x2c: {  	s7 =	sld [smem:$0x3FB5]  }
0x2d: {  	s3 =	simm.s32 $0x108;
	s8 =	sld [smem:$0x3FB6]  }
0x2e: {  	s3 =	simm.s32 @!p0 $0x1082;
	s9 =	sld [smem:$0x3FB7]  }
0x2f: {  	lr =	sadd.s32 s0, s3;
	s0 =	sld [smem:$0x3FAE]  }
0x30: {  	s3 =	sld [smem:$0x3FB1]  }
0x31: {  	[smem:$0x3FBA] =	sst s10  }
0x32: {  	s10 =	sld [smem:$0x3FB8];
	_ =	sdelay $0x3  }
0x33: {  	p0 =	seq.s32 s10, $0x1;
	s10 =	sld [smem:$0x3FBA];
	_ =	sdelay $0x3  }
0x34: {  	[smem:$0x3FBA] =	sst s10  }
0x35: {  	s10 =	sld [smem:$0x3FB9];
	_ =	sdelay $0x3  }
0x36: {  	p1 =	seq.s32 s10, $0x1;
	s10 =	sld [smem:$0x3FBA];
	_ =	sdelay $0x3  }
0x37: {  	[smem:$0x3FBA] =	sst s10  }
0x38: {  	s10 =	sld [smem:$0x3FBB]  }
0x39: {  	_ = 	snop;
	(pc) =	sbr.ind lr, $3  }
0x3a: {  	_ = 	snop  }
0x3b: {  	_ = 	snop  }
0x3c: {  	p2 =	seq.s32 s10, $0x1;
	s10 =	sld [smem:$0x3FBA]  }
0x3d: {  	_ =	shalt  }
0x3e: {  	_ =	shalt  }
0x3f: {  	_ =	shalt  }
0x40: {  	_ =	shalt  }
0x41: {  	_ =	shalt  }
0x42: {  	_ =	shalt  }
0x43: {  	_ =	shalt  }
0x44: {  	_ =	shalt  }
0x45: {  	_ =	shalt  }
0x46: {  	_ =	shalt  }
0x47: {  	_ =	shalt  }
0x48: {  	_ =	shalt  }
0x49: {  	_ =	shalt  }
0x4a: {  	_ =	shalt  }
0x4b: {  	_ =	shalt  }
0x4c: {  	_ =	shalt  }
0x4d: {  	_ =	shalt  }
0x4e: {  	_ =	shalt  }
0x4f: {  	_ =	shalt  }
0x50: {  	_ =	shalt  }
0x51: {  	_ =	shalt  }
0x52: {  	_ =	shalt  }
0x53: {  	_ =	shalt  }
0x54: {  	_ =	shalt  }
0x55: {  	_ =	shalt  }
0x56: {  	_ =	shalt  }
0x57: {  	_ =	shalt  }
0x58: {  	_ =	shalt  }
0x59: {  	_ =	shalt  }
0x5a: {  	_ =	shalt  }
0x5b: {  	_ =	shalt  }
0x5c: {  	_ =	shalt  }
0x5d: {  	_ =	shalt  }
0x5e: {  	_ =	shalt  }
0x5f: {  	_ =	shalt  }
0x60: {  	_ =	shalt  }
0x61: {  	_ =	shalt  }
0x62: {  	_ =	shalt  }
0x63: {  	_ =	shalt  }
0x64: {  	_ =	shalt  }
0x65: {  	_ =	shalt  }
0x66: {  	_ =	shalt  }
0x67: {  	_ =	shalt  }
0x68: {  	_ =	shalt  }
0x69: {  	_ =	shalt  }
0x6a: {  	_ =	shalt  }
0x6b: {  	_ =	shalt  }
0x6c: {  	_ =	shalt  }
0x6d: {  	_ =	shalt  }
0x6e: {  	_ =	shalt  }
0x6f: {  	_ =	shalt  }
0x70: {  	_ =	shalt  }
0x71: {  	_ =	shalt  }
0x72: {  	_ =	shalt  }
0x73: {  	_ =	shalt  }
0x74: {  	_ =	shalt  }
0x75: {  	_ =	shalt  }
0x76: {  	_ =	shalt  }
0x77: {  	_ =	shalt  }
0x78: {  	_ =	shalt  }
0x79: {  	_ =	shalt  }
0x7a: {  	_ =	shalt  }
0x7b: {  	_ =	shalt  }
0x7c: {  	_ =	shalt  }
0x7d: {  	_ =	shalt  }
0x7e: {  	_ =	shalt  }
0x7f: {  	_ =	shalt  }
0x80: {  	_ =	shalt  }
0x81: {  	_ =	shalt  }
0x82: {  	_ =	shalt  }
0x83: {  	_ =	shalt  }
0x84: {  	_ =	shalt  }
0x85: {  	_ =	shalt  }
0x86: {  	_ =	shalt  }
0x87: {  	_ =	shalt  }
.Lfunc_end0:
.L_simem_size_0:
called_computation_lowered:
.L_overlay_start_0:
0x88: {  	s2 =	sld [smem:$0x3FD9]  }
0x89: {  	s3 =	sld [smem:$0x3FFE];
	_ =	sdelay $0x1  }
0x8a: {  	s1 =	srdreg.scid  }
0x8b: {  	s0 =	sand.u32 $0x1, s1  }
0x8c: {  	s17 =	sshll.u32 s0, $0xA;
	s2 =	sadd.s32 s3, s2  }
0x8d: {  	s2 =	sadd.s32 s2, s17  }
0x8e: {  	[smem:$0x3FC6] =	sst s2  }
0x8f: {  	_ = 	snop  }
0x90: {  	s2 =	sld [smem:$0x3FC9]  }
0x91: {  	s18 =	sld [smem:$0x3FD0];
	(tm) =	ssettm $0x1  }
0x92: {  	s4 =	sld [smem:$0x3FFB];
	_ =	sdelay $0x3  }
0x93: {  	_ =	strace s4  }
0x94: {  	s4 =	sld [smem:$0x3FFC];
	_ =	sdelay $0x3  }
0x95: {  	_ =	strace s4  }
0x96: {  	s4 =	sld [smem:$0x3FFD];
	_ =	sdelay $0x3  }
0x97: {  	_ =	strace s4  }
0x98: {  	_ =	strace $0x8FFFFFFF  }
0x99: {  	s19 =	sld [smem:$0x3FDB];
	_ =	sdelay $0x1  }
0x9a: {  	s5 =	simm.s32 $_scs_section_size  }
0x9b: {  	s6 =	simm.s32 $_size__tile_overlayer_lowered;
	s7 =	simm.s32 $_tile_overlayer_lowered  }
0x9c: {  	s22 =	simm.s32 $0x1BFF;
	s21 =	sshll.u32 s7, $0x1;
	s4 =	sadd.s32 s5, s19  }
0x9d: {  	s8 =	simm.s32 $0x0;
	s20 =	sshll.u32 s6, $0x1;
	s6 =	sadd.s32 s21, s4  }
0x9e: {  	[timem:s8], [sflag:s22] =	dma.local [hbm:s6], s20  }
0x9f: {  	_ =	swait.ge [sflag:s22], s20  }
0xa0: {  	s5 =	ssub.s32 $0x0, s20;
	[sflag:s22] =	ssyncset.done $0x0  }
0xa1: {  	[sflag:s22] =	ssyncadd.s32 s5;
	_ =	sdelay $0x1  }
0xa2: {  	s23 =	simm.s32 $0x1B8B  }
0xa3: {  	_ =	swait.ge [sflag:s23], $0x1  }
0xa4: {  	[sflag:s23] =	ssyncset.done $0x0  }
0xa5: {  	s25 =	simm.s32 $0x1B8E;
	s24 =	sld [smem:$0x3FFE];
	[sflag:s23] =	ssyncadd.s32 $0xFFFFFFFF  }
0xa6: {  	s26 =	simm.s32 $execute0_lowered;
	[smem:$0x3FD2] =	sst s25  }
0xa7: {  	s6 =	sshll.u32 s26, $0x1;
	_ =	strace $0x80000046;
	[dreg:$0x1] =	wrdreg $0xFFFFFFFF  }
0xa8: {  	s28 =	simm.s32 $_size_execute0_lowered;
	s4 =	sadd.s32 s4, s6;
	[dreg:$0x0] =	wrdreg $0x0  }
0xa9: {  	s6 =	sshll.u32 s28, $0x1;
	[dreg:$0x2] =	wrdreg s4  }
0xaa: {  	[dreg:$0x3] =	wrdreg s6  }
0xab: {  	[dreg:$0x4] =	wrdreg $0xC0  }
0xac: {  	_ =	task [dreg:s8], $0x5FFFF  }
0xad: {  	[dreg:$0x1] =	wrdreg $0xFFFFFFFF  }
0xae: {  	[dreg:$0x0] =	wrdreg $0x60  }
0xaf: {  	[dreg:$0x2] =	wrdreg s2  }
0xb0: {  	[dreg:$0x3] =	wrdreg s24  }
0xb1: {  	[dreg:$0x4] =	wrdreg s18  }
0xb2: {  	[dreg:$0x5] =	wrdreg $0x9  }
0xb3: {  	_ =	task.clear_ibuf [dreg:s8], $0x6FFFF;
	_ =	strace $0x90000046  }
0xb4: {  	s29 =	simm.s32 $0x9;
	_ =	strace $0x80000048  }
0xb5: {  	_ =	swait.ge [sflag:s29], $0x1  }
0xb6: {  	[sflag:s29] =	ssyncadd.s32 $0xFFFFFFFF  }
0xb7: {  	_ =	strace $0x90000048  }
0xb8: {  	_ =	sfence  }
0xb9: {  	s30 =	sld [smem:$0x0];
	_ =	sdelay $0x2  }
0xba: {  	s31 =	sshll.u32 s1, $0xD;
	s1 =	sshrl.u32 s1, $0x2  }
0xbb: {  	s3 =	sand.u32 $0x4000, s31;
	s1 =	sadd.s32 s1, s30  }
0xbc: {  	s0 =	sor.u32 s3, s0;
	s1 =	sshll.u32 s1, $0x11  }
0xbd: {  	s0 =	sor.u32 s1, s0  }
0xbe: {  	s0 =	sadd.s32 $0x8F2B, s0  }
0xbf: {  	[sflag:s0] =	ssyncadd.remote.s32 $0x1  }
0xc0: {  	_ =	sfence.sel $0xFFFF  }
0xc1: {  	[dreg:$0x0] =	wrdreg $0xFFFFFFFF;
	(pc) =	sbr.abs _section_cstart, $3  }
0xc2: {  	[dreg:$0x1] =	wrdreg $0xFFFFFFFF  }
0xc3: {  	_ =	task.clear_ibuf [dreg:s8], $0x2FFFF;
	_ =	strace $0x9FFFFFFF  }
0xc4: {  	(tm) =	ssettm $0x7FFFFFFF  }
0xc5: {  	_ =	shalt  }
tec
execute0_lowered:
.L_overlay_start_1:
0x0: {  	(tag) =	ssettag $0x1  }
0x1: {  	s0 =	rddreg [dreg:$0x0]  }
0x2: {  	s1 =	rddreg [dreg:$0x1];
	s3 =	srdreg.scid;
	v0 =	vlaneseq.u32  }
0x3: {  	s2 =	rddreg [dreg:$0x2];
	s4 =	sand.u32 $0x1, s3;
	s3 =	simm.s32 $0x0;
	v1 =	vmul.u32 $0x88, v0  }
0x4: {  	v63 =	vimm.s32 $0x0;
	vm0 =	vcmask $0x300;
	[smem:$0x7FF] =	sst s3  }
0x5: {  	s5 =	stileid.u32;
	s15 =	simm.s32 $0x9;
	v39 =	vsel vm0, $0x3, v63;
	_ =	strace $0x80000047;
	[tilespmem:$0x1FFD0] =	vst v1  }
0x6: {  	s16 =	simm.s32 $0x80;
	s23 =	simm.s32 $0xE400;
	s24 =	simm.s32 $0x5;
	v0 =	vor.u32 $0x1, v1;
	[tilespmem:$0x1FFF0] =	vst v39  }
0x7: {  	s25 =	simm.s32 $0x6;
	s26 =	simm.s32 $0x7;
	s28 =	simm.s32 $0x8;
	v59 =	vor.u32 $0x2, v1;
	[tilespmem:$0x1FF70] =	vst v0  }
0x8: {  	s29 =	simm.s32 $0x0;
	s5 =	sshll.u32 s5, $0x1;
	s9 =	sadd.s32 $0x3000, s2;
	v60 =	vor.u32 $0x3, v1;
	[tilespmem:$0x1FF80] =	vst v59  }
0x9: {  	s10 =	sadd.s32 $0x4000, s2;
	s11 =	sadd.s32 $0x5000, s2;
	s12 =	sadd.s32 $0x6000, s2;
	v61 =	vor.u32 $0x4, v1;
	[tilespmem:$0x1FF90] =	vst v60  }
0xa: {  	s13 =	sadd.s32 $0x7000, s2;
	s6 =	ssub.s32 $0x2, s4;
	s7 =	sor.u32 s4, s5;
	v62 =	vor.u32 $0x5, v1;
	[tilespmem:$0x1FFA0] =	vst v61  }
0xb: {  	s4 =	sadd.s32 $0xF42800, s1;
	s30 =	sshrl.u32 s6, $0x1;
	s8 =	smul.u32 $0xC80, s7;
	v2 =	vor.u32 $0x6, v1;
	[tilespmem:$0x1FFB0] =	vst v62  }
0xc: {  	v1 =	vor.u32 $0x7, v1;
	s31 =	ssub.s32 s6, s30;
	s6 =	sshll.u32 s7, $0x7;
	s7 =	sadd.s32 $0x1000, s2;
	[tilespmem:$0x1FFC0] =	vst v2  }
0xd: {  	[tilespmem:$0x1FFE0] =	vst v1;
	s5 =	sadd.s32 s0, s8;
	s8 =	sadd.s32 $0x2000, s2;
	s14 =	smax.u32 s31, $0x1  }
.LBB2_1:
0xe: {  	[tilespmem:s3], [sflag:$0x9] =	stream.linear.gather [hbm4b:s5+s3], $0x6400, $0x38;
	[tilespmem:$0x16C00] =	vst v63  }
0xf: {  	_ =	swait.ge [sflag:s15], $0x6400  }
0x10: {  	[sflag:s15] =	ssyncset.done $0x0  }
0x11: {  	s0 =	simm.s32 $0x6400;
	[sflag:s15] =	ssyncadd.s32 $0xFFFF9C00  }
0x12: {  	[tilespmem:s0], [sflag:$0x1] =	stream.indirect.gather [hbm4b:s4+s16], $0x40, s3, s16, $0xb8;
	[tilespmem:$0x16C00] =	vst v63  }
0x13: {  	s19 =	simm.s32 $0x8400  }
0x14: {  	[tilespmem:s19], [sflag:$0x2] =	stream.indirect.gather [hbm4b:s4+s16], $0x40, s16, s16, $0xb8;
	[tilespmem:$0x16C00] =	vst v63  }
0x15: {  	s20 =	simm.s32 $0x100;
	s1 =	simm.s32 $0xA400;
	s21 =	simm.s32 $0x180  }
0x16: {  	[tilespmem:s1], [sflag:$0x3] =	stream.indirect.gather [hbm4b:s4+s16], $0x40, s20, s16, $0xb8;
	[tilespmem:$0x16C00] =	vst v63  }
0x17: {  	s22 =	simm.s32 $0xC400;
	s30 =	simm.s32 $0x0;
	s31 =	simm.s32 $0x0  }
0x18: {  	[tilespmem:s22], [sflag:$0x4] =	stream.indirect.gather [hbm4b:s4+s16], $0x40, s21, s16, $0xb8;
	[tilespmem:$0x16C00] =	vst v63  }
.LBB2_2:
0x19: {  	s1 =	sand.u32 $0x3, s31  }
0x1a: {  	s0 =	sadd.s32 $0x1, s1  }
0x1b: {  	_ =	swait.ge [sflag:s0], $0x2000  }
0x1c: {  	p0 =	slt.u32 s31, $0x4;
	[sflag:s0] =	ssyncset.done $0x0  }
0x1d: {  	s18 =	sadd.s32 @!p0 $0x5, s1;
	[sflag:s0] =	ssyncadd.s32 $0xFFFFE000  }
0x1e: {  	_ =	swait.ge @!p0 [sflag:s18], $0x400  }
0x1f: {  	[sflag:s18] =	ssyncset.done @!p0 $0x0  }
0x20: {  	[sflag:s18] =	ssyncadd.s32 @!p0 $0xFFFFFC00  }
0x21: {  	_ =	swait.ge @!p0 [sflag:s18], $0x400  }
0x22: {  	[sflag:s18] =	ssyncset.done @!p0 $0x0  }
0x23: {  	[sflag:s18] =	ssyncadd.s32 @!p0 $0xFFFFFC00  }
0x24: {  	_ =	swait.ge @!p0 [sflag:s18], $0x400  }
0x25: {  	[sflag:s18] =	ssyncset.done @!p0 $0x0  }
0x26: {  	[sflag:s18] =	ssyncadd.s32 @!p0 $0xFFFFFC00  }
0x27: {  	_ =	swait.ge @!p0 [sflag:s18], $0x400  }
0x28: {  	[sflag:s18] =	ssyncset.done @!p0 $0x0  }
0x29: {  	[sflag:s18] =	ssyncadd.s32 @!p0 $0xFFFFFC00  }
0x2a: {  	_ =	swait.ge @!p0 [sflag:s18], $0x400  }
0x2b: {  	[sflag:s18] =	ssyncset.done @!p0 $0x0  }
0x2c: {  	[sflag:s18] =	ssyncadd.s32 @!p0 $0xFFFFFC00  }
0x2d: {  	_ =	swait.ge @!p0 [sflag:s18], $0x400  }
0x2e: {  	[sflag:s18] =	ssyncset.done @!p0 $0x0  }
0x2f: {  	[sflag:s18] =	ssyncadd.s32 @!p0 $0xFFFFFC00  }
0x30: {  	_ =	swait.ge @!p0 [sflag:s18], $0x400  }
0x31: {  	[sflag:s18] =	ssyncset.done @!p0 $0x0  }
0x32: {  	[sflag:s18] =	ssyncadd.s32 @!p0 $0xFFFFFC00  }
0x33: {  	_ =	swait.ge @!p0 [sflag:s18], $0x400  }
0x34: {  	v16 =	vld [tilespmem:$0x1FFD0]  }
0x35: {  	v19 =	vld [tilespmem:$0x1FF70]  }
0x36: {  	v20 =	vld [tilespmem:$0x1FF80]  }
0x37: {  	v21 =	vld [tilespmem:$0x1FF90]  }
0x38: {  	v22 =	vld [tilespmem:$0x1FFA0]  }
0x39: {  	s17 =	sand.u32 $0x3, s30;
	v23 =	vld [tilespmem:$0x1FFB0]  }
0x3a: {  	s17 =	sshll.u32 s17, $0xD;
	[sflag:s18] =	ssyncset.done @!p0 $0x0;
	v24 =	vld [tilespmem:$0x1FFC0]  }
0x3b: {  	s17 =	sadd.s32 $0x6500, s17;
	v40 =	vld [tilespmem:$0x1FFE0];
	[sflag:s18] =	ssyncadd.s32 @!p0 $0xFFFFFC00  }
0x3c: {  	v0 =	vld [tilespmem:s17+$0x0]  }
0x3d: {  	v1 =	vld [tilespmem:s17+$0x10]  }
0x3e: {  	s21 =	sshll.u32 s1, $0x6;
	v3 =	vld [tilespmem:s17+$0x20]  }
0x3f: {  	v2 =	vmov s21;
	s19 =	sor.u32 $0x10, s21;
	v4 =	vld [tilespmem:s17+$0x30]  }
0x40: {  	s22 =	sor.u32 $0x20, s21;
	v2 =	vmul.u32 $0x88, v2;
	v8 =	vmov s19;
	v5 =	vld [tilespmem:s17+$0x40]  }
0x41: {  	v10 =	vmov s22;
	v8 =	vmul.u32 $0x88, v8;
	s18 =	sor.u32 $0x30, s21;
	v6 =	vld [tilespmem:s17+$0x50]  }
0x42: {  	s20 =	simm.s32 $0x0;
	v10 =	vmul.u32 $0x88, v10;
	v2 =	vbroadcast v2, $0x0;
	v7 =	vld [tilespmem:s17+$0x60];
	v11 =	vmov s18  }
0x43: {  	v30 =	vmov s20;
	v8 =	vbroadcast v8, $0x0;
	v9 =	vld [tilespmem:s17+$0x70];
	v11 =	vmul.u32 $0x88, v11  }
0x44: {  	v10 =	vbroadcast v10, $0x0;
	v12 =	vld [tilespmem:s17+$0x80];
	v58 =	vadd.s32 v16, v2;
	v14 =	vadd.s32 v21, v2  }
0x45: {  	v13 =	vld [tilespmem:s17+$0x90];
	v56 =	vadd.s32 v19, v2;
	v26 =	vadd.s32 v20, v2;
	v11 =	vbroadcast v11, $0x0;
	[tilespmem:$0x1FF10] =	vst v14  }
0x46: {  	s19 =	simm.s32 $0x4;
	v52 =	vadd.s32 v22, v2;
	v59 =	vadd.s32 v24, v2;
	v57 =	vadd.s32 v16, v8;
	v14 =	vld [tilespmem:s17+$0xA0]  }
0x47: {  	v61 =	vadd.s32 v16, v10;
	v15 =	vld [tilespmem:s17+$0xB0];
	[tilespmem:$0x1FF60] =	vst v59;
	v62 =	vadd.s32 v16, v11;
	v16 =	vmov s19  }
0x48: {  	v53 =	vadd.s32 v23, v2;
	v54 =	vadd.s32 v40, v2;
	v2 =	vld [tilespmem:s17+$0xC0];
	[tilespmem:$0x1FF50] =	vst v62;
	v16 =	vshrl.u32 v16, $0x3  }
0x49: {  	v31 =	vshrl.u32 v30, $0x3;
	v17 =	vld [tilespmem:s17+$0xD0];
	v16 =	vshll.u32 v16, v39  }
0x4a: {  	v32 =	vshll.u32 v31, v39;
	v60 =	vadd.s32 v19, v8;
	v18 =	vld [tilespmem:s17+$0xE0];
	v16 =	vbroadcast v16, $0x0  }
0x4b: {  	v33 =	vadd.s32 v19, v10;
	v27 =	vadd.s32 v19, v11;
	v19 =	vadd.s32 v21, v8;
	v41 =	vld [tilespmem:s17+$0xF0]  }
0x4c: {  	v38 =	vadd.s32 v22, v8;
	v42 =	vld [tilespmem:s17+$0xFFFFFF10];
	[tilespmem:$0x1FF20] =	vst v19;
	v19 =	vadd.s32 v21, v10;
	v34 =	vadd.s32 v52, v16  }
0x4d: {  	v50 =	vbroadcast v32, $0x0;
	v30 =	vadd.s32 v22, v10;
	[tilespmem:$0x1FF30] =	vst v19;
	v35 =	vadd.s32 v38, v16  }
0x4e: {  	v29 =	vadd.s32 v20, v8;
	v55 =	vadd.s32 v20, v10;
	v43 =	vld [tilespmem:s17+$0xFFFFFF20];
	v36 =	vadd.s32 v30, v16  }
0x4f: {  	v25 =	vadd.s32 v24, v10;
	v37 =	vadd.s32 v53, v50;
	v0 =	vmul.f32 $8.000000000e+00, v0;
	v44 =	vld [tilespmem:s17+$0xFFFFFF30]  }
0x50: {  	v28 =	vadd.s32 v20, v11;
	v1 =	vmul.f32 $8.000000000e+00, v1;
	v19 =	vadd.s32 v22, v11;
	v45 =	vld [tilespmem:s17+$0xFFFFFF40]  }
0x51: {  	v20 =	vadd.s32 v23, v8;
	v3 =	vmul.f32 $8.000000000e+00, v3;
	v46 =	vld [tilespmem:s17+$0xFFFFFF50];
	v16 =	vadd.s32 v19, v16;
	[tilespmem:v34+s23+$0x0] =	vst.idx.msk $0xffff, v0  }
0x52: {  	v22 =	vadd.s32 v23, v10;
	v47 =	vld [tilespmem:s17+$0xFFFFFF60];
	v34 =	vadd.s32 v23, v11;
	[tilespmem:v35+s23+$0x0] =	vst.idx.msk $0xffff, v1  }
0x53: {  	v23 =	vadd.s32 v24, v8;
	[tilespmem:v36+s23+$0x0] =	vst.idx.msk $0xffff, v3;
	v36 =	vadd.s32 v24, v11;
	v24 =	vld [tilespmem:s17+$0xFFFFFFC0]  }
0x54: {  	v4 =	vmul.f32 $8.000000000e+00, v4;
	v48 =	vld [tilespmem:s17+$0xFFFFFF70];
	v0 =	vadd.s32 v20, v50  }
0x55: {  	v5 =	vmul.f32 $8.000000000e+00, v5;
	v49 =	vld [tilespmem:s17+$0xFFFFFF80]  }
0x56: {  	v51 =	vld [tilespmem:s17+$0xFFFFFF90];
	v1 =	vadd.s32 v22, v50;
	[tilespmem:v16+s23+$0x0] =	vst.idx.msk $0xffff, v4  }
0x57: {  	v6 =	vmul.f32 $8.000000000e+00, v6;
	v31 =	vld [tilespmem:s17+$0xFFFFFFA0];
	[tilespmem:v37+s23+$0x0] =	vst.idx.msk $0xffff, v5  }
0x58: {  	v3 =	vadd.s32 v34, v50;
	v16 =	vld [tilespmem:s17+$0xFFFFFFB0];
	[tilespmem:$0x1FF00] =	vst v24  }
0x59: {  	v7 =	vmul.f32 $8.000000000e+00, v7;
	[tilespmem:v0+s23+$0x0] =	vst.idx.msk $0xffff, v6  }
0x5a: {  	v4 =	vadd.s32 v59, v50;
	[tilespmem:$0x1FE40] =	vst v25  }
0x5b: {  	v59 =	vadd.s32 v40, v8;
	v8 =	vmul.f32 $8.000000000e+00, v9;
	[tilespmem:v1+s23+$0x0] =	vst.idx.msk $0xffff, v7  }
0x5c: {  	v5 =	vadd.s32 v23, v50;
	v6 =	vld [tilespmem:s17+$0xFFFFFFD0];
	[tilespmem:$0x1FE50] =	vst v36  }
0x5d: {  	v9 =	vmul.f32 $8.000000000e+00, v12;
	[tilespmem:v3+s23+$0x0] =	vst.idx.msk $0xffff, v8  }
0x5e: {  	v0 =	vadd.s32 v25, v50;
	v7 =	vld [tilespmem:s17+$0xFFFFFFE0];
	[tilespmem:$0x1FE60] =	vst v54  }
0x5f: {  	v25 =	vadd.s32 v40, v10;
	v10 =	vmul.f32 $8.000000000e+00, v13;
	[tilespmem:v4+s23+$0x0] =	vst.idx.msk $0xffff, v9  }
0x60: {  	v1 =	vadd.s32 v36, v50;
	v8 =	vld [tilespmem:s17+$0xFFFFFFF0];
	[tilespmem:$0x1FE70] =	vst v59  }
0x61: {  	v12 =	vmul.f32 $8.000000000e+00, v14;
	v3 =	vadd.s32 v54, v50;
	[tilespmem:v5+s23+$0x0] =	vst.idx.msk $0xffff, v10  }
0x62: {  	v4 =	vadd.s32 v59, v50;
	v9 =	vld [tilespmem:s17+$0xFFFFFF00];
	[tilespmem:$0x1FE80] =	vst v25  }
0x63: {  	v63 =	vadd.s32 v40, v11;
	v14 =	vmul.f32 $8.000000000e+00, v15;
	s17 =	sadd.s32 $0x200, s17;
	v5 =	vadd.s32 v25, v50;
	[tilespmem:v0+s23+$0x0] =	vst.idx.msk $0xffff, v12  }
0x64: {  	v2 =	vmul.f32 $8.000000000e+00, v2;
	v10 =	vld [tilespmem:s17+$0x0];
	[tilespmem:$0x1FE90] =	vst v63  }
0x65: {  	v17 =	vmul.f32 $8.000000000e+00, v17;
	v0 =	vadd.s32 v63, v50;
	[tilespmem:v1+s23+$0x0] =	vst.idx.msk $0xffff, v14  }
0x66: {  	v21 =	vadd.s32 v21, v11;
	v18 =	vmul.f32 $8.000000000e+00, v18;
	v11 =	vadd.s32 v58, v50;
	v12 =	vld [tilespmem:s17+$0x10];
	[tilespmem:v3+s23+$0x0] =	vst.idx.msk $0xffff, v2  }
0x67: {  	v54 =	vld [tilespmem:s17+$0x20];
	[tilespmem:v4+s23+$0x0] =	vst.idx.msk $0xffff, v17  }
0x68: {  	v41 =	vmul.f32 $8.000000000e+00, v41;
	v13 =	vadd.s32 v57, v50;
	v36 =	vmov v58;
	v58 =	vld [tilespmem:s17+$0x40];
	[tilespmem:v5+s23+$0x0] =	vst.idx.msk $0xffff, v18  }
0x69: {  	v37 =	vmov v56;
	v2 =	vadd.s32 v56, v50;
	v56 =	vld [tilespmem:s17+$0x30];
	v9 =	vmul.f32 $8.000000000e+00, v9;
	[tilespmem:$0x1FEA0] =	vst v33  }
0x6a: {  	v15 =	vadd.s32 v61, v50;
	[tilespmem:v0+s23+$0x0] =	vst.idx.msk $0xffff, v41  }
0x6b: {  	v14 =	vmul.f32 $8.000000000e+00, v42;
	v59 =	vld [tilespmem:s17+$0x50];
	[tilespmem:v11+s23+$0x0] =	vst.idx.msk $0xffff, v9  }
0x6c: {  	v24 =	vmov v60;
	v1 =	vadd.s32 v62, v50;
	v4 =	vadd.s32 v60, v50;
	v60 =	vld [tilespmem:s17+$0x60];
	[tilespmem:$0x1FEB0] =	vst v27  }
0x6d: {  	v3 =	vmul.f32 $8.000000000e+00, v43;
	[tilespmem:v13+s23+$0x0] =	vst.idx.msk $0xffff, v14  }
0x6e: {  	s21 =	simm.s32 $0xC;
	v62 =	vld [tilespmem:s17+$0x70];
	[tilespmem:$0x1FEC0] =	vst v26  }
0x6f: {  	v17 =	vmul.f32 $8.000000000e+00, v44;
	v0 =	vmov s21;
	[tilespmem:v15+s23+$0x0] =	vst.idx.msk $0xffff, v3  }
0x70: {  	v0 =	vshrl.u32 v0, $0x3;
	v63 =	vld [tilespmem:s17+$0x80];
	[tilespmem:$0x1FED0] =	vst v29  }
0x71: {  	v5 =	vadd.s32 v33, v50;
	v0 =	vshll.u32 v0, v39;
	[tilespmem:v1+s23+$0x0] =	vst.idx.msk $0xffff, v17  }
0x72: {  	v18 =	vmul.f32 $8.000000000e+00, v45;
	v15 =	vbroadcast v0, $0x0;
	v0 =	vld [tilespmem:s17+$0x90];
	[tilespmem:$0x1FEE0] =	vst v55  }
0x73: {  	v46 =	vmul.f32 $8.000000000e+00, v46;
	[tilespmem:$0x1FEF0] =	vst v28  }
0x74: {  	v47 =	vmul.f32 $8.000000000e+00, v47;
	[tilespmem:v2+s23+$0x0] =	vst.idx.msk $0xffff, v18  }
0x75: {  	[tilespmem:v4+s23+$0x0] =	vst.idx.msk $0xffff, v46  }
0x76: {  	v9 =	vadd.s32 v27, v50;
	[tilespmem:v5+s23+$0x0] =	vst.idx.msk $0xffff, v47  }
0x77: {  	v5 =	vld [tilespmem:$0x1FF00];
	_ =	sdelay $0x1  }
0x78: {  	v11 =	vmul.f32 $8.000000000e+00, v48  }
0x79: {  	s22 =	simm.s32 $0x8  }
0x7a: {  	v13 =	vadd.s32 v26, v50;
	v3 =	vmov s22;
	v1 =	vld [tilespmem:s17+$0xA0];
	[tilespmem:v9+s23+$0x0] =	vst.idx.msk $0xffff, v11  }
0x7b: {  	v3 =	vshrl.u32 v3, $0x3;
	v17 =	vadd.s32 v52, v15;
	v47 =	vmul.f32 $8.000000000e+00, v5;
	v5 =	vld [tilespmem:$0x1FF10]  }
0x7c: {  	v3 =	vshll.u32 v3, v39;
	v2 =	vld [tilespmem:s17+$0xB0]  }
0x7d: {  	v43 =	vadd.s32 v55, v50;
	v14 =	vmul.f32 $8.000000000e+00, v49;
	v55 =	vbroadcast v3, $0x0;
	v3 =	vld [tilespmem:s17+$0xD0]  }
0x7e: {  	v49 =	vmul.f32 $8.000000000e+00, v6;
	v6 =	vld [tilespmem:s17+$0xF0];
	v9 =	vmul.f32 $8.000000000e+00, v10  }
0x7f: {  	v4 =	vld [tilespmem:s17+$0xC0];
	[tilespmem:v13+s23+$0x0] =	vst.idx.msk $0xffff, v14  }
0x80: {  	v48 =	vadd.s32 v5, v50;
	v5 =	vld [tilespmem:s17+$0xE0];
	[tilespmem:v17+s23+$0x0] =	vst.idx.msk $0xffff, v9  }
0x81: {  	v46 =	vmul.f32 $8.000000000e+00, v16;
	v16 =	vadd.s32 v38, v15;
	v13 =	vld [tilespmem:$0x1FF20];
	_ =	sdelay $0x1  }
0x82: {  	v18 =	vadd.s32 v30, v15  }
0x83: {  	v10 =	vadd.s32 v19, v15;
	v11 =	vmul.f32 $8.000000000e+00, v12  }
0x84: {  	v12 =	vadd.s32 v53, v55  }
0x85: {  	v25 =	vmov v52;
	v9 =	vmul.f32 $8.000000000e+00, v54;
	v52 =	vadd.s32 v13, v50;
	v13 =	vld [tilespmem:$0x1FF30];
	[tilespmem:v16+s23+$0x0] =	vst.idx.msk $0xffff, v11  }
0x86: {  	v40 =	vmov v53;
	v53 =	vmul.f32 $8.000000000e+00, v7;
	v7 =	vmul.f32 $8.000000000e+00, v56;
	[tilespmem:$0x1FF40] =	vst v21  }
0x87: {  	v11 =	vmul.f32 $8.000000000e+00, v58;
	[tilespmem:v18+s23+$0x0] =	vst.idx.msk $0xffff, v9  }
0x88: {  	[tilespmem:v10+s23+$0x0] =	vst.idx.msk $0xffff, v7  }
0x89: {  	[tilespmem:v12+s23+$0x0] =	vst.idx.msk $0xffff, v11  }
0x8a: {  	v7 =	vld [tilespmem:$0x1FF50];
	_ =	sdelay $0x3  }
0x8b: {  	v32 =	vmovc v30;
	v35 =	vmovc v22;
	v42 =	vadd.s32 v29, v50;
	v44 =	vmul.f32 $8.000000000e+00, v51;
	v45 =	vmul.f32 $8.000000000e+00, v31  }
0x8c: {  	v31 =	vmovc v38;
	v54 =	vmul.f32 $8.000000000e+00, v8;
	v8 =	vmul.f32 $8.000000000e+00, v59;
	v27 =	vmovc v7;
	v59 =	vadd.s32 v7, v55;
	v7 =	vld [tilespmem:$0x1FF60]  }
0x8d: {  	v33 =	vmovc v57;
	v41 =	vadd.s32 v28, v50;
	v26 =	vmovc v19;
	v29 =	vmov v34;
	v57 =	vadd.s32 v57, v55  }
0x8e: {  	v39 =	vmovc v23;
	v56 =	vadd.s32 v36, v55;
	v15 =	vadd.s32 v34, v55;
	v14 =	vadd.s32 v22, v55;
	v9 =	vld [tilespmem:s17+$0xFFFFFF10]  }
0x8f: {  	v38 =	vmovc v61;
	v17 =	vadd.s32 v23, v55;
	v58 =	vadd.s32 v61, v55;
	v61 =	vadd.s32 v24, v55;
	v10 =	vld [tilespmem:s17+$0xFFFFFF20]  }
0x90: {  	v28 =	vmovc v20;
	v30 =	vmovc v24;
	v18 =	vmul.f32 $8.000000000e+00, v60;
	v60 =	vadd.s32 v37, v55;
	v11 =	vld [tilespmem:s17+$0xFFFFFF30];
	v51 =	vadd.s32 v13, v50  }
0x91: {  	s18 =	simm.s32 $0x10;
	v12 =	vld [tilespmem:s17+$0xFFFFFF40];
	v50 =	vadd.s32 v21, v50;
	v13 =	vadd.s32 v20, v55;
	v34 =	vmovc v7;
	v16 =	vadd.s32 v7, v55  }
.LBB2_3:
0x92: {  	v19 =	vld [tilespmem:s17+$0xFFFFFF50]  }
0x93: {  	v7 =	vld [tilespmem:$0x1FEA0]  }
0x94: {  	v20 =	vld [tilespmem:$0x1FEB0]  }
0x95: {  	v21 =	vld [tilespmem:$0x1FED0]  }
0x96: {  	v22 =	vld [tilespmem:$0x1FF20]  }
0x97: {  	[tilespmem:v13+s23+$0x0] =	vst.idx.msk $0xffff, v8;
	v8 =	vld [tilespmem:$0x1FE40]  }
0x98: {  	v23 =	vld [tilespmem:$0x1FF40]  }
0x99: {  	v13 =	vld [tilespmem:s17+$0xFFFFFF60]  }
0x9a: {  	v62 =	vmul.f32 $8.000000000e+00, v62;
	[tilespmem:v14+s23+$0x0] =	vst.idx.msk $0xffff, v18;
	v14 =	vld [tilespmem:$0x1FE50]  }
0x9b: {  	v18 =	vld [tilespmem:s17+$0xFFFFFF70]  }
0x9c: {  	v63 =	vmul.f32 $8.000000000e+00, v63;
	[tilespmem:v15+s23+$0x0] =	vst.idx.msk $0xffff, v62;
	v15 =	vld [tilespmem:$0x1FE60];
	v8 =	vadd.s32 v8, v55  }
0x9d: {  	v62 =	vld [tilespmem:s17+$0xFFFFFF80]  }
0x9e: {  	v0 =	vmul.f32 $8.000000000e+00, v0;
	[tilespmem:v16+s23+$0x0] =	vst.idx.msk $0xffff, v63;
	v16 =	vld [tilespmem:$0x1FE70]  }
0x9f: {  	v1 =	vmul.f32 $8.000000000e+00, v1;
	v63 =	vld [tilespmem:s17+$0xFFFFFF90];
	v14 =	vadd.s32 v14, v55  }
0xa0: {  	[tilespmem:v17+s23+$0x0] =	vst.idx.msk $0xffff, v0;
	v0 =	vld [tilespmem:$0x1FE80]  }
0xa1: {  	v15 =	vadd.s32 v15, v55;
	[tilespmem:v8+s23+$0x0] =	vst.idx.msk $0xffff, v1;
	v1 =	vld [tilespmem:$0x1FE90]  }
0xa2: {  	v2 =	vmul.f32 $8.000000000e+00, v2;
	v17 =	vmul.f32 $8.000000000e+00, v19;
	v19 =	vld [tilespmem:s17+$0xFFFFFFA0]  }
0xa3: {  	v16 =	vadd.s32 v16, v55;
	v8 =	vmul.f32 $8.000000000e+00, v13;
	v13 =	vld [tilespmem:s17+$0xFFFFFFB0]  }
0xa4: {  	v4 =	vmul.f32 $8.000000000e+00, v4;
	[tilespmem:v14+s23+$0x0] =	vst.idx.msk $0xffff, v2;
	v2 =	vld [tilespmem:s17+$0xFFFFFFC0]  }
0xa5: {  	v0 =	vadd.s32 v0, v55;
	v14 =	vmul.f32 $8.000000000e+00, v18;
	v18 =	vld [tilespmem:$0x1FEC0]  }
0xa6: {  	v3 =	vmul.f32 $8.000000000e+00, v3;
	[tilespmem:v15+s23+$0x0] =	vst.idx.msk $0xffff, v4;
	v4 =	vld [tilespmem:s17+$0xFFFFFFD0];
	v1 =	vadd.s32 v1, v55  }
0xa7: {  	v15 =	vmul.f32 $8.000000000e+00, v62;
	v62 =	vadd.s32 v21, v55;
	v21 =	vld [tilespmem:$0x1FEF0]  }
0xa8: {  	v5 =	vmul.f32 $8.000000000e+00, v5;
	[tilespmem:v16+s23+$0x0] =	vst.idx.msk $0xffff, v3;
	v16 =	vld [tilespmem:s17+$0xFFFFFFE0]  }
0xa9: {  	v6 =	vmul.f32 $8.000000000e+00, v6;
	v3 =	vmul.f32 $8.000000000e+00, v63;
	v63 =	vld [tilespmem:$0x1FEE0]  }
0xaa: {  	[tilespmem:v0+s23+$0x0] =	vst.idx.msk $0xffff, v5;
	v5 =	vld [tilespmem:s17+$0xFFFFFFF0]  }
0xab: {  	v0 =	vmul.f32 $8.000000000e+00, v19;
	v19 =	vld [tilespmem:$0x1FF10];
	[tilespmem:v1+s23+$0x0] =	vst.idx.msk $0xffff, v6  }
0xac: {  	v1 =	vld [tilespmem:s17+$0xFFFFFF00];
	[tilespmem:v42+s23+$0x0] =	vst.idx.msk $0xffff, v44  }
0xad: {  	v6 =	vmul.f32 $8.000000000e+00, v13;
	v13 =	vld [tilespmem:$0x1FF30];
	s17 =	sadd.s32 $0x200, s17;
	[tilespmem:v43+s23+$0x0] =	vst.idx.msk $0xffff, v45  }
0xae: {  	v24 =	vld [tilespmem:s17+$0x10];
	[tilespmem:v41+s23+$0x0] =	vst.idx.msk $0xffff, v46  }
0xaf: {  	v44 =	vmov v3;
	v3 =	vmul.f32 $8.000000000e+00, v16;
	v16 =	vld [tilespmem:s17+$0x30];
	[tilespmem:v48+s23+$0x0] =	vst.idx.msk $0xffff, v47  }
0xb0: {  	v9 =	vmul.f32 $8.000000000e+00, v9;
	v10 =	vmul.f32 $8.000000000e+00, v10;
	v42 =	vmov v62;
	v62 =	vld [tilespmem:s17+$0x70];
	[tilespmem:v52+s23+$0x0] =	vst.idx.msk $0xffff, v49  }
0xb1: {  	v63 =	vadd.s32 v63, v55;
	v45 =	vmovc v0;
	v0 =	vmul.f32 $8.000000000e+00, v4;
	[tilespmem:v51+s23+$0x0] =	vst.idx.msk $0xffff, v53;
	v53 =	vmov v3;
	v3 =	vld [tilespmem:$0x1FFF0]  }
0xb2: {  	v11 =	vmul.f32 $8.000000000e+00, v11;
	v7 =	vadd.s32 v7, v55;
	v20 =	vadd.s32 v20, v55;
	v43 =	vmovc v63;
	v63 =	vld [tilespmem:s17+$0x80]  }
0xb3: {  	s19 =	sadd.s32 $0x4, s18;
	v22 =	vadd.s32 v22, v55;
	v18 =	vadd.s32 v18, v55;
	v4 =	vld [tilespmem:s17+$0xC0];
	v49 =	vmovc v0;
	v0 =	vmul.f32 $8.000000000e+00, v1  }
0xb4: {  	v2 =	vmul.f32 $8.000000000e+00, v2;
	v21 =	vadd.s32 v21, v55;
	v46 =	vmovc v6;
	v6 =	vld [tilespmem:s17+$0x20];
	v1 =	vmov s19;
	[tilespmem:v50+s23+$0x0] =	vst.idx.msk $0xffff, v54  }
0xb5: {  	v12 =	vmul.f32 $8.000000000e+00, v12;
	v19 =	vadd.s32 v19, v55;
	v41 =	vmovc v21;
	v21 =	vld [tilespmem:s17+$0x50];
	v1 =	vshrl.u32 v1, $0x3;
	[tilespmem:v56+s23+$0x0] =	vst.idx.msk $0xffff, v0  }
0xb6: {  	v48 =	vmovc v19;
	v47 =	vmov v2;
	v2 =	vmul.f32 $8.000000000e+00, v5;
	v19 =	vld [tilespmem:s17+$0x40];
	[tilespmem:v57+s23+$0x0] =	vst.idx.msk $0xffff, v9;
	v0 =	vshll.u32 v1, v3  }
0xb7: {  	v13 =	vadd.s32 v13, v55;
	v55 =	vadd.s32 v23, v55;
	v23 =	vld [tilespmem:s17+$0x0];
	[tilespmem:v58+s23+$0x0] =	vst.idx.msk $0xffff, v10;
	v5 =	vbroadcast v0, $0x0  }
0xb8: {  	v52 =	vmov v22;
	v22 =	vld [tilespmem:s17+$0x60];
	v1 =	vmov s18;
	[tilespmem:v59+s23+$0x0] =	vst.idx.msk $0xffff, v11  }
0xb9: {  	v54 =	vmov v2;
	v0 =	vld [tilespmem:s17+$0x90];
	v2 =	vshrl.u32 v1, $0x3;
	[tilespmem:v60+s23+$0x0] =	vst.idx.msk $0xffff, v12;
	v9 =	vadd.s32 v25, v5  }
0xba: {  	v1 =	vld [tilespmem:s17+$0xA0];
	v3 =	vshll.u32 v2, v3;
	[tilespmem:v61+s23+$0x0] =	vst.idx.msk $0xffff, v17;
	v10 =	vadd.s32 v31, v5  }
0xbb: {  	v50 =	vmov v55;
	v2 =	vld [tilespmem:s17+$0xB0];
	v55 =	vbroadcast v3, $0x0;
	v11 =	vadd.s32 v32, v5;
	[tilespmem:v7+s23+$0x0] =	vst.idx.msk $0xffff, v8  }
0xbc: {  	v51 =	vmov v13;
	v7 =	vmul.f32 $8.000000000e+00, v23;
	v3 =	vld [tilespmem:s17+$0xD0];
	v12 =	vadd.s32 v26, v5;
	[tilespmem:v20+s23+$0x0] =	vst.idx.msk $0xffff, v14  }
0xbd: {  	p0 =	slt.u32 s18, $0x78;
	v8 =	vmul.f32 $8.000000000e+00, v24;
	v5 =	vld [tilespmem:s17+$0xE0];
	v56 =	vadd.s32 v36, v55;
	v17 =	vadd.s32 v40, v55;
	[tilespmem:v18+s23+$0x0] =	vst.idx.msk $0xffff, v15  }
.Ltmp0:
0xbe: {  	v57 =	vadd.s32 v33, v55;
	v15 =	vmul.f32 $8.000000000e+00, v6;
	v6 =	vld [tilespmem:s17+$0xF0];
	v13 =	vadd.s32 v28, v55;
	[tilespmem:v9+s23+$0x0] =	vst.idx.msk $0xffff, v7;
	(pc) =	sbr.rel @p0 .LBB2_3-.Ltmp0, $4  }
0xbf: {  	v58 =	vadd.s32 v38, v55;
	v14 =	vadd.s32 v35, v55;
	v9 =	vld [tilespmem:s17+$0xFFFFFF10];
	v7 =	vmul.f32 $8.000000000e+00, v16;
	[tilespmem:v10+s23+$0x0] =	vst.idx.msk $0xffff, v8  }
0xc0: {  	v19 =	vmul.f32 $8.000000000e+00, v19;
	v59 =	vadd.s32 v27, v55;
	v60 =	vadd.s32 v37, v55;
	v10 =	vld [tilespmem:s17+$0xFFFFFF20];
	[tilespmem:v11+s23+$0x0] =	vst.idx.msk $0xffff, v15  }
0xc1: {  	v61 =	vadd.s32 v30, v55;
	v18 =	vmul.f32 $8.000000000e+00, v22;
	v16 =	vadd.s32 v34, v55;
	v11 =	vld [tilespmem:s17+$0xFFFFFF30];
	[tilespmem:v12+s23+$0x0] =	vst.idx.msk $0xffff, v7  }
0xc2: {  	s18 =	sadd.s32 $0x8, s18;
	v8 =	vmul.f32 $8.000000000e+00, v21;
	v15 =	vadd.s32 v29, v55;
	v12 =	vld [tilespmem:s17+$0xFFFFFF40];
	[tilespmem:v17+s23+$0x0] =	vst.idx.msk $0xffff, v19;
	v17 =	vadd.s32 v39, v55  }
0xc3: {  	_ =	sdelay $0x3  }
0xc4: {  	[tilespmem:v13+s23+$0x0] =	vst.idx.msk $0xffff, v8  }
0xc5: {  	v7 =	vmul.f32 $8.000000000e+00, v62;
	v8 =	vld [tilespmem:$0x1FE40];
	[tilespmem:v14+s23+$0x0] =	vst.idx.msk $0xffff, v18  }
0xc6: {  	v14 =	vld [tilespmem:$0x1FE50]  }
0xc7: {  	v34 =	vmul.f32 $8.000000000e+00, v63;
	[tilespmem:v15+s23+$0x0] =	vst.idx.msk $0xffff, v7  }
0xc8: {  	v7 =	vld [tilespmem:$0x1FE60]  }
0xc9: {  	v0 =	vmul.f32 $8.000000000e+00, v0;
	[tilespmem:v16+s23+$0x0] =	vst.idx.msk $0xffff, v34  }
0xca: {  	v13 =	vld [tilespmem:$0x1FE70];
	v8 =	vadd.s32 v8, v55  }
0xcb: {  	[tilespmem:v17+s23+$0x0] =	vst.idx.msk $0xffff, v0;
	v14 =	vadd.s32 v14, v55  }
0xcc: {  	v0 =	vld [tilespmem:$0x1FE80]  }
0xcd: {  	v1 =	vmul.f32 $8.000000000e+00, v1;
	v7 =	vadd.s32 v7, v55  }
0xce: {  	v2 =	vmul.f32 $8.000000000e+00, v2  }
0xcf: {  	v13 =	vadd.s32 v13, v55;
	[tilespmem:v8+s23+$0x0] =	vst.idx.msk $0xffff, v1  }
0xd0: {  	v4 =	vmul.f32 $8.000000000e+00, v4;
	v1 =	vld [tilespmem:$0x1FE90];
	[tilespmem:v14+s23+$0x0] =	vst.idx.msk $0xffff, v2  }
0xd1: {  	v35 =	vld [tilespmem:s17+$0xFFFFFF50];
	v0 =	vadd.s32 v0, v55;
	[tilespmem:v42+s23+$0x0] =	vst.idx.msk $0xffff, v44  }
0xd2: {  	v3 =	vmul.f32 $8.000000000e+00, v3;
	v36 =	vld [tilespmem:s17+$0xFFFFFF60];
	[tilespmem:v7+s23+$0x0] =	vst.idx.msk $0xffff, v4  }
0xd3: {  	v37 =	vld [tilespmem:s17+$0xFFFFFF70];
	[tilespmem:v43+s23+$0x0] =	vst.idx.msk $0xffff, v45  }
0xd4: {  	v5 =	vmul.f32 $8.000000000e+00, v5;
	v38 =	vld [tilespmem:s17+$0xFFFFFF80];
	[tilespmem:v13+s23+$0x0] =	vst.idx.msk $0xffff, v3  }
0xd5: {  	v40 =	vld [tilespmem:s17+$0xFFFFFF00];
	[tilespmem:v41+s23+$0x0] =	vst.idx.msk $0xffff, v46;
	v1 =	vadd.s32 v1, v55  }
0xd6: {  	v39 =	vld [tilespmem:s17+$0xFFFFFF90];
	[tilespmem:v0+s23+$0x0] =	vst.idx.msk $0xffff, v5  }
0xd7: {  	v44 =	vld [tilespmem:s17+$0xFFFFFFA0];
	[tilespmem:v48+s23+$0x0] =	vst.idx.msk $0xffff, v47  }
0xd8: {  	v6 =	vmul.f32 $8.000000000e+00, v6;
	v45 =	vld [tilespmem:s17+$0xFFFFFFB0];
	[tilespmem:v52+s23+$0x0] =	vst.idx.msk $0xffff, v49  }
0xd9: {  	v46 =	vld [tilespmem:s17+$0xFFFFFFC0];
	[tilespmem:v51+s23+$0x0] =	vst.idx.msk $0xffff, v53  }
0xda: {  	v48 =	vld [tilespmem:s17+$0xFFFFFFD0];
	[tilespmem:v1+s23+$0x0] =	vst.idx.msk $0xffff, v6;
	v1 =	vmul.f32 $8.000000000e+00, v40  }
0xdb: {  	v9 =	vmul.f32 $8.000000000e+00, v9;
	v52 =	vld [tilespmem:s17+$0xFFFFFFE0];
	[tilespmem:v50+s23+$0x0] =	vst.idx.msk $0xffff, v54  }
0xdc: {  	v10 =	vmul.f32 $8.000000000e+00, v10;
	v53 =	vld [tilespmem:s17+$0xFFFFFFF0];
	[tilespmem:v56+s23+$0x0] =	vst.idx.msk $0xffff, v1  }
0xdd: {  	v11 =	vmul.f32 $8.000000000e+00, v11;
	v1 =	vld [tilespmem:$0x1FEA0];
	[tilespmem:v57+s23+$0x0] =	vst.idx.msk $0xffff, v9  }
0xde: {  	v56 =	vld [tilespmem:$0x1FEB0];
	[tilespmem:v58+s23+$0x0] =	vst.idx.msk $0xffff, v10  }
0xdf: {  	v10 =	vld [tilespmem:$0x1FEC0];
	[tilespmem:v59+s23+$0x0] =	vst.idx.msk $0xffff, v11  }
0xe0: {  	v11 =	vld [tilespmem:$0x1FED0];
	_ =	sdelay $0x1  }
0xe1: {  	v1 =	vadd.s32 v1, v55  }
0xe2: {  	v54 =	vmul.f32 $8.000000000e+00, v12;
	v12 =	vadd.s32 v56, v55  }
0xe3: {  	v8 =	vmul.f32 $8.000000000e+00, v35;
	v10 =	vadd.s32 v10, v55  }
0xe4: {  	v2 =	vmul.f32 $8.000000000e+00, v36;
	[tilespmem:v60+s23+$0x0] =	vst.idx.msk $0xffff, v54;
	v11 =	vadd.s32 v11, v55  }
0xe5: {  	v4 =	vmul.f32 $8.000000000e+00, v37;
	v9 =	vld [tilespmem:$0x1FEE0];
	[tilespmem:v61+s23+$0x0] =	vst.idx.msk $0xffff, v8  }
0xe6: {  	v3 =	vmul.f32 $8.000000000e+00, v38;
	v8 =	vld [tilespmem:$0x1FEF0];
	[tilespmem:v1+s23+$0x0] =	vst.idx.msk $0xffff, v2  }
0xe7: {  	v0 =	vmul.f32 $8.000000000e+00, v39;
	v1 =	vld [tilespmem:$0x1FF10];
	[tilespmem:v12+s23+$0x0] =	vst.idx.msk $0xffff, v4  }
0xe8: {  	v4 =	vld [tilespmem:$0x1FF20];
	[tilespmem:v10+s23+$0x0] =	vst.idx.msk $0xffff, v3  }
0xe9: {  	v59 =	vld [tilespmem:$0x1FF30];
	[tilespmem:v11+s23+$0x0] =	vst.idx.msk $0xffff, v0  }
0xea: {  	v9 =	vadd.s32 v9, v55;
	v0 =	vld [tilespmem:$0x1FF40]  }
0xeb: {  	v8 =	vadd.s32 v8, v55  }
0xec: {  	v1 =	vadd.s32 v1, v55  }
0xed: {  	v57 =	vmul.f32 $8.000000000e+00, v44;
	v4 =	vadd.s32 v4, v55  }
0xee: {  	v58 =	vmul.f32 $8.000000000e+00, v45;
	v5 =	vadd.s32 v59, v55  }
0xef: {  	v60 =	vmul.f32 $8.000000000e+00, v46;
	[tilespmem:v9+s23+$0x0] =	vst.idx.msk $0xffff, v57;
	v0 =	vadd.s32 v0, v55  }
0xf0: {  	v61 =	vmul.f32 $8.000000000e+00, v48;
	[tilespmem:v8+s23+$0x0] =	vst.idx.msk $0xffff, v58  }
0xf1: {  	s21 =	smul.u32 $0x8800, s1;
	v62 =	vmul.f32 $8.000000000e+00, v52;
	[tilespmem:v1+s23+$0x0] =	vst.idx.msk $0xffff, v60  }
0xf2: {  	s18 =	sshll.u32 s31, $0xF;
	v63 =	vmul.f32 $8.000000000e+00, v53;
	[tilespmem:v4+s23+$0x0] =	vst.idx.msk $0xffff, v61  }
0xf3: {  	s19 =	sor.u32 s6, s18;
	s18 =	sshrl.u32 s21, $0x2;
	[tilespmem:v5+s23+$0x0] =	vst.idx.msk $0xffff, v62  }
0xf4: {  	s20 =	sadd.s32 s2, s19;
	s21 =	sadd.s32 $0xE400, s18;
	s17 =	sadd.s32 $0x5, s1;
	[tilespmem:v0+s23+$0x0] =	vst.idx.msk $0xffff, v63  }
0xf5: {  	[hbm4b:s20+s3] =	stream.linear.scatter [tilespmem:s21], [sflag:s17], $0x80, $0x38;
	[tilespmem:$0x16C00] =	vst v63  }
0xf6: {  	s22 =	sadd.s32 $0x10, s20;
	s21 =	sadd.s32 $0xE488, s18  }
0xf7: {  	[hbm4b:s22+s3] =	stream.linear.scatter [tilespmem:s21], [sflag:s17], $0x80, $0x38;
	[tilespmem:$0x16C00] =	vst v63  }
0xf8: {  	s21 =	sadd.s32 $0xE510, s18;
	s22 =	sadd.s32 $0x20, s20  }
0xf9: {  	[hbm4b:s22+s3] =	stream.linear.scatter [tilespmem:s21], [sflag:s17], $0x80, $0x38;
	[tilespmem:$0x16C00] =	vst v63  }
0xfa: {  	s21 =	sadd.s32 $0xE598, s18;
	s22 =	sadd.s32 $0x30, s20  }
0xfb: {  	[hbm4b:s22+s3] =	stream.linear.scatter [tilespmem:s21], [sflag:s17], $0x80, $0x38;
	[tilespmem:$0x16C00] =	vst v63  }
0xfc: {  	s21 =	sadd.s32 $0xE620, s18;
	s22 =	sadd.s32 $0x40, s20  }
0xfd: {  	[hbm4b:s22+s3] =	stream.linear.scatter [tilespmem:s21], [sflag:s17], $0x80, $0x38;
	[tilespmem:$0x16C00] =	vst v63  }
0xfe: {  	s21 =	sadd.s32 $0xE6A8, s18;
	s22 =	sadd.s32 $0x50, s20  }
0xff: {  	[hbm4b:s22+s3] =	stream.linear.scatter [tilespmem:s21], [sflag:s17], $0x80, $0x38;
	[tilespmem:$0x16C00] =	vst v63  }
0x100: {  	s21 =	sadd.s32 $0xE730, s18;
	s22 =	sadd.s32 $0x60, s20  }
0x101: {  	[hbm4b:s22+s3] =	stream.linear.scatter [tilespmem:s21], [sflag:s17], $0x80, $0x38;
	[tilespmem:$0x16C00] =	vst v63  }
0x102: {  	s20 =	sadd.s32 $0x70, s20;
	s22 =	sadd.s32 $0xE7B8, s18  }
0x103: {  	[hbm4b:s20+s3] =	stream.linear.scatter [tilespmem:s22], [sflag:s17], $0x80, $0x38;
	[tilespmem:$0x16C00] =	vst v63  }
0x104: {  	s20 =	sadd.s32 s19, s7;
	s22 =	sadd.s32 $0xE840, s18  }
0x105: {  	[hbm4b:s20+s3] =	stream.linear.scatter [tilespmem:s22], [sflag:s17], $0x80, $0x38;
	[tilespmem:$0x16C00] =	vst v63  }
0x106: {  	s21 =	sadd.s32 $0xE8C8, s18;
	s22 =	sadd.s32 $0x10, s20  }
0x107: {  	[hbm4b:s22+s3] =	stream.linear.scatter [tilespmem:s21], [sflag:s17], $0x80, $0x38;
	[tilespmem:$0x16C00] =	vst v63  }
0x108: {  	s21 =	sadd.s32 $0xE950, s18;
	s22 =	sadd.s32 $0x20, s20  }
0x109: {  	[hbm4b:s22+s3] =	stream.linear.scatter [tilespmem:s21], [sflag:s17], $0x80, $0x38;
	[tilespmem:$0x16C00] =	vst v63  }
0x10a: {  	s21 =	sadd.s32 $0xE9D8, s18;
	s22 =	sadd.s32 $0x30, s20  }
0x10b: {  	[hbm4b:s22+s3] =	stream.linear.scatter [tilespmem:s21], [sflag:s17], $0x80, $0x38;
	[tilespmem:$0x16C00] =	vst v63  }
0x10c: {  	s21 =	sadd.s32 $0xEA60, s18;
	s22 =	sadd.s32 $0x40, s20  }
0x10d: {  	[hbm4b:s22+s3] =	stream.linear.scatter [tilespmem:s21], [sflag:s17], $0x80, $0x38;
	[tilespmem:$0x16C00] =	vst v63  }
0x10e: {  	s21 =	sadd.s32 $0xEAE8, s18;
	s22 =	sadd.s32 $0x50, s20  }
0x10f: {  	[hbm4b:s22+s3] =	stream.linear.scatter [tilespmem:s21], [sflag:s17], $0x80, $0x38;
	[tilespmem:$0x16C00] =	vst v63  }
0x110: {  	s21 =	sadd.s32 $0xEB70, s18;
	s22 =	sadd.s32 $0x60, s20  }
0x111: {  	[hbm4b:s22+s3] =	stream.linear.scatter [tilespmem:s21], [sflag:s17], $0x80, $0x38;
	[tilespmem:$0x16C00] =	vst v63  }
0x112: {  	s20 =	sadd.s32 $0x70, s20;
	s22 =	sadd.s32 $0xEBF8, s18  }
0x113: {  	[hbm4b:s20+s3] =	stream.linear.scatter [tilespmem:s22], [sflag:s17], $0x80, $0x38;
	[tilespmem:$0x16C00] =	vst v63  }
0x114: {  	s20 =	sadd.s32 s19, s8;
	s22 =	sadd.s32 $0xEC80, s18  }
0x115: {  	[hbm4b:s20+s3] =	stream.linear.scatter [tilespmem:s22], [sflag:s17], $0x80, $0x38;
	[tilespmem:$0x16C00] =	vst v63  }
0x116: {  	s21 =	sadd.s32 $0xED08, s18;
	s22 =	sadd.s32 $0x10, s20  }
0x117: {  	[hbm4b:s22+s3] =	stream.linear.scatter [tilespmem:s21], [sflag:s17], $0x80, $0x38;
	[tilespmem:$0x16C00] =	vst v63  }
0x118: {  	s21 =	sadd.s32 $0xED90, s18;
	s22 =	sadd.s32 $0x20, s20  }
0x119: {  	[hbm4b:s22+s3] =	stream.linear.scatter [tilespmem:s21], [sflag:s17], $0x80, $0x38;
	[tilespmem:$0x16C00] =	vst v63  }
0x11a: {  	s21 =	sadd.s32 $0xEE18, s18;
	s22 =	sadd.s32 $0x30, s20  }
0x11b: {  	[hbm4b:s22+s3] =	stream.linear.scatter [tilespmem:s21], [sflag:s17], $0x80, $0x38;
	[tilespmem:$0x16C00] =	vst v63  }
0x11c: {  	s21 =	sadd.s32 $0xEEA0, s18;
	s22 =	sadd.s32 $0x40, s20  }
0x11d: {  	[hbm4b:s22+s3] =	stream.linear.scatter [tilespmem:s21], [sflag:s17], $0x80, $0x38;
	[tilespmem:$0x16C00] =	vst v63  }
0x11e: {  	s21 =	sadd.s32 $0xEF28, s18;
	s22 =	sadd.s32 $0x50, s20  }
0x11f: {  	[hbm4b:s22+s3] =	stream.linear.scatter [tilespmem:s21], [sflag:s17], $0x80, $0x38;
	[tilespmem:$0x16C00] =	vst v63  }
0x120: {  	s21 =	sadd.s32 $0xEFB0, s18;
	s22 =	sadd.s32 $0x60, s20  }
0x121: {  	[hbm4b:s22+s3] =	stream.linear.scatter [tilespmem:s21], [sflag:s17], $0x80, $0x38;
	[tilespmem:$0x16C00] =	vst v63  }
0x122: {  	s20 =	sadd.s32 $0x70, s20;
	s22 =	sadd.s32 $0xF038, s18  }
0x123: {  	[hbm4b:s20+s3] =	stream.linear.scatter [tilespmem:s22], [sflag:s17], $0x80, $0x38;
	[tilespmem:$0x16C00] =	vst v63  }
0x124: {  	s20 =	sadd.s32 s19, s9;
	s22 =	sadd.s32 $0xF0C0, s18  }
0x125: {  	[hbm4b:s20+s3] =	stream.linear.scatter [tilespmem:s22], [sflag:s17], $0x80, $0x38;
	[tilespmem:$0x16C00] =	vst v63  }
0x126: {  	s21 =	sadd.s32 $0xF148, s18;
	s22 =	sadd.s32 $0x10, s20  }
0x127: {  	[hbm4b:s22+s3] =	stream.linear.scatter [tilespmem:s21], [sflag:s17], $0x80, $0x38;
	[tilespmem:$0x16C00] =	vst v63  }
0x128: {  	s21 =	sadd.s32 $0xF1D0, s18;
	s22 =	sadd.s32 $0x20, s20  }
0x129: {  	[hbm4b:s22+s3] =	stream.linear.scatter [tilespmem:s21], [sflag:s17], $0x80, $0x38;
	[tilespmem:$0x16C00] =	vst v63  }
0x12a: {  	s21 =	sadd.s32 $0xF258, s18;
	s22 =	sadd.s32 $0x30, s20  }
0x12b: {  	[hbm4b:s22+s3] =	stream.linear.scatter [tilespmem:s21], [sflag:s17], $0x80, $0x38;
	[tilespmem:$0x16C00] =	vst v63  }
0x12c: {  	s21 =	sadd.s32 $0xF2E0, s18;
	s22 =	sadd.s32 $0x40, s20  }
0x12d: {  	[hbm4b:s22+s3] =	stream.linear.scatter [tilespmem:s21], [sflag:s17], $0x80, $0x38;
	[tilespmem:$0x16C00] =	vst v63  }
0x12e: {  	s21 =	sadd.s32 $0xF368, s18;
	s22 =	sadd.s32 $0x50, s20  }
0x12f: {  	[hbm4b:s22+s3] =	stream.linear.scatter [tilespmem:s21], [sflag:s17], $0x80, $0x38;
	[tilespmem:$0x16C00] =	vst v63  }
0x130: {  	s21 =	sadd.s32 $0xF3F0, s18;
	s22 =	sadd.s32 $0x60, s20  }
0x131: {  	[hbm4b:s22+s3] =	stream.linear.scatter [tilespmem:s21], [sflag:s17], $0x80, $0x38;
	[tilespmem:$0x16C00] =	vst v63  }
0x132: {  	s20 =	sadd.s32 $0x70, s20;
	s22 =	sadd.s32 $0xF478, s18  }
0x133: {  	[hbm4b:s20+s3] =	stream.linear.scatter [tilespmem:s22], [sflag:s17], $0x80, $0x38;
	[tilespmem:$0x16C00] =	vst v63  }
0x134: {  	s20 =	sadd.s32 s19, s10;
	s22 =	sadd.s32 $0xF500, s18  }
0x135: {  	[hbm4b:s20+s3] =	stream.linear.scatter [tilespmem:s22], [sflag:s17], $0x80, $0x38;
	[tilespmem:$0x16C00] =	vst v63  }
0x136: {  	s21 =	sadd.s32 $0xF588, s18;
	s22 =	sadd.s32 $0x10, s20  }
0x137: {  	[hbm4b:s22+s3] =	stream.linear.scatter [tilespmem:s21], [sflag:s17], $0x80, $0x38;
	[tilespmem:$0x16C00] =	vst v63  }
0x138: {  	s21 =	sadd.s32 $0xF610, s18;
	s22 =	sadd.s32 $0x20, s20  }
0x139: {  	[hbm4b:s22+s3] =	stream.linear.scatter [tilespmem:s21], [sflag:s17], $0x80, $0x38;
	[tilespmem:$0x16C00] =	vst v63  }
0x13a: {  	s21 =	sadd.s32 $0xF698, s18;
	s22 =	sadd.s32 $0x30, s20  }
0x13b: {  	[hbm4b:s22+s3] =	stream.linear.scatter [tilespmem:s21], [sflag:s17], $0x80, $0x38;
	[tilespmem:$0x16C00] =	vst v63  }
0x13c: {  	s21 =	sadd.s32 $0xF720, s18;
	s22 =	sadd.s32 $0x40, s20  }
0x13d: {  	[hbm4b:s22+s3] =	stream.linear.scatter [tilespmem:s21], [sflag:s17], $0x80, $0x38;
	[tilespmem:$0x16C00] =	vst v63  }
0x13e: {  	s21 =	sadd.s32 $0xF7A8, s18;
	s22 =	sadd.s32 $0x50, s20  }
0x13f: {  	[hbm4b:s22+s3] =	stream.linear.scatter [tilespmem:s21], [sflag:s17], $0x80, $0x38;
	[tilespmem:$0x16C00] =	vst v63  }
0x140: {  	s21 =	sadd.s32 $0xF830, s18;
	s22 =	sadd.s32 $0x60, s20  }
0x141: {  	[hbm4b:s22+s3] =	stream.linear.scatter [tilespmem:s21], [sflag:s17], $0x80, $0x38;
	[tilespmem:$0x16C00] =	vst v63  }
0x142: {  	s20 =	sadd.s32 $0x70, s20;
	s22 =	sadd.s32 $0xF8B8, s18  }
0x143: {  	[hbm4b:s20+s3] =	stream.linear.scatter [tilespmem:s22], [sflag:s17], $0x80, $0x38;
	[tilespmem:$0x16C00] =	vst v63  }
0x144: {  	s20 =	sadd.s32 s19, s11;
	s22 =	sadd.s32 $0xF940, s18  }
0x145: {  	[hbm4b:s20+s3] =	stream.linear.scatter [tilespmem:s22], [sflag:s17], $0x80, $0x38;
	[tilespmem:$0x16C00] =	vst v63  }
0x146: {  	s21 =	sadd.s32 $0xF9C8, s18;
	s22 =	sadd.s32 $0x10, s20  }
0x147: {  	[hbm4b:s22+s3] =	stream.linear.scatter [tilespmem:s21], [sflag:s17], $0x80, $0x38;
	[tilespmem:$0x16C00] =	vst v63  }
0x148: {  	s21 =	sadd.s32 $0xFA50, s18;
	s22 =	sadd.s32 $0x20, s20  }
0x149: {  	[hbm4b:s22+s3] =	stream.linear.scatter [tilespmem:s21], [sflag:s17], $0x80, $0x38;
	[tilespmem:$0x16C00] =	vst v63  }
0x14a: {  	s21 =	sadd.s32 $0xFAD8, s18;
	s22 =	sadd.s32 $0x30, s20  }
0x14b: {  	[hbm4b:s22+s3] =	stream.linear.scatter [tilespmem:s21], [sflag:s17], $0x80, $0x38;
	[tilespmem:$0x16C00] =	vst v63  }
0x14c: {  	s21 =	sadd.s32 $0xFB60, s18;
	s22 =	sadd.s32 $0x40, s20  }
0x14d: {  	[hbm4b:s22+s3] =	stream.linear.scatter [tilespmem:s21], [sflag:s17], $0x80, $0x38;
	[tilespmem:$0x16C00] =	vst v63  }
0x14e: {  	s21 =	sadd.s32 $0xFBE8, s18;
	s22 =	sadd.s32 $0x50, s20  }
0x14f: {  	[hbm4b:s22+s3] =	stream.linear.scatter [tilespmem:s21], [sflag:s17], $0x80, $0x38;
	[tilespmem:$0x16C00] =	vst v63  }
0x150: {  	s21 =	sadd.s32 $0xFC70, s18;
	s22 =	sadd.s32 $0x60, s20  }
0x151: {  	[hbm4b:s22+s3] =	stream.linear.scatter [tilespmem:s21], [sflag:s17], $0x80, $0x38;
	[tilespmem:$0x16C00] =	vst v63  }
0x152: {  	s20 =	sadd.s32 $0x70, s20;
	s22 =	sadd.s32 $0xFCF8, s18  }
0x153: {  	[hbm4b:s20+s3] =	stream.linear.scatter [tilespmem:s22], [sflag:s17], $0x80, $0x38;
	[tilespmem:$0x16C00] =	vst v63  }
0x154: {  	s20 =	sadd.s32 s19, s12;
	s22 =	sadd.s32 $0xFD80, s18  }
0x155: {  	[hbm4b:s20+s3] =	stream.linear.scatter [tilespmem:s22], [sflag:s17], $0x80, $0x38;
	[tilespmem:$0x16C00] =	vst v63  }
0x156: {  	s21 =	sadd.s32 $0xFE08, s18;
	s22 =	sadd.s32 $0x10, s20  }
0x157: {  	[hbm4b:s22+s3] =	stream.linear.scatter [tilespmem:s21], [sflag:s17], $0x80, $0x38;
	[tilespmem:$0x16C00] =	vst v63  }
0x158: {  	s21 =	sadd.s32 $0xFE90, s18;
	s22 =	sadd.s32 $0x20, s20  }
0x159: {  	[hbm4b:s22+s3] =	stream.linear.scatter [tilespmem:s21], [sflag:s17], $0x80, $0x38;
	[tilespmem:$0x16C00] =	vst v63  }
0x15a: {  	s21 =	sadd.s32 $0xFF18, s18;
	s22 =	sadd.s32 $0x30, s20  }
0x15b: {  	[hbm4b:s22+s3] =	stream.linear.scatter [tilespmem:s21], [sflag:s17], $0x80, $0x38;
	[tilespmem:$0x16C00] =	vst v63  }
0x15c: {  	s21 =	sadd.s32 $0xFFA0, s18;
	s22 =	sadd.s32 $0x40, s20  }
0x15d: {  	[hbm4b:s22+s3] =	stream.linear.scatter [tilespmem:s21], [sflag:s17], $0x80, $0x38;
	[tilespmem:$0x16C00] =	vst v63  }
0x15e: {  	s21 =	sor.u32 $0x10028, s18;
	s22 =	sadd.s32 $0x50, s20  }
0x15f: {  	[hbm4b:s22+s3] =	stream.linear.scatter [tilespmem:s21], [sflag:s17], $0x80, $0x38;
	[tilespmem:$0x16C00] =	vst v63  }
0x160: {  	s21 =	sor.u32 $0x100B0, s18;
	s22 =	sadd.s32 $0x60, s20  }
0x161: {  	[hbm4b:s22+s3] =	stream.linear.scatter [tilespmem:s21], [sflag:s17], $0x80, $0x38;
	[tilespmem:$0x16C00] =	vst v63  }
0x162: {  	s20 =	sadd.s32 $0x70, s20;
	s22 =	sor.u32 $0x10138, s18  }
0x163: {  	[hbm4b:s20+s3] =	stream.linear.scatter [tilespmem:s22], [sflag:s17], $0x80, $0x38;
	[tilespmem:$0x16C00] =	vst v63  }
0x164: {  	s19 =	sadd.s32 s19, s13;
	s22 =	sor.u32 $0x101C0, s18  }
0x165: {  	[hbm4b:s19+s3] =	stream.linear.scatter [tilespmem:s22], [sflag:s17], $0x80, $0x38;
	[tilespmem:$0x16C00] =	vst v63  }
0x166: {  	s21 =	sadd.s32 $0x10248, s18;
	s22 =	sadd.s32 $0x10, s19  }
0x167: {  	[hbm4b:s22+s3] =	stream.linear.scatter [tilespmem:s21], [sflag:s17], $0x80, $0x38;
	[tilespmem:$0x16C00] =	vst v63  }
0x168: {  	s21 =	sadd.s32 $0x102D0, s18;
	s22 =	sadd.s32 $0x20, s19  }
0x169: {  	[hbm4b:s22+s3] =	stream.linear.scatter [tilespmem:s21], [sflag:s17], $0x80, $0x38;
	[tilespmem:$0x16C00] =	vst v63  }
0x16a: {  	s21 =	sadd.s32 $0x10358, s18;
	s22 =	sadd.s32 $0x30, s19  }
0x16b: {  	[hbm4b:s22+s3] =	stream.linear.scatter [tilespmem:s21], [sflag:s17], $0x80, $0x38;
	[tilespmem:$0x16C00] =	vst v63  }
0x16c: {  	s21 =	sadd.s32 $0x103E0, s18;
	s22 =	sadd.s32 $0x40, s19  }
0x16d: {  	[hbm4b:s22+s3] =	stream.linear.scatter [tilespmem:s21], [sflag:s17], $0x80, $0x38;
	[tilespmem:$0x16C00] =	vst v63  }
0x16e: {  	s21 =	sadd.s32 $0x10468, s18;
	s22 =	sadd.s32 $0x50, s19  }
0x16f: {  	[hbm4b:s22+s3] =	stream.linear.scatter [tilespmem:s21], [sflag:s17], $0x80, $0x38;
	[tilespmem:$0x16C00] =	vst v63  }
0x170: {  	s21 =	sadd.s32 $0x104F0, s18;
	s22 =	sadd.s32 $0x60, s19  }
0x171: {  	[hbm4b:s22+s3] =	stream.linear.scatter [tilespmem:s21], [sflag:s17], $0x80, $0x38;
	[tilespmem:$0x16C00] =	vst v63  }
0x172: {  	p0 =	sgt.u32 s31, $0xC3;
	s18 =	sadd.s32 $0x10578, s18;
	s19 =	sadd.s32 $0x70, s19  }
0x173: {  	[hbm4b:s19+s3] =	stream.linear.scatter [tilespmem:s18], [sflag:s17], $0x80, $0x38;
	[tilespmem:$0x16C00] =	vst v63  }
0x174: {  	s1 =	sshll.u32 @!p0 s1, $0xD;
	s17 =	sshll.u32 @!p0 s31, $0x7  }
0x175: {  	s1 =	sadd.s32 @!p0 $0x6400, s1;
	s17 =	sand.u32 @!p0 $0x3FFFFF80, s17  }
0x176: {  	s18 =	simm.s32 @!p0 $0x80;
	s31 =	sadd.s32 $0x1, s31;
	s17 =	sadd.s32 @!p0 $0x200, s17  }
0x177: {  	[tilespmem:s1], [sflag:s0] =	stream.indirect.gather @!p0 [hbm4b:s4+s18], $0x40, s17, s18, $0xb8;
	[tilespmem:$0x16C00] =	vst v63  }
0x178: {  	p0 =	sne.s32 s31, $0xC8  }
.Ltmp1:
0x179: {  	_ = 	snop;
	(pc) =	sbr.rel @p0 .LBB2_2-.Ltmp1, $2  }
0x17a: {  	_ =	sdelay $0x2  }
0x17b: {  	s30 =	sadd.s32 $0x1, s30;
	v39 =	vld [tilespmem:$0x1FFF0]  }
0x17c: {  	_ =	swait.ge [sflag:s24], $0x400  }
0x17d: {  	[sflag:s24] =	ssyncset.done $0x0  }
0x17e: {  	[sflag:s24] =	ssyncadd.s32 $0xFFFFFC00  }
0x17f: {  	_ =	swait.ge [sflag:s24], $0x400  }
0x180: {  	[sflag:s24] =	ssyncset.done $0x0  }
0x181: {  	[sflag:s24] =	ssyncadd.s32 $0xFFFFFC00  }
0x182: {  	_ =	swait.ge [sflag:s24], $0x400  }
0x183: {  	[sflag:s24] =	ssyncset.done $0x0  }
0x184: {  	[sflag:s24] =	ssyncadd.s32 $0xFFFFFC00  }
0x185: {  	_ =	swait.ge [sflag:s24], $0x400  }
0x186: {  	[sflag:s24] =	ssyncset.done $0x0  }
0x187: {  	[sflag:s24] =	ssyncadd.s32 $0xFFFFFC00  }
0x188: {  	_ =	swait.ge [sflag:s24], $0x400  }
0x189: {  	[sflag:s24] =	ssyncset.done $0x0  }
0x18a: {  	[sflag:s24] =	ssyncadd.s32 $0xFFFFFC00  }
0x18b: {  	_ =	swait.ge [sflag:s24], $0x400  }
0x18c: {  	[sflag:s24] =	ssyncset.done $0x0  }
0x18d: {  	[sflag:s24] =	ssyncadd.s32 $0xFFFFFC00  }
0x18e: {  	_ =	swait.ge [sflag:s24], $0x400  }
0x18f: {  	[sflag:s24] =	ssyncset.done $0x0  }
0x190: {  	[sflag:s24] =	ssyncadd.s32 $0xFFFFFC00  }
0x191: {  	_ =	swait.ge [sflag:s24], $0x400  }
0x192: {  	[sflag:s24] =	ssyncset.done $0x0  }
0x193: {  	[sflag:s24] =	ssyncadd.s32 $0xFFFFFC00  }
0x194: {  	_ =	swait.ge [sflag:s25], $0x400  }
0x195: {  	[sflag:s25] =	ssyncset.done $0x0  }
0x196: {  	[sflag:s25] =	ssyncadd.s32 $0xFFFFFC00  }
0x197: {  	_ =	swait.ge [sflag:s25], $0x400  }
0x198: {  	[sflag:s25] =	ssyncset.done $0x0  }
0x199: {  	[sflag:s25] =	ssyncadd.s32 $0xFFFFFC00  }
0x19a: {  	_ =	swait.ge [sflag:s25], $0x400  }
0x19b: {  	[sflag:s25] =	ssyncset.done $0x0  }
0x19c: {  	[sflag:s25] =	ssyncadd.s32 $0xFFFFFC00  }
0x19d: {  	_ =	swait.ge [sflag:s25], $0x400  }
0x19e: {  	[sflag:s25] =	ssyncset.done $0x0  }
0x19f: {  	[sflag:s25] =	ssyncadd.s32 $0xFFFFFC00  }
0x1a0: {  	_ =	swait.ge [sflag:s25], $0x400  }
0x1a1: {  	[sflag:s25] =	ssyncset.done $0x0  }
0x1a2: {  	[sflag:s25] =	ssyncadd.s32 $0xFFFFFC00  }
0x1a3: {  	_ =	swait.ge [sflag:s25], $0x400  }
0x1a4: {  	[sflag:s25] =	ssyncset.done $0x0  }
0x1a5: {  	[sflag:s25] =	ssyncadd.s32 $0xFFFFFC00  }
0x1a6: {  	_ =	swait.ge [sflag:s25], $0x400  }
0x1a7: {  	[sflag:s25] =	ssyncset.done $0x0  }
0x1a8: {  	[sflag:s25] =	ssyncadd.s32 $0xFFFFFC00  }
0x1a9: {  	_ =	swait.ge [sflag:s25], $0x400  }
0x1aa: {  	[sflag:s25] =	ssyncset.done $0x0  }
0x1ab: {  	[sflag:s25] =	ssyncadd.s32 $0xFFFFFC00  }
0x1ac: {  	_ =	swait.ge [sflag:s26], $0x400  }
0x1ad: {  	[sflag:s26] =	ssyncset.done $0x0  }
0x1ae: {  	[sflag:s26] =	ssyncadd.s32 $0xFFFFFC00  }
0x1af: {  	_ =	swait.ge [sflag:s26], $0x400  }
0x1b0: {  	[sflag:s26] =	ssyncset.done $0x0  }
0x1b1: {  	[sflag:s26] =	ssyncadd.s32 $0xFFFFFC00  }
0x1b2: {  	_ =	swait.ge [sflag:s26], $0x400  }
0x1b3: {  	[sflag:s26] =	ssyncset.done $0x0  }
0x1b4: {  	[sflag:s26] =	ssyncadd.s32 $0xFFFFFC00  }
0x1b5: {  	_ =	swait.ge [sflag:s26], $0x400  }
0x1b6: {  	[sflag:s26] =	ssyncset.done $0x0  }
0x1b7: {  	[sflag:s26] =	ssyncadd.s32 $0xFFFFFC00  }
0x1b8: {  	_ =	swait.ge [sflag:s26], $0x400  }
0x1b9: {  	[sflag:s26] =	ssyncset.done $0x0  }
0x1ba: {  	[sflag:s26] =	ssyncadd.s32 $0xFFFFFC00  }
0x1bb: {  	_ =	swait.ge [sflag:s26], $0x400  }
0x1bc: {  	[sflag:s26] =	ssyncset.done $0x0  }
0x1bd: {  	[sflag:s26] =	ssyncadd.s32 $0xFFFFFC00  }
0x1be: {  	_ =	swait.ge [sflag:s26], $0x400  }
0x1bf: {  	[sflag:s26] =	ssyncset.done $0x0  }
0x1c0: {  	[sflag:s26] =	ssyncadd.s32 $0xFFFFFC00  }
0x1c1: {  	_ =	swait.ge [sflag:s26], $0x400  }
0x1c2: {  	[sflag:s26] =	ssyncset.done $0x0  }
0x1c3: {  	[sflag:s26] =	ssyncadd.s32 $0xFFFFFC00  }
0x1c4: {  	_ =	swait.ge [sflag:s28], $0x400  }
0x1c5: {  	[sflag:s28] =	ssyncset.done $0x0  }
0x1c6: {  	[sflag:s28] =	ssyncadd.s32 $0xFFFFFC00  }
0x1c7: {  	_ =	swait.ge [sflag:s28], $0x400  }
0x1c8: {  	[sflag:s28] =	ssyncset.done $0x0  }
0x1c9: {  	[sflag:s28] =	ssyncadd.s32 $0xFFFFFC00  }
0x1ca: {  	_ =	swait.ge [sflag:s28], $0x400  }
0x1cb: {  	[sflag:s28] =	ssyncset.done $0x0  }
0x1cc: {  	[sflag:s28] =	ssyncadd.s32 $0xFFFFFC00  }
0x1cd: {  	_ =	swait.ge [sflag:s28], $0x400  }
0x1ce: {  	[sflag:s28] =	ssyncset.done $0x0  }
0x1cf: {  	[sflag:s28] =	ssyncadd.s32 $0xFFFFFC00  }
0x1d0: {  	_ =	swait.ge [sflag:s28], $0x400  }
0x1d1: {  	[sflag:s28] =	ssyncset.done $0x0  }
0x1d2: {  	[sflag:s28] =	ssyncadd.s32 $0xFFFFFC00  }
0x1d3: {  	_ =	swait.ge [sflag:s28], $0x400  }
0x1d4: {  	[sflag:s28] =	ssyncset.done $0x0  }
0x1d5: {  	s29 =	sadd.s32 $0x1, s29;
	[sflag:s28] =	ssyncadd.s32 $0xFFFFFC00  }
0x1d6: {  	p0 =	sne.s32 s29, s14;
	_ =	swait.ge [sflag:s28], $0x400  }
.Ltmp2:
0x1d7: {  	[sflag:s28] =	ssyncset.done $0x0;
	(pc) =	sbr.rel @p0 .LBB2_1-.Ltmp2, $4  }
0x1d8: {  	[sflag:s28] =	ssyncadd.s32 $0xFFFFFC00  }
0x1d9: {  	_ =	swait.ge [sflag:s28], $0x400  }
0x1da: {  	[sflag:s28] =	ssyncset.done $0x0  }
0x1db: {  	[sflag:s28] =	ssyncadd.s32 $0xFFFFFC00  }
0x1dc: {  	_ =	sfence.sel $0x180000  }
0x1dd: {  	[bflag:$0x0] =	sbarrier.arrive $0xFFFF  }
0x1de: {  	_ =	strace $0x90000047  }
0x1df: {  	s0 =	stileid.u32;
	[bflag:$0x2] =	sbarrier.arrive $0xFFFF  }
0x1e0: {  	p0 =	sne.s32 s0, $0x0;
	s0 =	rddreg [dreg:$0x3]  }
0x1e1: {  	s0 =	sadd.s32 @!p0 $0x100000, s0  }
0x1e2: {  	[sflag:s0] =	ssyncadd.tile.s32 @!p0 $0x1;
	_ =	shalt  }
.Lfunc_end2:
_tile_overlayer_lowered:
.L_overlay_start_2:
0x1e3: {  	(tag) =	ssettag $0x2  }
0x1e4: {  	s0 =	rddreg [dreg:$0x0];
	s2 =	stileid.u32  }
0x1e5: {  	s1 =	rddreg [dreg:$0x1];
	p0 =	sne.s32 s2, $0x0  }
0x1e6: {  	s3 =	rddreg [dreg:$0x2];
	[bflag:$0x3] =	sbarrier.arrive $0xFFFF;
	s2 =	simm.s32 @!p0 $0x1C09  }
0x1e7: {  	[timem:s3], [sflag:s2] =	dma.local @!p0 [hbm:s0], s1  }
0x1e8: {  	s0 =	simm.s32 @!p0 $0x9  }
0x1e9: {  	_ =	swait.ge @!p0 [sflag:s0], s1  }
0x1ea: {  	s1 =	ssub.s32 @!p0 $0x0, s1;
	[sflag:s0] =	ssyncset.done @!p0 $0x0  }
0x1eb: {  	[sflag:s0] =	ssyncadd.s32 @!p0 s1  }
0x1ec: {  	[bflag:$0x3] =	sbarrier.arrive $0xFFFF  }
0x1ed: {  	_ =	shalt  }

</sc_bundles>
